<compile_context>
chip_gen: v7x
topology: tpu7x:2x2x1
jax: 0.10.2.dev20260603
libtpu: 0.0.44.dev20260713+nightly
codegen_flags: <defaults>
</compile_context>

<pallas_src>
import functools

import jax
import jax.numpy as jnp
import numpy as np
from jax import lax
from jax.experimental import pallas as pl
from jax.experimental.pallas import tpu as pltpu
from jax.experimental.pallas import tpu_sc as plsc

_L = 8192
_B = 32
_K = 32
_EPS = 0.1
_CBUF = 512
_NINF = float("-inf")
_LN2 = 0.6931471805599453
_LN_EPS = float(np.log(_EPS))
_C_GOLD = float((1.0 - _EPS) * np.log(1.0 - _EPS))


def _lane():
    return lax.broadcasted_iota(jnp.int32, (16,), 0)


def _perm(v, idx):
    return lax.gather(
        v, idx[:, None],
        dimension_numbers=lax.GatherDimensionNumbers(
            offset_dims=(), collapsed_slice_dims=(0,), start_index_map=(0,)),
        slice_sizes=(1,), mode=lax.GatherScatterMode.PROMISE_IN_BOUNDS)


def _splat_max(v):
    lane = _lane()
    for sh in (8, 4, 2, 1):
        v = jnp.maximum(v, _perm(v, lane ^ sh))
    return v


def _popcount(mask):
    return plsc.all_reduce_population_count(mask)


def _softlog(x):
    bits = lax.bitcast_convert_type(x, jnp.int32)
    e = lax.shift_right_logical(bits, 23) & 0xFF
    e = e - 127
    m = lax.bitcast_convert_type((bits & 0x007FFFFF) | 0x3F800000, jnp.float32)
    big = m > 1.5
    m = jnp.where(big, m * 0.5, m)
    e = e + big.astype(jnp.int32)
    t = (m - 1.0) / (m + 1.0)
    t2 = t * t
    p = 2.0 * t * (1.0 + t2 * (1.0 / 3.0 + t2 * (1.0 / 5.0 + t2 * (1.0 / 7.0))))
    return e.astype(jnp.float32) * _LN2 + p


def _scan_rows(xs, xe, cvs, cis, cve, cie):
    lane = _lane()
    ninf = jnp.full((16,), _NINF, jnp.float32)

    def gbody(g, c):
        m1s, m2s, m1e, m2e = c
        accs = ninf
        acce = ninf
        base = g * 512
        for k in range(32):
            accs = jnp.maximum(accs, xs[pl.ds(base + k * 16, 16)])
            acce = jnp.maximum(acce, xe[pl.ds(base + k * 16, 16)])
        m2s = jnp.maximum(m2s, jnp.minimum(m1s, accs))
        m1s = jnp.maximum(m1s, accs)
        m2e = jnp.maximum(m2e, jnp.minimum(m1e, acce))
        m1e = jnp.maximum(m1e, acce)
        return m1s, m2s, m1e, m2e

    _, m2s, _, m2e = lax.fori_loop(0, 16, gbody, (ninf, ninf, ninf, ninf))
    thr_s = -jnp.max(-m2s)
    thr_e = -jnp.max(-m2e)

    def cb(i, c):
        offs, offe = c
        vss = [xs[pl.ds((i * 8 + u) * 16, 16)] for u in range(8)]
        ves = [xe[pl.ds((i * 8 + u) * 16, 16)] for u in range(8)]
        mss = [v >= thr_s for v in vss]
        mes = [v >= thr_e for v in ves]
        pcs = [_popcount(m)[0] for m in mss]
        pce = [_popcount(m)[0] for m in mes]
        for u in range(8):
            ii = i * 8 + u
            plsc.store_compressed(cvs.at[pl.ds(offs, 16)], vss[u],
                                  mask=mss[u])
            plsc.store_compressed(cis.at[pl.ds(offs, 16)], lane + ii * 16,
                                  mask=mss[u])
            offs = offs + pcs[u]
            plsc.store_compressed(cve.at[pl.ds(offe, 16)], ves[u],
                                  mask=mes[u])
            plsc.store_compressed(cie.at[pl.ds(offe, 16)], lane + ii * 16,
                                  mask=mes[u])
            offe = offe + pce[u]
        return jnp.minimum(offs, _CBUF - 128), jnp.minimum(offe, _CBUF - 128)

    offs, offe = lax.fori_loop(0, 64, cb, (jnp.int32(0), jnp.int32(0)))
    cvs[pl.ds(offs, 16)] = ninf
    cve[pl.ds(offe, 16)] = ninf
    return offs, offe


def _extract32(cval, cidx, off, spos, sval, res_off):
    lane = _lane()
    ninf = jnp.full((16,), _NINF, jnp.float32)
    nv = lax.shift_right_logical(off + 15, 4)
    zi = jnp.zeros((16,), jnp.int32)

    def build(j, c):
        pv0, pv1 = c
        m = _splat_max(cval[pl.ds(j * 16, 16)])
        sel = lane == (j % 16)
        lo = j < 16
        pv0 = jnp.where(lo & sel, m, pv0)
        pv1 = jnp.where((~lo) & sel, m, pv1)
        return pv0, pv1

    pv0, pv1 = lax.fori_loop(0, nv, build, (ninf, ninf))

    def tb2(t, c):
        p0, p1, v0, v1, pv0, pv1 = c
        tmax = _splat_max(jnp.maximum(pv0, pv1))
        in0 = pv0 == tmax
        u0 = _popcount(in0)[0] > 0
        eqv = jnp.where(u0, in0, pv1 == tmax)
        jf = jnp.clip(plsc.all_reduce_ffs(eqv), 0, 15)[0]
        js = jnp.where(u0, jf, jf + 16)
        v = cval[pl.ds(js * 16, 16)]
        eq = v == tmax
        ff = jnp.clip(plsc.all_reduce_ffs(eq), 0, 15)
        sel = eq & (lane == ff)
        vnew = jnp.where(sel, _NINF, v)
        cval[pl.ds(js * 16, 16)] = vnew
        pos = _perm(cidx[pl.ds(js * 16, 16)], ff)
        mnew = _splat_max(vnew)
        selv = lane == (js % 16)
        pv0 = jnp.where((js < 16) & selv, mnew, pv0)
        pv1 = jnp.where((js >= 16) & selv, mnew, pv1)
        sel_lane = lane == (t % 16)
        lo = t < 16
        p0 = jnp.where(lo & sel_lane, pos, p0)
        p1 = jnp.where((~lo) & sel_lane, pos, p1)
        v0 = jnp.where(lo & sel_lane, tmax, v0)
        v1 = jnp.where((~lo) & sel_lane, tmax, v1)
        return p0, p1, v0, v1, pv0, pv1

    p0, p1, v0, v1, _, _ = lax.fori_loop(0, 32, tb2,
                                         (zi, zi, ninf, ninf, pv0, pv1))
    spos[pl.ds(res_off, 16)] = p0
    spos[pl.ds(res_off + 16, 16)] = p1
    sval[pl.ds(res_off, 16)] = v0
    sval[pl.ds(res_off + 16, 16)] = v1


def _sc_body(sl, el, gs, gl, out, xs, xe, gsb, glb, cvs, cis, cve, cie, spos,
             sval, outv):
    lane = _lane()
    ninf = jnp.full((16,), _NINF, jnp.float32)
    b = lax.axis_index("s") * 2 + lax.axis_index("c")

    pltpu.sync_copy(sl.at[b], xs)
    pltpu.sync_copy(el.at[b], xe)
    gbase = lax.shift_right_logical(b, 1) * 8
    pltpu.sync_copy(gs.at[pl.ds(gbase, 8)], gsb.at[pl.ds(0, 8)])
    pltpu.sync_copy(gl.at[pl.ds(gbase, 8)], glb.at[pl.ds(0, 8)])

    for ref in (xs, xe):
        v = ref[pl.ds(0, 16)]
        ref[pl.ds(0, 16)] = jnp.where(lane == 0, _NINF, v)
        v = ref[pl.ds(_L - 16, 16)]
        ref[pl.ds(_L - 16, 16)] = jnp.where(lane == 15, _NINF, v)

    off_s, off_e = _scan_rows(xs, xe, cvs, cis, cve, cie)
    _extract32(cvs, cis, off_s, spos, sval, 0)
    _extract32(cve, cie, off_e, spos, sval, 32)

    gsv = gsb[pl.ds(0, 16)]
    glv = glb[pl.ds(0, 16)]
    odd = (b % 2) == 1
    s0 = [jnp.where(odd, gsv[4 + q], gsv[q]) for q in range(4)]
    gln = [jnp.where(odd, glv[4 + q], glv[q]) for q in range(4)]
    e0 = [s0[q] + gln[q] for q in range(4)]
    gok = [(s0[q] >= 0) & (s0[q] <= e0[q]) & (e0[q] < _L) for q in range(4)]
    um = [gok[0]]
    for q in range(1, 4):
        dupq = (gok[0] & (s0[0] == s0[q]) & (e0[0] == e0[q]))
        for j in range(1, q):
            dupq = dupq | (gok[j] & (s0[j] == s0[q]) & (e0[j] == e0[q]))
        um.append(gok[q] & ~dupq)

    ep0 = spos[pl.ds(32, 16)]
    ep1 = spos[pl.ds(48, 16)]
    ev0 = sval[pl.ds(32, 16)]
    ev1 = sval[pl.ds(48, 16)]

    def e1(i, c):
        mx, okv = c
        fi = jnp.full((16,), i, jnp.int32)
        sp = plsc.load_gather(spos, [fi])
        sv = plsc.load_gather(sval, [fi])
        for ep, ev in ((ep0, ev0), (ep1, ev1)):
            d = ep - sp
            ok = (d >= 0) & (d <= 15)
            sc = sv + ev
            mx = jnp.maximum(mx, jnp.where(ok, sc, _NINF))
            okv = okv + ok.astype(jnp.int32)
        return mx, okv

    mxv, okv = lax.fori_loop(0, 32, e1, (ninf, jnp.zeros((16,), jnp.int32)))
    okcnt = jnp.sum(okv)
    mxs = jnp.max(mxv)

    s0v = jnp.where(lane == 0, s0[0], jnp.where(lane == 1, s0[1],
          jnp.where(lane == 2, s0[2], s0[3])))
    e0v = jnp.where(lane == 0, e0[0], jnp.where(lane == 1, e0[1],
          jnp.where(lane == 2, e0[2], e0[3])))
    gxs = plsc.load_gather(xs, [jnp.clip(s0v, 0, _L - 1)])
    gxe = plsc.load_gather(xe, [jnp.clip(e0v, 0, _L - 1)])
    glog = gxs + gxe
    gq = [glog[q] for q in range(4)]

    mxa = mxs
    for q in range(4):
        mxa = jnp.maximum(mxa, jnp.where(um[q], gq[q], _NINF))

    def e2(i, sacc):
        fi = jnp.full((16,), i, jnp.int32)
        sp = plsc.load_gather(spos, [fi])
        sv = plsc.load_gather(sval, [fi])
        for ep, ev in ((ep0, ev0), (ep1, ev1)):
            d = ep - sp
            ok = (d >= 0) & (d <= 15)
            sc = sv + ev
            sacc = sacc + jnp.where(ok, jnp.exp(sc - mxa), 0.0)
        return sacc

    sumexp_c = jnp.sum(lax.fori_loop(0, 32, e2, jnp.zeros((16,), jnp.float32)))

    qlane = lax.shift_right_logical(lane, 2)
    dlane = lane & 3
    pa = jnp.where(qlane == 0, s0[0], jnp.where(qlane == 1, s0[1],
         jnp.where(qlane == 2, s0[2], s0[3])))
    pb = jnp.where(qlane == 0, e0[0], jnp.where(qlane == 1, e0[1],
         jnp.where(qlane == 2, e0[2], e0[3])))
    da = jnp.where(dlane == 0, -1, jnp.where(dlane == 1, 1, 0))
    db = jnp.where(dlane == 2, -1, jnp.where(dlane == 3, 1, 0))
    pa = pa + da
    pb = pb + db
    ga = jnp.where(lane < 4, s0v, -1)
    gb = jnp.where(lane < 4, e0v, -1)

    fvec = jnp.zeros((16,), jnp.int32) == 1

    def mem(t, c):
        insp, inep, insg, ineg = c
        ft = jnp.full((16,), t, jnp.int32)
        ss = plsc.load_gather(spos, [ft])
        ee = plsc.load_gather(spos, [ft + 32])
        insp = insp | (pa == ss)
        inep = inep | (pb == ee)
        insg = insg | (ga == ss)
        ineg = ineg | (gb == ee)
        return insp, inep, insg, ineg

    insp, inep, insg, ineg = lax.fori_loop(0, 32, mem, (fvec, fvec, fvec, fvec))

    okp = ((pb - pa) >= 0) & ((pb - pa) <= 15)
    okg = ((gb - ga) >= 0) & ((gb - ga) <= 15)
    gm = fvec
    for q in range(4):
        gm = gm | ((pa == s0[q]) & (pb == e0[q]) & gok[q])
    present = gm | (insp & inep & okp)
    candg = insg & ineg & okg

    nlog = (plsc.load_gather(xs, [jnp.clip(pa, 0, _L - 1)])
            + plsc.load_gather(xe, [jnp.clip(pb, 0, _L - 1)]))

    umv = jnp.where(lane == 0, um[0], jnp.where(lane == 1, um[1],
          jnp.where(lane == 2, um[2], jnp.where(lane == 3, um[3], fvec))))
    gadd = umv & (~candg) & (lane < 4)
    sumexp = sumexp_c + jnp.sum(jnp.where(gadd, jnp.exp(glog - mxa), 0.0))

    lse = mxa + _softlog(jnp.full((16,), sumexp, jnp.float32))[0]

    tot = jnp.float32(0.0)
    cnt = jnp.int32(0)
    for q in range(4):
        grp = present & (qlane == q)
        n = jnp.sum(grp.astype(jnp.int32))
        snb = jnp.sum(jnp.where(grp, nlog, 0.0))
        logn = jnp.where(n == 2, jnp.float32(np.log(2.0)),
               jnp.where(n == 3, jnp.float32(np.log(3.0)),
               jnp.where(n == 4, jnp.float32(np.log(4.0)), jnp.float32(0.0))))
        epsn = jnp.where(n == 2, jnp.float32(_EPS / 2),
               jnp.where(n == 3, jnp.float32(_EPS / 3),
               jnp.where(n == 4, jnp.float32(_EPS / 4), jnp.float32(_EPS))))
        c1 = _C_GOLD + _EPS * (_LN_EPS - logn)
        kl0 = lse - gq[q]
        kln = c1 + lse - (1.0 - _EPS) * gq[q] - epsn * snb
        kl = jnp.where(n == 0, kl0, kln)
        use = gok[q] & (okcnt > 0)
        tot = tot + jnp.where(use, kl, 0.0)
        cnt = cnt + use.astype(jnp.int32)

    outv[pl.ds(0, 16)] = jnp.where(
        lane == 0, tot, jnp.where(lane == 1, cnt.astype(jnp.float32), 0.0))
    pltpu.sync_copy(outv, out.at[b])


@jax.jit
def _launch(start_logits, end_logits, gs_flat, gl_flat):
    mesh = plsc.VectorSubcoreMesh(core_axis_name="c", subcore_axis_name="s", num_cores=2, num_subcores=16)
    f = functools.partial(
        pl.kernel,
        out_type=jax.ShapeDtypeStruct((_B, 16), jnp.float32),
        mesh=mesh,
        scratch_types=[
            pltpu.VMEM((_L,), jnp.float32),
            pltpu.VMEM((_L,), jnp.float32),
            pltpu.VMEM((16,), jnp.int32),
            pltpu.VMEM((16,), jnp.int32),
            pltpu.VMEM((_CBUF,), jnp.float32),
            pltpu.VMEM((_CBUF,), jnp.int32),
            pltpu.VMEM((_CBUF,), jnp.float32),
            pltpu.VMEM((_CBUF,), jnp.int32),
            pltpu.VMEM((64,), jnp.int32),
            pltpu.VMEM((64,), jnp.float32),
            pltpu.VMEM((16,), jnp.float32),
        ],
        compiler_params=pltpu.CompilerParams(needs_layout_passes=False),
    )(_sc_body)
    return f(start_logits, end_logits, gs_flat, gl_flat)


def kernel(start_logits, end_logits, gold_start, gold_len):
    gs_flat = gold_start.astype(jnp.int32).reshape(-1)
    gl_flat = gold_len.astype(jnp.int32).reshape(-1)
    out = _launch(start_logits, end_logits, gs_flat, gl_flat)
    tot = jnp.sum(out[:, 0])
    cnt = jnp.sum(out[:, 1])
    return jnp.where(cnt > 0, tot / jnp.maximum(cnt, 1.0), jnp.float32(0.0))

# --- scband reference (transcript-rebuilt; emitter-appended) ---
"""Pipeline reference for scband-span-boundary-smooth-kldiv-loss-13864154431994 (READ-ONLY COPY).

The authoritative reference and input builder live on the scoring server;
editing this copy changes nothing except your own understanding.
"""

import jax, jax.numpy as jnp
import numpy as np

TOPK_SPAN = 32
MAX_SPAN_LENGTH = 16
MAX_CANDIDATE_SPANS_PER_SAMPLE_FOR_KL_LOSS = 128
EPSILON = 0.1
D_SMOOTH = 1

_P_TABLE = np.array(
    [0.0] + [EPSILON / n for n in range(1, MAX_CANDIDATE_SPANS_PER_SAMPLE_FOR_KL_LOSS + 1)],
    dtype=np.float32)


def setup_inputs(seed: int = 0):
    key = jax.random.key(seed)
    k1, k2, k3, k4 = jax.random.split(key, 4)
    B, L, Q = 32, 8192, 4
    start_logits = jax.random.normal(k1, (B, L), dtype=jnp.float32)
    end_logits = jax.random.normal(k2, (B, L), dtype=jnp.float32)
    gold_start = jax.random.randint(k3, (B, Q), 0, 8174).astype(jnp.int64)
    gold_len = jax.random.randint(k4, (B, Q), 0, 16).astype(jnp.int64)
    return {"start_logits": start_logits, "end_logits": end_logits,
            "gold_start": gold_start, "gold_len": gold_len}


def _sample_loss(csl, cel, gsb, glb):
    L = csl.shape[0]
    Q = gsb.shape[0]
    K = min(TOPK_SPAN, L - 2)
    M = MAX_CANDIDATE_SPANS_PER_SAMPLE_FOR_KL_LOSS
    s0 = gsb.astype(jnp.int32)
    e0 = (gsb + glb).astype(jnp.int32)
    gok = (s0 >= 0) & (s0 <= e0) & (e0 < L)
    _, ts = jax.lax.top_k(csl[1:L - 1], K)
    _, te = jax.lax.top_k(cel[1:L - 1], K)
    si = jnp.repeat(ts + 1, K)
    ei = jnp.tile(te + 1, K)
    ok = (si <= ei) & (ei - si + 1 <= MAX_SPAN_LENGTH)
    sort_key = jnp.where(ok, -(csl[si] + cel[ei]), jnp.inf)
    order = jnp.argsort(sort_key, stable=True)
    si = si[order]
    ei = ei[order]
    ok = ok[order]
    same = (s0[:, None] == s0[None, :]) & (e0[:, None] == e0[None, :]) & gok[None, :]
    dup = jnp.any(same & jnp.tril(jnp.ones((Q, Q), dtype=bool), k=-1), axis=1)
    um = gok & ~dup
    gpos = jnp.cumsum(um.astype(jnp.int32)) - 1
    ng = jnp.sum(um.astype(jnp.int32))
    in_gold = jnp.any((si[:, None] == s0[None, :]) & (ei[:, None] == e0[None, :]) & gok[None, :], axis=1)
    acc = ok & ~in_gold
    cpos = ng + jnp.cumsum(acc.astype(jnp.int32)) - 1
    place = acc & (cpos < M)
    span_s = jnp.zeros((M,), jnp.int32)
    span_e = jnp.zeros((M,), jnp.int32)
    gidx = jnp.where(um, gpos, M)
    span_s = span_s.at[gidx].set(s0, mode='drop')
    span_e = span_e.at[gidx].set(e0, mode='drop')
    cidx = jnp.where(place, cpos, M)
    span_s = span_s.at[cidx].set(si, mode='drop')
    span_e = span_e.at[cidx].set(ei, mode='drop')
    nfinal = ng + jnp.sum(place.astype(jnp.int32))
    slot = jnp.arange(M)
    valid = slot < nfinal
    sample_valid = jnp.any(ok)
    logits = jnp.where(valid, csl[span_s] + cel[span_e], -jnp.inf)
    logp = jax.nn.log_softmax(logits, axis=0)
    ptab = jnp.asarray(_P_TABLE)
    total = jnp.asarray(0.0, dtype=jnp.float32)
    count = jnp.asarray(0, dtype=jnp.int32)
    for q in range(Q):
        match = valid & (span_s == s0[q]) & (span_e == e0[q])
        gi = jnp.argmax(match)
        nb = valid & (slot != gi) & (jnp.abs(s0[q] - span_s) + jnp.abs(e0[q] - span_e) <= D_SMOOTH)
        n = jnp.sum(nb.astype(jnp.int32))
        td = jnp.where(nb, ptab[n], jnp.float32(0.0))
        td = td.at[gi].set(jnp.where(n > 0, jnp.float32(1.0 - EPSILON), jnp.float32(1.0)))
        ssum = jnp.sum(td)
        td = td / jnp.where(ssum > 1e-6, ssum, jnp.float32(1.0))
        kl = jnp.sum(jnp.where(td > 0, td * (jnp.log(jnp.where(td > 0, td, 1.0)) - logp), 0.0))
        use = gok[q] & sample_valid & jnp.any(match) & (ssum > 1e-6)
        total = total + jnp.where(use, kl, jnp.float32(0.0))
        count = count + use.astype(jnp.int32)
    return total, count


def reference(start_logits, end_logits, gold_start, gold_len):
    totals, counts = jax.vmap(_sample_loss)(start_logits, end_logits, gold_start, gold_len)
    total = jnp.sum(totals)
    count = jnp.sum(counts)
    return jnp.where(count > 0, total / jnp.maximum(count, 1),
                     jnp.asarray(0.0, dtype=jnp.float32))

if __name__ == "__main__":
    import jax
    _d = setup_inputs()
    print(jax.jit(kernel)(*tuple(_d.values())))

</pallas_src>

<mosaic_0001>
#map = affine_map<(d0, d1) -> (0, 0)>
#map1 = affine_map<(d0, d1) -> (0)>
module attributes {stable_mosaic.version = 14 : i64} {
  func.func @_sc_body(%arg0: i32, %arg1: i32, %arg2: memref<32x8192xf32, #tpu.memory_space<hbm>>, %arg3: memref<32x8192xf32, #tpu.memory_space<hbm>>, %arg4: memref<128xi32, #tpu.memory_space<hbm>>, %arg5: memref<128xi32, #tpu.memory_space<hbm>>, %arg6: memref<32x16xf32, #tpu.memory_space<hbm>>, %arg7: memref<8192xf32, #tpu.memory_space<vmem>>, %arg8: memref<8192xf32, #tpu.memory_space<vmem>>, %arg9: memref<16xi32, #tpu.memory_space<vmem>>, %arg10: memref<16xi32, #tpu.memory_space<vmem>>, %arg11: memref<512xf32, #tpu.memory_space<vmem>>, %arg12: memref<512xi32, #tpu.memory_space<vmem>>, %arg13: memref<512xf32, #tpu.memory_space<vmem>>, %arg14: memref<512xi32, #tpu.memory_space<vmem>>, %arg15: memref<64xi32, #tpu.memory_space<vmem>>, %arg16: memref<64xf32, #tpu.memory_space<vmem>>, %arg17: memref<16xf32, #tpu.memory_space<vmem>>) attributes {dimension_semantics = [#tpu.dimension_semantics<core_parallel>, #tpu.dimension_semantics<subcore_parallel>], iteration_bounds = array<i64: 2, 16>, scalar_prefetch = 0 : i64, scratch_operands = 11 : i64, tpu.core_type = #tpu.core_type<sc_vector_subcore>, window_params = [{transform_indices = #map}, {transform_indices = #map}, {transform_indices = #map1}, {transform_indices = #map1}, {transform_indices = #map}]} {
    %iota3A = tpu.iota {dimensions = array<i32: 0>} : vector<16xi32>
    %broadcast_in_dim3A = arith.constant 0xFF800000 : f32
    %broadcast_in_dim3A_0 = vector.broadcast %broadcast_in_dim3A : f32 to vector<16xf32>
    %mul3A = arith.constant 2 : i32
    %mul3A_1 = arith.muli %arg1, %mul3A : i32
    %add3A = arith.addi %mul3A_1, %arg0 : i32
    "tpu.region"() ({
      %run_scoped3A = tpu.sem_alloc : memref<!tpu.dma_semaphore, #tpu.memory_space<semaphore_mem>>
      %dma_start3A = arith.constant 0 : i32
      %dma_start3A_897 = tpu.memref_slice %arg2[%add3A, %dma_start3A] : memref<32x8192xf32, #tpu.memory_space<hbm>> -> memref<1x8192xf32, #tpu.memory_space<hbm>>
      %dma_start3A_898 = tpu.memref_squeeze %dma_start3A_897 : memref<1x8192xf32, #tpu.memory_space<hbm>> -> memref<8192xf32, #tpu.memory_space<hbm>>
      %dma_start3A_899 = arith.constant 0 : i32
      %dma_start3A_900 = tpu.memref_slice %arg2[%add3A, %dma_start3A_899] : memref<32x8192xf32, #tpu.memory_space<hbm>> -> memref<1x8192xf32, #tpu.memory_space<hbm>>
      %dma_start3A_901 = tpu.memref_squeeze %dma_start3A_900 : memref<1x8192xf32, #tpu.memory_space<hbm>> -> memref<8192xf32, #tpu.memory_space<hbm>>
      tpu.enqueue_dma source(%dma_start3A_901 : memref<8192xf32, #tpu.memory_space<hbm>>) target(%arg7 : memref<8192xf32, #tpu.memory_space<vmem>>) target_semaphore(%run_scoped3A : memref<!tpu.dma_semaphore, #tpu.memory_space<semaphore_mem>>)
      %dma_wait3A = arith.constant 0 : i32
      %dma_wait3A_902 = tpu.memref_slice %arg2[%add3A, %dma_wait3A] : memref<32x8192xf32, #tpu.memory_space<hbm>> -> memref<1x8192xf32, #tpu.memory_space<hbm>>
      %dma_wait3A_903 = tpu.memref_squeeze %dma_wait3A_902 : memref<1x8192xf32, #tpu.memory_space<hbm>> -> memref<8192xf32, #tpu.memory_space<hbm>>
      %dma_wait3A_904 = arith.constant 0 : i32
      %dma_wait3A_905 = tpu.memref_slice %arg2[%add3A, %dma_wait3A_904] : memref<32x8192xf32, #tpu.memory_space<hbm>> -> memref<1x8192xf32, #tpu.memory_space<hbm>>
      %dma_wait3A_906 = tpu.memref_squeeze %dma_wait3A_905 : memref<1x8192xf32, #tpu.memory_space<hbm>> -> memref<8192xf32, #tpu.memory_space<hbm>>
      tpu.wait_dma2 semaphore(%run_scoped3A : memref<!tpu.dma_semaphore, #tpu.memory_space<semaphore_mem>>) src(%dma_wait3A_906 : memref<8192xf32, #tpu.memory_space<hbm>>) dst(%arg7 : memref<8192xf32, #tpu.memory_space<vmem>>)
      tpu.yield
    }) : () -> ()
    "tpu.region"() ({
      %run_scoped3A = tpu.sem_alloc : memref<!tpu.dma_semaphore, #tpu.memory_space<semaphore_mem>>
      %dma_start3A = arith.constant 0 : i32
      %dma_start3A_897 = tpu.memref_slice %arg3[%add3A, %dma_start3A] : memref<32x8192xf32, #tpu.memory_space<hbm>> -> memref<1x8192xf32, #tpu.memory_space<hbm>>
      %dma_start3A_898 = tpu.memref_squeeze %dma_start3A_897 : memref<1x8192xf32, #tpu.memory_space<hbm>> -> memref<8192xf32, #tpu.memory_space<hbm>>
      %dma_start3A_899 = arith.constant 0 : i32
      %dma_start3A_900 = tpu.memref_slice %arg3[%add3A, %dma_start3A_899] : memref<32x8192xf32, #tpu.memory_space<hbm>> -> memref<1x8192xf32, #tpu.memory_space<hbm>>
      %dma_start3A_901 = tpu.memref_squeeze %dma_start3A_900 : memref<1x8192xf32, #tpu.memory_space<hbm>> -> memref<8192xf32, #tpu.memory_space<hbm>>
      tpu.enqueue_dma source(%dma_start3A_901 : memref<8192xf32, #tpu.memory_space<hbm>>) target(%arg8 : memref<8192xf32, #tpu.memory_space<vmem>>) target_semaphore(%run_scoped3A : memref<!tpu.dma_semaphore, #tpu.memory_space<semaphore_mem>>)
      %dma_wait3A = arith.constant 0 : i32
      %dma_wait3A_902 = tpu.memref_slice %arg3[%add3A, %dma_wait3A] : memref<32x8192xf32, #tpu.memory_space<hbm>> -> memref<1x8192xf32, #tpu.memory_space<hbm>>
      %dma_wait3A_903 = tpu.memref_squeeze %dma_wait3A_902 : memref<1x8192xf32, #tpu.memory_space<hbm>> -> memref<8192xf32, #tpu.memory_space<hbm>>
      %dma_wait3A_904 = arith.constant 0 : i32
      %dma_wait3A_905 = tpu.memref_slice %arg3[%add3A, %dma_wait3A_904] : memref<32x8192xf32, #tpu.memory_space<hbm>> -> memref<1x8192xf32, #tpu.memory_space<hbm>>
      %dma_wait3A_906 = tpu.memref_squeeze %dma_wait3A_905 : memref<1x8192xf32, #tpu.memory_space<hbm>> -> memref<8192xf32, #tpu.memory_space<hbm>>
      tpu.wait_dma2 semaphore(%run_scoped3A : memref<!tpu.dma_semaphore, #tpu.memory_space<semaphore_mem>>) src(%dma_wait3A_906 : memref<8192xf32, #tpu.memory_space<hbm>>) dst(%arg8 : memref<8192xf32, #tpu.memory_space<vmem>>)
      tpu.yield
    }) : () -> ()
    %shift_right_logical3A = arith.constant 1 : i32
    %shift_right_logical3A_2 = arith.shrui %add3A, %shift_right_logical3A : i32
    %mul3A_3 = arith.constant 8 : i32
    %mul3A_4 = arith.muli %shift_right_logical3A_2, %mul3A_3 : i32
    "tpu.region"() ({
      %run_scoped3A = tpu.sem_alloc : memref<!tpu.dma_semaphore, #tpu.memory_space<semaphore_mem>>
      %dma_start3A = arith.constant 0 : i32
      %dma_start3A_897 = tpu.memref_slice %arg9[%dma_start3A] : memref<16xi32, #tpu.memory_space<vmem>> -> memref<8xi32, #tpu.memory_space<vmem>>
      %dma_start3A_898 = tpu.memref_slice %arg4[%mul3A_4] : memref<128xi32, #tpu.memory_space<hbm>> -> memref<8xi32, #tpu.memory_space<hbm>>
      %dma_start3A_899 = arith.constant 0 : i32
      %dma_start3A_900 = tpu.memref_slice %arg9[%dma_start3A_899] : memref<16xi32, #tpu.memory_space<vmem>> -> memref<8xi32, #tpu.memory_space<vmem>>
      %dma_start3A_901 = tpu.memref_slice %arg4[%mul3A_4] : memref<128xi32, #tpu.memory_space<hbm>> -> memref<8xi32, #tpu.memory_space<hbm>>
      tpu.enqueue_dma source(%dma_start3A_901 : memref<8xi32, #tpu.memory_space<hbm>>) target(%dma_start3A_900 : memref<8xi32, #tpu.memory_space<vmem>>) target_semaphore(%run_scoped3A : memref<!tpu.dma_semaphore, #tpu.memory_space<semaphore_mem>>)
      %dma_wait3A = arith.constant 0 : i32
      %dma_wait3A_902 = tpu.memref_slice %arg9[%dma_wait3A] : memref<16xi32, #tpu.memory_space<vmem>> -> memref<8xi32, #tpu.memory_space<vmem>>
      %dma_wait3A_903 = tpu.memref_slice %arg4[%mul3A_4] : memref<128xi32, #tpu.memory_space<hbm>> -> memref<8xi32, #tpu.memory_space<hbm>>
      %dma_wait3A_904 = arith.constant 0 : i32
      %dma_wait3A_905 = tpu.memref_slice %arg9[%dma_wait3A_904] : memref<16xi32, #tpu.memory_space<vmem>> -> memref<8xi32, #tpu.memory_space<vmem>>
      %dma_wait3A_906 = tpu.memref_slice %arg4[%mul3A_4] : memref<128xi32, #tpu.memory_space<hbm>> -> memref<8xi32, #tpu.memory_space<hbm>>
      tpu.wait_dma2 semaphore(%run_scoped3A : memref<!tpu.dma_semaphore, #tpu.memory_space<semaphore_mem>>) src(%dma_wait3A_906 : memref<8xi32, #tpu.memory_space<hbm>>) dst(%dma_wait3A_905 : memref<8xi32, #tpu.memory_space<vmem>>)
      tpu.yield
    }) : () -> ()
    "tpu.region"() ({
      %run_scoped3A = tpu.sem_alloc : memref<!tpu.dma_semaphore, #tpu.memory_space<semaphore_mem>>
      %dma_start3A = arith.constant 0 : i32
      %dma_start3A_897 = tpu.memref_slice %arg10[%dma_start3A] : memref<16xi32, #tpu.memory_space<vmem>> -> memref<8xi32, #tpu.memory_space<vmem>>
      %dma_start3A_898 = tpu.memref_slice %arg5[%mul3A_4] : memref<128xi32, #tpu.memory_space<hbm>> -> memref<8xi32, #tpu.memory_space<hbm>>
      %dma_start3A_899 = arith.constant 0 : i32
      %dma_start3A_900 = tpu.memref_slice %arg10[%dma_start3A_899] : memref<16xi32, #tpu.memory_space<vmem>> -> memref<8xi32, #tpu.memory_space<vmem>>
      %dma_start3A_901 = tpu.memref_slice %arg5[%mul3A_4] : memref<128xi32, #tpu.memory_space<hbm>> -> memref<8xi32, #tpu.memory_space<hbm>>
      tpu.enqueue_dma source(%dma_start3A_901 : memref<8xi32, #tpu.memory_space<hbm>>) target(%dma_start3A_900 : memref<8xi32, #tpu.memory_space<vmem>>) target_semaphore(%run_scoped3A : memref<!tpu.dma_semaphore, #tpu.memory_space<semaphore_mem>>)
      %dma_wait3A = arith.constant 0 : i32
      %dma_wait3A_902 = tpu.memref_slice %arg10[%dma_wait3A] : memref<16xi32, #tpu.memory_space<vmem>> -> memref<8xi32, #tpu.memory_space<vmem>>
      %dma_wait3A_903 = tpu.memref_slice %arg5[%mul3A_4] : memref<128xi32, #tpu.memory_space<hbm>> -> memref<8xi32, #tpu.memory_space<hbm>>
      %dma_wait3A_904 = arith.constant 0 : i32
      %dma_wait3A_905 = tpu.memref_slice %arg10[%dma_wait3A_904] : memref<16xi32, #tpu.memory_space<vmem>> -> memref<8xi32, #tpu.memory_space<vmem>>
      %dma_wait3A_906 = tpu.memref_slice %arg5[%mul3A_4] : memref<128xi32, #tpu.memory_space<hbm>> -> memref<8xi32, #tpu.memory_space<hbm>>
      tpu.wait_dma2 semaphore(%run_scoped3A : memref<!tpu.dma_semaphore, #tpu.memory_space<semaphore_mem>>) src(%dma_wait3A_906 : memref<8xi32, #tpu.memory_space<hbm>>) dst(%dma_wait3A_905 : memref<8xi32, #tpu.memory_space<vmem>>)
      tpu.yield
    }) : () -> ()
    %get3A = arith.constant 0 : index
    %get3A_5 = tpu.vector_load %arg7[%get3A] {strides = array<i32>} : memref<8192xf32, #tpu.memory_space<vmem>>, vector<16xf32>,
    %eq3A = arith.constant 0 : i32
    %eq3A_6 = vector.broadcast %eq3A : i32 to vector<16xi32>
    %eq3A_7 = arith.cmpi eq, %iota3A, %eq3A_6 : vector<16xi32>
    %jit3A = arith.constant 0xFF800000 : f32
    %broadcast_in_dim3A_8 = vector.broadcast %jit3A : f32 to vector<16xf32>
    %select_n3A = arith.select %eq3A_7, %broadcast_in_dim3A_8, %get3A_5 : vector<16xi1>, vector<16xf32>
    %swap3A = arith.constant 0 : index
    %swap3A_9 = tpu.vector_load %arg7[%swap3A] {strides = array<i32>} : memref<8192xf32, #tpu.memory_space<vmem>>, vector<16xf32>,
    tpu.vector_store %arg7[%swap3A], %select_n3A {strides = array<i32>} : memref<8192xf32, #tpu.memory_space<vmem>>, vector<16xf32>,
    %get3A_10 = arith.constant 8176 : index
    %get3A_11 = tpu.vector_load %arg7[%get3A_10] {strides = array<i32>} : memref<8192xf32, #tpu.memory_space<vmem>>, vector<16xf32>,
    %eq3A_12 = arith.constant 15 : i32
    %eq3A_13 = vector.broadcast %eq3A_12 : i32 to vector<16xi32>
    %eq3A_14 = arith.cmpi eq, %iota3A, %eq3A_13 : vector<16xi32>
    %jit3A_15 = arith.constant 0xFF800000 : f32
    %broadcast_in_dim3A_16 = vector.broadcast %jit3A_15 : f32 to vector<16xf32>
    %select_n3A_17 = arith.select %eq3A_14, %broadcast_in_dim3A_16, %get3A_11 : vector<16xi1>, vector<16xf32>
    %swap3A_18 = arith.constant 8176 : index
    %swap3A_19 = tpu.vector_load %arg7[%swap3A_18] {strides = array<i32>} : memref<8192xf32, #tpu.memory_space<vmem>>, vector<16xf32>,
    tpu.vector_store %arg7[%swap3A_18], %select_n3A_17 {strides = array<i32>} : memref<8192xf32, #tpu.memory_space<vmem>>, vector<16xf32>,
    %get3A_20 = arith.constant 0 : index
    %get3A_21 = tpu.vector_load %arg8[%get3A_20] {strides = array<i32>} : memref<8192xf32, #tpu.memory_space<vmem>>, vector<16xf32>,
    %eq3A_22 = arith.constant 0 : i32
    %eq3A_23 = vector.broadcast %eq3A_22 : i32 to vector<16xi32>
    %eq3A_24 = arith.cmpi eq, %iota3A, %eq3A_23 : vector<16xi32>
    %jit3A_25 = arith.constant 0xFF800000 : f32
    %broadcast_in_dim3A_26 = vector.broadcast %jit3A_25 : f32 to vector<16xf32>
    %select_n3A_27 = arith.select %eq3A_24, %broadcast_in_dim3A_26, %get3A_21 : vector<16xi1>, vector<16xf32>
    %swap3A_28 = arith.constant 0 : index
    %swap3A_29 = tpu.vector_load %arg8[%swap3A_28] {strides = array<i32>} : memref<8192xf32, #tpu.memory_space<vmem>>, vector<16xf32>,
    tpu.vector_store %arg8[%swap3A_28], %select_n3A_27 {strides = array<i32>} : memref<8192xf32, #tpu.memory_space<vmem>>, vector<16xf32>,
    %get3A_30 = arith.constant 8176 : index
    %get3A_31 = tpu.vector_load %arg8[%get3A_30] {strides = array<i32>} : memref<8192xf32, #tpu.memory_space<vmem>>, vector<16xf32>,
    %eq3A_32 = arith.constant 15 : i32
    %eq3A_33 = vector.broadcast %eq3A_32 : i32 to vector<16xi32>
    %eq3A_34 = arith.cmpi eq, %iota3A, %eq3A_33 : vector<16xi32>
    %jit3A_35 = arith.constant 0xFF800000 : f32
    %broadcast_in_dim3A_36 = vector.broadcast %jit3A_35 : f32 to vector<16xf32>
    %select_n3A_37 = arith.select %eq3A_34, %broadcast_in_dim3A_36, %get3A_31 : vector<16xi1>, vector<16xf32>
    %swap3A_38 = arith.constant 8176 : index
    %swap3A_39 = tpu.vector_load %arg8[%swap3A_38] {strides = array<i32>} : memref<8192xf32, #tpu.memory_space<vmem>>, vector<16xf32>,
    tpu.vector_store %arg8[%swap3A_38], %select_n3A_37 {strides = array<i32>} : memref<8192xf32, #tpu.memory_space<vmem>>, vector<16xf32>,
    %iota3A_40 = tpu.iota {dimensions = array<i32: 0>} : vector<16xi32>
    %broadcast_in_dim3A_41 = arith.constant 0xFF800000 : f32
    %broadcast_in_dim3A_42 = vector.broadcast %broadcast_in_dim3A_41 : f32 to vector<16xf32>
    %scan3A = arith.constant 0 : i32
    %scan3A_43 = arith.constant 16 : i32
    %scan3A_44 = arith.addi %scan3A, %scan3A_43 : i32
    %scan3A_45 = arith.constant 1 : i32
    %scan3A_46:4 = scf.for %scan3A_897 = %scan3A to %scan3A_44 step %scan3A_45 iter_args(%scan3A_898 = %broadcast_in_dim3A_42, %scan3A_899 = %broadcast_in_dim3A_42, %scan3A_900 = %broadcast_in_dim3A_42, %scan3A_901 = %broadcast_in_dim3A_42) -> (vector<16xf32>, vector<16xf32>, vector<16xf32>, vector<16xf32>)  : i32 {
      %mul3A_902 = arith.constant 512 : i32
      %mul3A_903 = arith.muli %scan3A_897, %mul3A_902 : i32
      %add3A_904 = arith.constant 0 : i32
      %add3A_905 = arith.addi %mul3A_903, %add3A_904 : i32
      %get3A_906 = arith.index_cast %add3A_905 : i32 to index
      %get3A_907 = tpu.vector_load %arg7[%get3A_906] {strides = array<i32>} : memref<8192xf32, #tpu.memory_space<vmem>>, vector<16xf32>,
      %max3A_908 = arith.maximumf %broadcast_in_dim3A_42, %get3A_907 : vector<16xf32>
      %add3A_909 = arith.constant 0 : i32
      %add3A_910 = arith.addi %mul3A_903, %add3A_909 : i32
      %get3A_911 = arith.index_cast %add3A_910 : i32 to index
      %get3A_912 = tpu.vector_load %arg8[%get3A_911] {strides = array<i32>} : memref<8192xf32, #tpu.memory_space<vmem>>, vector<16xf32>,
      %max3A_913 = arith.maximumf %broadcast_in_dim3A_42, %get3A_912 : vector<16xf32>
      %add3A_914 = arith.constant 16 : i32
      %add3A_915 = arith.addi %mul3A_903, %add3A_914 : i32
      %get3A_916 = arith.index_cast %add3A_915 : i32 to index
      %get3A_917 = tpu.vector_load %arg7[%get3A_916] {strides = array<i32>} : memref<8192xf32, #tpu.memory_space<vmem>>, vector<16xf32>,
      %max3A_918 = arith.maximumf %max3A_908, %get3A_917 : vector<16xf32>
      %add3A_919 = arith.constant 16 : i32
      %add3A_920 = arith.addi %mul3A_903, %add3A_919 : i32
      %get3A_921 = arith.index_cast %add3A_920 : i32 to index
      %get3A_922 = tpu.vector_load %arg8[%get3A_921] {strides = array<i32>} : memref<8192xf32, #tpu.memory_space<vmem>>, vector<16xf32>,
      %max3A_923 = arith.maximumf %max3A_913, %get3A_922 : vector<16xf32>
      %add3A_924 = arith.constant 32 : i32
      %add3A_925 = arith.addi %mul3A_903, %add3A_924 : i32
      %get3A_926 = arith.index_cast %add3A_925 : i32 to index
      %get3A_927 = tpu.vector_load %arg7[%get3A_926] {strides = array<i32>} : memref<8192xf32, #tpu.memory_space<vmem>>, vector<16xf32>,
      %max3A_928 = arith.maximumf %max3A_918, %get3A_927 : vector<16xf32>
      %add3A_929 = arith.constant 32 : i32
      %add3A_930 = arith.addi %mul3A_903, %add3A_929 : i32
      %get3A_931 = arith.index_cast %add3A_930 : i32 to index
      %get3A_932 = tpu.vector_load %arg8[%get3A_931] {strides = array<i32>} : memref<8192xf32, #tpu.memory_space<vmem>>, vector<16xf32>,
      %max3A_933 = arith.maximumf %max3A_923, %get3A_932 : vector<16xf32>
      %add3A_934 = arith.constant 48 : i32
      %add3A_935 = arith.addi %mul3A_903, %add3A_934 : i32
      %get3A_936 = arith.index_cast %add3A_935 : i32 to index
      %get3A_937 = tpu.vector_load %arg7[%get3A_936] {strides = array<i32>} : memref<8192xf32, #tpu.memory_space<vmem>>, vector<16xf32>,
      %max3A_938 = arith.maximumf %max3A_928, %get3A_937 : vector<16xf32>
      %add3A_939 = arith.constant 48 : i32
      %add3A_940 = arith.addi %mul3A_903, %add3A_939 : i32
      %get3A_941 = arith.index_cast %add3A_940 : i32 to index
      %get3A_942 = tpu.vector_load %arg8[%get3A_941] {strides = array<i32>} : memref<8192xf32, #tpu.memory_space<vmem>>, vector<16xf32>,
      %max3A_943 = arith.maximumf %max3A_933, %get3A_942 : vector<16xf32>
      %add3A_944 = arith.constant 64 : i32
      %add3A_945 = arith.addi %mul3A_903, %add3A_944 : i32
      %get3A_946 = arith.index_cast %add3A_945 : i32 to index
      %get3A_947 = tpu.vector_load %arg7[%get3A_946] {strides = array<i32>} : memref<8192xf32, #tpu.memory_space<vmem>>, vector<16xf32>,
      %max3A_948 = arith.maximumf %max3A_938, %get3A_947 : vector<16xf32>
      %add3A_949 = arith.constant 64 : i32
      %add3A_950 = arith.addi %mul3A_903, %add3A_949 : i32
      %get3A_951 = arith.index_cast %add3A_950 : i32 to index
      %get3A_952 = tpu.vector_load %arg8[%get3A_951] {strides = array<i32>} : memref<8192xf32, #tpu.memory_space<vmem>>, vector<16xf32>,
      %max3A_953 = arith.maximumf %max3A_943, %get3A_952 : vector<16xf32>
      %add3A_954 = arith.constant 80 : i32
      %add3A_955 = arith.addi %mul3A_903, %add3A_954 : i32
      %get3A_956 = arith.index_cast %add3A_955 : i32 to index
      %get3A_957 = tpu.vector_load %arg7[%get3A_956] {strides = array<i32>} : memref<8192xf32, #tpu.memory_space<vmem>>, vector<16xf32>,
      %max3A_958 = arith.maximumf %max3A_948, %get3A_957 : vector<16xf32>
      %add3A_959 = arith.constant 80 : i32
      %add3A_960 = arith.addi %mul3A_903, %add3A_959 : i32
      %get3A_961 = arith.index_cast %add3A_960 : i32 to index
      %get3A_962 = tpu.vector_load %arg8[%get3A_961] {strides = array<i32>} : memref<8192xf32, #tpu.memory_space<vmem>>, vector<16xf32>,
      %max3A_963 = arith.maximumf %max3A_953, %get3A_962 : vector<16xf32>
      %add3A_964 = arith.constant 96 : i32
      %add3A_965 = arith.addi %mul3A_903, %add3A_964 : i32
      %get3A_966 = arith.index_cast %add3A_965 : i32 to index
      %get3A_967 = tpu.vector_load %arg7[%get3A_966] {strides = array<i32>} : memref<8192xf32, #tpu.memory_space<vmem>>, vector<16xf32>,
      %max3A_968 = arith.maximumf %max3A_958, %get3A_967 : vector<16xf32>
      %add3A_969 = arith.constant 96 : i32
      %add3A_970 = arith.addi %mul3A_903, %add3A_969 : i32
      %get3A_971 = arith.index_cast %add3A_970 : i32 to index
      %get3A_972 = tpu.vector_load %arg8[%get3A_971] {strides = array<i32>} : memref<8192xf32, #tpu.memory_space<vmem>>, vector<16xf32>,
      %max3A_973 = arith.maximumf %max3A_963, %get3A_972 : vector<16xf32>
      %add3A_974 = arith.constant 112 : i32
      %add3A_975 = arith.addi %mul3A_903, %add3A_974 : i32
      %get3A_976 = arith.index_cast %add3A_975 : i32 to index
      %get3A_977 = tpu.vector_load %arg7[%get3A_976] {strides = array<i32>} : memref<8192xf32, #tpu.memory_space<vmem>>, vector<16xf32>,
      %max3A_978 = arith.maximumf %max3A_968, %get3A_977 : vector<16xf32>
      %add3A_979 = arith.constant 112 : i32
      %add3A_980 = arith.addi %mul3A_903, %add3A_979 : i32
      %get3A_981 = arith.index_cast %add3A_980 : i32 to index
      %get3A_982 = tpu.vector_load %arg8[%get3A_981] {strides = array<i32>} : memref<8192xf32, #tpu.memory_space<vmem>>, vector<16xf32>,
      %max3A_983 = arith.maximumf %max3A_973, %get3A_982 : vector<16xf32>
      %add3A_984 = arith.constant 128 : i32
      %add3A_985 = arith.addi %mul3A_903, %add3A_984 : i32
      %get3A_986 = arith.index_cast %add3A_985 : i32 to index
      %get3A_987 = tpu.vector_load %arg7[%get3A_986] {strides = array<i32>} : memref<8192xf32, #tpu.memory_space<vmem>>, vector<16xf32>,
      %max3A_988 = arith.maximumf %max3A_978, %get3A_987 : vector<16xf32>
      %add3A_989 = arith.constant 128 : i32
      %add3A_990 = arith.addi %mul3A_903, %add3A_989 : i32
      %get3A_991 = arith.index_cast %add3A_990 : i32 to index
      %get3A_992 = tpu.vector_load %arg8[%get3A_991] {strides = array<i32>} : memref<8192xf32, #tpu.memory_space<vmem>>, vector<16xf32>,
      %max3A_993 = arith.maximumf %max3A_983, %get3A_992 : vector<16xf32>
      %add3A_994 = arith.constant 144 : i32
      %add3A_995 = arith.addi %mul3A_903, %add3A_994 : i32
      %get3A_996 = arith.index_cast %add3A_995 : i32 to index
      %get3A_997 = tpu.vector_load %arg7[%get3A_996] {strides = array<i32>} : memref<8192xf32, #tpu.memory_space<vmem>>, vector<16xf32>,
      %max3A_998 = arith.maximumf %max3A_988, %get3A_997 : vector<16xf32>
      %add3A_999 = arith.constant 144 : i32
      %add3A_1000 = arith.addi %mul3A_903, %add3A_999 : i32
      %get3A_1001 = arith.index_cast %add3A_1000 : i32 to index
      %get3A_1002 = tpu.vector_load %arg8[%get3A_1001] {strides = array<i32>} : memref<8192xf32, #tpu.memory_space<vmem>>, vector<16xf32>,
      %max3A_1003 = arith.maximumf %max3A_993, %get3A_1002 : vector<16xf32>
      %add3A_1004 = arith.constant 160 : i32
      %add3A_1005 = arith.addi %mul3A_903, %add3A_1004 : i32
      %get3A_1006 = arith.index_cast %add3A_1005 : i32 to index
      %get3A_1007 = tpu.vector_load %arg7[%get3A_1006] {strides = array<i32>} : memref<8192xf32, #tpu.memory_space<vmem>>, vector<16xf32>,
      %max3A_1008 = arith.maximumf %max3A_998, %get3A_1007 : vector<16xf32>
      %add3A_1009 = arith.constant 160 : i32
      %add3A_1010 = arith.addi %mul3A_903, %add3A_1009 : i32
      %get3A_1011 = arith.index_cast %add3A_1010 : i32 to index
      %get3A_1012 = tpu.vector_load %arg8[%get3A_1011] {strides = array<i32>} : memref<8192xf32, #tpu.memory_space<vmem>>, vector<16xf32>,
      %max3A_1013 = arith.maximumf %max3A_1003, %get3A_1012 : vector<16xf32>
      %add3A_1014 = arith.constant 176 : i32
      %add3A_1015 = arith.addi %mul3A_903, %add3A_1014 : i32
      %get3A_1016 = arith.index_cast %add3A_1015 : i32 to index
      %get3A_1017 = tpu.vector_load %arg7[%get3A_1016] {strides = array<i32>} : memref<8192xf32, #tpu.memory_space<vmem>>, vector<16xf32>,
      %max3A_1018 = arith.maximumf %max3A_1008, %get3A_1017 : vector<16xf32>
      %add3A_1019 = arith.constant 176 : i32
      %add3A_1020 = arith.addi %mul3A_903, %add3A_1019 : i32
      %get3A_1021 = arith.index_cast %add3A_1020 : i32 to index
      %get3A_1022 = tpu.vector_load %arg8[%get3A_1021] {strides = array<i32>} : memref<8192xf32, #tpu.memory_space<vmem>>, vector<16xf32>,
      %max3A_1023 = arith.maximumf %max3A_1013, %get3A_1022 : vector<16xf32>
      %add3A_1024 = arith.constant 192 : i32
      %add3A_1025 = arith.addi %mul3A_903, %add3A_1024 : i32
      %get3A_1026 = arith.index_cast %add3A_1025 : i32 to index
      %get3A_1027 = tpu.vector_load %arg7[%get3A_1026] {strides = array<i32>} : memref<8192xf32, #tpu.memory_space<vmem>>, vector<16xf32>,
      %max3A_1028 = arith.maximumf %max3A_1018, %get3A_1027 : vector<16xf32>
      %add3A_1029 = arith.constant 192 : i32
      %add3A_1030 = arith.addi %mul3A_903, %add3A_1029 : i32
      %get3A_1031 = arith.index_cast %add3A_1030 : i32 to index
      %get3A_1032 = tpu.vector_load %arg8[%get3A_1031] {strides = array<i32>} : memref<8192xf32, #tpu.memory_space<vmem>>, vector<16xf32>,
      %max3A_1033 = arith.maximumf %max3A_1023, %get3A_1032 : vector<16xf32>
      %add3A_1034 = arith.constant 208 : i32
      %add3A_1035 = arith.addi %mul3A_903, %add3A_1034 : i32
      %get3A_1036 = arith.index_cast %add3A_1035 : i32 to index
      %get3A_1037 = tpu.vector_load %arg7[%get3A_1036] {strides = array<i32>} : memref<8192xf32, #tpu.memory_space<vmem>>, vector<16xf32>,
      %max3A_1038 = arith.maximumf %max3A_1028, %get3A_1037 : vector<16xf32>
      %add3A_1039 = arith.constant 208 : i32
      %add3A_1040 = arith.addi %mul3A_903, %add3A_1039 : i32
      %get3A_1041 = arith.index_cast %add3A_1040 : i32 to index
      %get3A_1042 = tpu.vector_load %arg8[%get3A_1041] {strides = array<i32>} : memref<8192xf32, #tpu.memory_space<vmem>>, vector<16xf32>,
      %max3A_1043 = arith.maximumf %max3A_1033, %get3A_1042 : vector<16xf32>
      %add3A_1044 = arith.constant 224 : i32
      %add3A_1045 = arith.addi %mul3A_903, %add3A_1044 : i32
      %get3A_1046 = arith.index_cast %add3A_1045 : i32 to index
      %get3A_1047 = tpu.vector_load %arg7[%get3A_1046] {strides = array<i32>} : memref<8192xf32, #tpu.memory_space<vmem>>, vector<16xf32>,
      %max3A_1048 = arith.maximumf %max3A_1038, %get3A_1047 : vector<16xf32>
      %add3A_1049 = arith.constant 224 : i32
      %add3A_1050 = arith.addi %mul3A_903, %add3A_1049 : i32
      %get3A_1051 = arith.index_cast %add3A_1050 : i32 to index
      %get3A_1052 = tpu.vector_load %arg8[%get3A_1051] {strides = array<i32>} : memref<8192xf32, #tpu.memory_space<vmem>>, vector<16xf32>,
      %max3A_1053 = arith.maximumf %max3A_1043, %get3A_1052 : vector<16xf32>
      %add3A_1054 = arith.constant 240 : i32
      %add3A_1055 = arith.addi %mul3A_903, %add3A_1054 : i32
      %get3A_1056 = arith.index_cast %add3A_1055 : i32 to index
      %get3A_1057 = tpu.vector_load %arg7[%get3A_1056] {strides = array<i32>} : memref<8192xf32, #tpu.memory_space<vmem>>, vector<16xf32>,
      %max3A_1058 = arith.maximumf %max3A_1048, %get3A_1057 : vector<16xf32>
      %add3A_1059 = arith.constant 240 : i32
      %add3A_1060 = arith.addi %mul3A_903, %add3A_1059 : i32
      %get3A_1061 = arith.index_cast %add3A_1060 : i32 to index
      %get3A_1062 = tpu.vector_load %arg8[%get3A_1061] {strides = array<i32>} : memref<8192xf32, #tpu.memory_space<vmem>>, vector<16xf32>,
      %max3A_1063 = arith.maximumf %max3A_1053, %get3A_1062 : vector<16xf32>
      %add3A_1064 = arith.constant 256 : i32
      %add3A_1065 = arith.addi %mul3A_903, %add3A_1064 : i32
      %get3A_1066 = arith.index_cast %add3A_1065 : i32 to index
      %get3A_1067 = tpu.vector_load %arg7[%get3A_1066] {strides = array<i32>} : memref<8192xf32, #tpu.memory_space<vmem>>, vector<16xf32>,
      %max3A_1068 = arith.maximumf %max3A_1058, %get3A_1067 : vector<16xf32>
      %add3A_1069 = arith.constant 256 : i32
      %add3A_1070 = arith.addi %mul3A_903, %add3A_1069 : i32
      %get3A_1071 = arith.index_cast %add3A_1070 : i32 to index
      %get3A_1072 = tpu.vector_load %arg8[%get3A_1071] {strides = array<i32>} : memref<8192xf32, #tpu.memory_space<vmem>>, vector<16xf32>,
      %max3A_1073 = arith.maximumf %max3A_1063, %get3A_1072 : vector<16xf32>
      %add3A_1074 = arith.constant 272 : i32
      %add3A_1075 = arith.addi %mul3A_903, %add3A_1074 : i32
      %get3A_1076 = arith.index_cast %add3A_1075 : i32 to index
      %get3A_1077 = tpu.vector_load %arg7[%get3A_1076] {strides = array<i32>} : memref<8192xf32, #tpu.memory_space<vmem>>, vector<16xf32>,
      %max3A_1078 = arith.maximumf %max3A_1068, %get3A_1077 : vector<16xf32>
      %add3A_1079 = arith.constant 272 : i32
      %add3A_1080 = arith.addi %mul3A_903, %add3A_1079 : i32
      %get3A_1081 = arith.index_cast %add3A_1080 : i32 to index
      %get3A_1082 = tpu.vector_load %arg8[%get3A_1081] {strides = array<i32>} : memref<8192xf32, #tpu.memory_space<vmem>>, vector<16xf32>,
      %max3A_1083 = arith.maximumf %max3A_1073, %get3A_1082 : vector<16xf32>
      %add3A_1084 = arith.constant 288 : i32
      %add3A_1085 = arith.addi %mul3A_903, %add3A_1084 : i32
      %get3A_1086 = arith.index_cast %add3A_1085 : i32 to index
      %get3A_1087 = tpu.vector_load %arg7[%get3A_1086] {strides = array<i32>} : memref<8192xf32, #tpu.memory_space<vmem>>, vector<16xf32>,
      %max3A_1088 = arith.maximumf %max3A_1078, %get3A_1087 : vector<16xf32>
      %add3A_1089 = arith.constant 288 : i32
      %add3A_1090 = arith.addi %mul3A_903, %add3A_1089 : i32
      %get3A_1091 = arith.index_cast %add3A_1090 : i32 to index
      %get3A_1092 = tpu.vector_load %arg8[%get3A_1091] {strides = array<i32>} : memref<8192xf32, #tpu.memory_space<vmem>>, vector<16xf32>,
      %max3A_1093 = arith.maximumf %max3A_1083, %get3A_1092 : vector<16xf32>
      %add3A_1094 = arith.constant 304 : i32
      %add3A_1095 = arith.addi %mul3A_903, %add3A_1094 : i32
      %get3A_1096 = arith.index_cast %add3A_1095 : i32 to index
      %get3A_1097 = tpu.vector_load %arg7[%get3A_1096] {strides = array<i32>} : memref<8192xf32, #tpu.memory_space<vmem>>, vector<16xf32>,
      %max3A_1098 = arith.maximumf %max3A_1088, %get3A_1097 : vector<16xf32>
      %add3A_1099 = arith.constant 304 : i32
      %add3A_1100 = arith.addi %mul3A_903, %add3A_1099 : i32
      %get3A_1101 = arith.index_cast %add3A_1100 : i32 to index
      %get3A_1102 = tpu.vector_load %arg8[%get3A_1101] {strides = array<i32>} : memref<8192xf32, #tpu.memory_space<vmem>>, vector<16xf32>,
      %max3A_1103 = arith.maximumf %max3A_1093, %get3A_1102 : vector<16xf32>
      %add3A_1104 = arith.constant 320 : i32
      %add3A_1105 = arith.addi %mul3A_903, %add3A_1104 : i32
      %get3A_1106 = arith.index_cast %add3A_1105 : i32 to index
      %get3A_1107 = tpu.vector_load %arg7[%get3A_1106] {strides = array<i32>} : memref<8192xf32, #tpu.memory_space<vmem>>, vector<16xf32>,
      %max3A_1108 = arith.maximumf %max3A_1098, %get3A_1107 : vector<16xf32>
      %add3A_1109 = arith.constant 320 : i32
      %add3A_1110 = arith.addi %mul3A_903, %add3A_1109 : i32
      %get3A_1111 = arith.index_cast %add3A_1110 : i32 to index
      %get3A_1112 = tpu.vector_load %arg8[%get3A_1111] {strides = array<i32>} : memref<8192xf32, #tpu.memory_space<vmem>>, vector<16xf32>,
      %max3A_1113 = arith.maximumf %max3A_1103, %get3A_1112 : vector<16xf32>
      %add3A_1114 = arith.constant 336 : i32
      %add3A_1115 = arith.addi %mul3A_903, %add3A_1114 : i32
      %get3A_1116 = arith.index_cast %add3A_1115 : i32 to index
      %get3A_1117 = tpu.vector_load %arg7[%get3A_1116] {strides = array<i32>} : memref<8192xf32, #tpu.memory_space<vmem>>, vector<16xf32>,
      %max3A_1118 = arith.maximumf %max3A_1108, %get3A_1117 : vector<16xf32>
      %add3A_1119 = arith.constant 336 : i32
      %add3A_1120 = arith.addi %mul3A_903, %add3A_1119 : i32
      %get3A_1121 = arith.index_cast %add3A_1120 : i32 to index
      %get3A_1122 = tpu.vector_load %arg8[%get3A_1121] {strides = array<i32>} : memref<8192xf32, #tpu.memory_space<vmem>>, vector<16xf32>,
      %max3A_1123 = arith.maximumf %max3A_1113, %get3A_1122 : vector<16xf32>
      %add3A_1124 = arith.constant 352 : i32
      %add3A_1125 = arith.addi %mul3A_903, %add3A_1124 : i32
      %get3A_1126 = arith.index_cast %add3A_1125 : i32 to index
      %get3A_1127 = tpu.vector_load %arg7[%get3A_1126] {strides = array<i32>} : memref<8192xf32, #tpu.memory_space<vmem>>, vector<16xf32>,
      %max3A_1128 = arith.maximumf %max3A_1118, %get3A_1127 : vector<16xf32>
      %add3A_1129 = arith.constant 352 : i32
      %add3A_1130 = arith.addi %mul3A_903, %add3A_1129 : i32
      %get3A_1131 = arith.index_cast %add3A_1130 : i32 to index
      %get3A_1132 = tpu.vector_load %arg8[%get3A_1131] {strides = array<i32>} : memref<8192xf32, #tpu.memory_space<vmem>>, vector<16xf32>,
      %max3A_1133 = arith.maximumf %max3A_1123, %get3A_1132 : vector<16xf32>
      %add3A_1134 = arith.constant 368 : i32
      %add3A_1135 = arith.addi %mul3A_903, %add3A_1134 : i32
      %get3A_1136 = arith.index_cast %add3A_1135 : i32 to index
      %get3A_1137 = tpu.vector_load %arg7[%get3A_1136] {strides = array<i32>} : memref<8192xf32, #tpu.memory_space<vmem>>, vector<16xf32>,
      %max3A_1138 = arith.maximumf %max3A_1128, %get3A_1137 : vector<16xf32>
      %add3A_1139 = arith.constant 368 : i32
      %add3A_1140 = arith.addi %mul3A_903, %add3A_1139 : i32
      %get3A_1141 = arith.index_cast %add3A_1140 : i32 to index
      %get3A_1142 = tpu.vector_load %arg8[%get3A_1141] {strides = array<i32>} : memref<8192xf32, #tpu.memory_space<vmem>>, vector<16xf32>,
      %max3A_1143 = arith.maximumf %max3A_1133, %get3A_1142 : vector<16xf32>
      %add3A_1144 = arith.constant 384 : i32
      %add3A_1145 = arith.addi %mul3A_903, %add3A_1144 : i32
      %get3A_1146 = arith.index_cast %add3A_1145 : i32 to index
      %get3A_1147 = tpu.vector_load %arg7[%get3A_1146] {strides = array<i32>} : memref<8192xf32, #tpu.memory_space<vmem>>, vector<16xf32>,
      %max3A_1148 = arith.maximumf %max3A_1138, %get3A_1147 : vector<16xf32>
      %add3A_1149 = arith.constant 384 : i32
      %add3A_1150 = arith.addi %mul3A_903, %add3A_1149 : i32
      %get3A_1151 = arith.index_cast %add3A_1150 : i32 to index
      %get3A_1152 = tpu.vector_load %arg8[%get3A_1151] {strides = array<i32>} : memref<8192xf32, #tpu.memory_space<vmem>>, vector<16xf32>,
      %max3A_1153 = arith.maximumf %max3A_1143, %get3A_1152 : vector<16xf32>
      %add3A_1154 = arith.constant 400 : i32
      %add3A_1155 = arith.addi %mul3A_903, %add3A_1154 : i32
      %get3A_1156 = arith.index_cast %add3A_1155 : i32 to index
      %get3A_1157 = tpu.vector_load %arg7[%get3A_1156] {strides = array<i32>} : memref<8192xf32, #tpu.memory_space<vmem>>, vector<16xf32>,
      %max3A_1158 = arith.maximumf %max3A_1148, %get3A_1157 : vector<16xf32>
      %add3A_1159 = arith.constant 400 : i32
      %add3A_1160 = arith.addi %mul3A_903, %add3A_1159 : i32
      %get3A_1161 = arith.index_cast %add3A_1160 : i32 to index
      %get3A_1162 = tpu.vector_load %arg8[%get3A_1161] {strides = array<i32>} : memref<8192xf32, #tpu.memory_space<vmem>>, vector<16xf32>,
      %max3A_1163 = arith.maximumf %max3A_1153, %get3A_1162 : vector<16xf32>
      %add3A_1164 = arith.constant 416 : i32
      %add3A_1165 = arith.addi %mul3A_903, %add3A_1164 : i32
      %get3A_1166 = arith.index_cast %add3A_1165 : i32 to index
      %get3A_1167 = tpu.vector_load %arg7[%get3A_1166] {strides = array<i32>} : memref<8192xf32, #tpu.memory_space<vmem>>, vector<16xf32>,
      %max3A_1168 = arith.maximumf %max3A_1158, %get3A_1167 : vector<16xf32>
      %add3A_1169 = arith.constant 416 : i32
      %add3A_1170 = arith.addi %mul3A_903, %add3A_1169 : i32
      %get3A_1171 = arith.index_cast %add3A_1170 : i32 to index
      %get3A_1172 = tpu.vector_load %arg8[%get3A_1171] {strides = array<i32>} : memref<8192xf32, #tpu.memory_space<vmem>>, vector<16xf32>,
      %max3A_1173 = arith.maximumf %max3A_1163, %get3A_1172 : vector<16xf32>
      %add3A_1174 = arith.constant 432 : i32
      %add3A_1175 = arith.addi %mul3A_903, %add3A_1174 : i32
      %get3A_1176 = arith.index_cast %add3A_1175 : i32 to index
      %get3A_1177 = tpu.vector_load %arg7[%get3A_1176] {strides = array<i32>} : memref<8192xf32, #tpu.memory_space<vmem>>, vector<16xf32>,
      %max3A_1178 = arith.maximumf %max3A_1168, %get3A_1177 : vector<16xf32>
      %add3A_1179 = arith.constant 432 : i32
      %add3A_1180 = arith.addi %mul3A_903, %add3A_1179 : i32
      %get3A_1181 = arith.index_cast %add3A_1180 : i32 to index
      %get3A_1182 = tpu.vector_load %arg8[%get3A_1181] {strides = array<i32>} : memref<8192xf32, #tpu.memory_space<vmem>>, vector<16xf32>,
      %max3A_1183 = arith.maximumf %max3A_1173, %get3A_1182 : vector<16xf32>
      %add3A_1184 = arith.constant 448 : i32
      %add3A_1185 = arith.addi %mul3A_903, %add3A_1184 : i32
      %get3A_1186 = arith.index_cast %add3A_1185 : i32 to index
      %get3A_1187 = tpu.vector_load %arg7[%get3A_1186] {strides = array<i32>} : memref<8192xf32, #tpu.memory_space<vmem>>, vector<16xf32>,
      %max3A_1188 = arith.maximumf %max3A_1178, %get3A_1187 : vector<16xf32>
      %add3A_1189 = arith.constant 448 : i32
      %add3A_1190 = arith.addi %mul3A_903, %add3A_1189 : i32
      %get3A_1191 = arith.index_cast %add3A_1190 : i32 to index
      %get3A_1192 = tpu.vector_load %arg8[%get3A_1191] {strides = array<i32>} : memref<8192xf32, #tpu.memory_space<vmem>>, vector<16xf32>,
      %max3A_1193 = arith.maximumf %max3A_1183, %get3A_1192 : vector<16xf32>
      %add3A_1194 = arith.constant 464 : i32
      %add3A_1195 = arith.addi %mul3A_903, %add3A_1194 : i32
      %get3A_1196 = arith.index_cast %add3A_1195 : i32 to index
      %get3A_1197 = tpu.vector_load %arg7[%get3A_1196] {strides = array<i32>} : memref<8192xf32, #tpu.memory_space<vmem>>, vector<16xf32>,
      %max3A_1198 = arith.maximumf %max3A_1188, %get3A_1197 : vector<16xf32>
      %add3A_1199 = arith.constant 464 : i32
      %add3A_1200 = arith.addi %mul3A_903, %add3A_1199 : i32
      %get3A_1201 = arith.index_cast %add3A_1200 : i32 to index
      %get3A_1202 = tpu.vector_load %arg8[%get3A_1201] {strides = array<i32>} : memref<8192xf32, #tpu.memory_space<vmem>>, vector<16xf32>,
      %max3A_1203 = arith.maximumf %max3A_1193, %get3A_1202 : vector<16xf32>
      %add3A_1204 = arith.constant 480 : i32
      %add3A_1205 = arith.addi %mul3A_903, %add3A_1204 : i32
      %get3A_1206 = arith.index_cast %add3A_1205 : i32 to index
      %get3A_1207 = tpu.vector_load %arg7[%get3A_1206] {strides = array<i32>} : memref<8192xf32, #tpu.memory_space<vmem>>, vector<16xf32>,
      %max3A_1208 = arith.maximumf %max3A_1198, %get3A_1207 : vector<16xf32>
      %add3A_1209 = arith.constant 480 : i32
      %add3A_1210 = arith.addi %mul3A_903, %add3A_1209 : i32
      %get3A_1211 = arith.index_cast %add3A_1210 : i32 to index
      %get3A_1212 = tpu.vector_load %arg8[%get3A_1211] {strides = array<i32>} : memref<8192xf32, #tpu.memory_space<vmem>>, vector<16xf32>,
      %max3A_1213 = arith.maximumf %max3A_1203, %get3A_1212 : vector<16xf32>
      %add3A_1214 = arith.constant 496 : i32
      %add3A_1215 = arith.addi %mul3A_903, %add3A_1214 : i32
      %get3A_1216 = arith.index_cast %add3A_1215 : i32 to index
      %get3A_1217 = tpu.vector_load %arg7[%get3A_1216] {strides = array<i32>} : memref<8192xf32, #tpu.memory_space<vmem>>, vector<16xf32>,
      %max3A_1218 = arith.maximumf %max3A_1208, %get3A_1217 : vector<16xf32>
      %add3A_1219 = arith.constant 496 : i32
      %add3A_1220 = arith.addi %mul3A_903, %add3A_1219 : i32
      %get3A_1221 = arith.index_cast %add3A_1220 : i32 to index
      %get3A_1222 = tpu.vector_load %arg8[%get3A_1221] {strides = array<i32>} : memref<8192xf32, #tpu.memory_space<vmem>>, vector<16xf32>,
      %max3A_1223 = arith.maximumf %max3A_1213, %get3A_1222 : vector<16xf32>
      %min3A_1224 = arith.minimumf %scan3A_898, %max3A_1218 : vector<16xf32>
      %max3A_1225 = arith.maximumf %scan3A_899, %min3A_1224 : vector<16xf32>
      %max3A_1226 = arith.maximumf %scan3A_898, %max3A_1218 : vector<16xf32>
      %min3A_1227 = arith.minimumf %scan3A_900, %max3A_1223 : vector<16xf32>
      %max3A_1228 = arith.maximumf %scan3A_901, %min3A_1227 : vector<16xf32>
      %max3A_1229 = arith.maximumf %scan3A_900, %max3A_1223 : vector<16xf32>
      scf.yield %max3A_1226, %max3A_1225, %max3A_1229, %max3A_1228 : vector<16xf32>, vector<16xf32>, vector<16xf32>, vector<16xf32>
    }
    %scan3A_47 = arith.constant 16 : i32
    %neg3A = arith.constant 0.000000e+00 : f32
    %neg3A_48 = vector.broadcast %neg3A : f32 to vector<16xf32>
    %neg3A_49 = arith.subf %neg3A_48, %scan3A_46#1 : vector<16xf32>
    %reduce_max3A = arith.constant true
    %reduce_max3A_50 = vector.broadcast %reduce_max3A : i1 to vector<16xi1>
    %reduce_max3A_51 = tpu.scan <max>, %neg3A_49 masked %reduce_max3A_50 : vector<16xf32>, vector<16xi1> -> vector<16xf32>
    %reduce_max3A_52 = vector.extract %reduce_max3A_51[15] : f32 from vector<16xf32>
    %neg3A_53 = arith.constant 0.000000e+00 : f32
    %neg3A_54 = arith.subf %neg3A_53, %reduce_max3A_52 : f32
    %neg3A_55 = arith.constant 0.000000e+00 : f32
    %neg3A_56 = vector.broadcast %neg3A_55 : f32 to vector<16xf32>
    %neg3A_57 = arith.subf %neg3A_56, %scan3A_46#3 : vector<16xf32>
    %reduce_max3A_58 = arith.constant true
    %reduce_max3A_59 = vector.broadcast %reduce_max3A_58 : i1 to vector<16xi1>
    %reduce_max3A_60 = tpu.scan <max>, %neg3A_57 masked %reduce_max3A_59 : vector<16xf32>, vector<16xi1> -> vector<16xf32>
    %reduce_max3A_61 = vector.extract %reduce_max3A_60[15] : f32 from vector<16xf32>
    %neg3A_62 = arith.constant 0.000000e+00 : f32
    %neg3A_63 = arith.subf %neg3A_62, %reduce_max3A_61 : f32
    %scan3A_64 = arith.constant 0 : i32
    %scan3A_65 = arith.constant 0 : i32
    %scan3A_66 = arith.constant 0 : i32
    %scan3A_67 = arith.constant 64 : i32
    %scan3A_68 = arith.addi %scan3A_66, %scan3A_67 : i32
    %scan3A_69 = arith.constant 1 : i32
    %scan3A_70:2 = scf.for %scan3A_897 = %scan3A_66 to %scan3A_68 step %scan3A_69 iter_args(%scan3A_898 = %scan3A_64, %scan3A_899 = %scan3A_65) -> (i32, i32)  : i32 {
      %mul3A_900 = arith.constant 8 : i32
      %mul3A_901 = arith.muli %scan3A_897, %mul3A_900 : i32
      %add3A_902 = arith.constant 0 : i32
      %add3A_903 = arith.addi %mul3A_901, %add3A_902 : i32
      %mul3A_904 = arith.constant 16 : i32
      %mul3A_905 = arith.muli %add3A_903, %mul3A_904 : i32
      %get3A_906 = arith.index_cast %mul3A_905 : i32 to index
      %get3A_907 = tpu.vector_load %arg7[%get3A_906] {strides = array<i32>} : memref<8192xf32, #tpu.memory_space<vmem>>, vector<16xf32>,
      %mul3A_908 = arith.constant 8 : i32
      %mul3A_909 = arith.muli %scan3A_897, %mul3A_908 : i32
      %add3A_910 = arith.constant 1 : i32
      %add3A_911 = arith.addi %mul3A_909, %add3A_910 : i32
      %mul3A_912 = arith.constant 16 : i32
      %mul3A_913 = arith.muli %add3A_911, %mul3A_912 : i32
      %get3A_914 = arith.index_cast %mul3A_913 : i32 to index
      %get3A_915 = tpu.vector_load %arg7[%get3A_914] {strides = array<i32>} : memref<8192xf32, #tpu.memory_space<vmem>>, vector<16xf32>,
      %mul3A_916 = arith.constant 8 : i32
      %mul3A_917 = arith.muli %scan3A_897, %mul3A_916 : i32
      %add3A_918 = arith.constant 2 : i32
      %add3A_919 = arith.addi %mul3A_917, %add3A_918 : i32
      %mul3A_920 = arith.constant 16 : i32
      %mul3A_921 = arith.muli %add3A_919, %mul3A_920 : i32
      %get3A_922 = arith.index_cast %mul3A_921 : i32 to index
      %get3A_923 = tpu.vector_load %arg7[%get3A_922] {strides = array<i32>} : memref<8192xf32, #tpu.memory_space<vmem>>, vector<16xf32>,
      %mul3A_924 = arith.constant 8 : i32
      %mul3A_925 = arith.muli %scan3A_897, %mul3A_924 : i32
      %add3A_926 = arith.constant 3 : i32
      %add3A_927 = arith.addi %mul3A_925, %add3A_926 : i32
      %mul3A_928 = arith.constant 16 : i32
      %mul3A_929 = arith.muli %add3A_927, %mul3A_928 : i32
      %get3A_930 = arith.index_cast %mul3A_929 : i32 to index
      %get3A_931 = tpu.vector_load %arg7[%get3A_930] {strides = array<i32>} : memref<8192xf32, #tpu.memory_space<vmem>>, vector<16xf32>,
      %mul3A_932 = arith.constant 8 : i32
      %mul3A_933 = arith.muli %scan3A_897, %mul3A_932 : i32
      %add3A_934 = arith.constant 4 : i32
      %add3A_935 = arith.addi %mul3A_933, %add3A_934 : i32
      %mul3A_936 = arith.constant 16 : i32
      %mul3A_937 = arith.muli %add3A_935, %mul3A_936 : i32
      %get3A_938 = arith.index_cast %mul3A_937 : i32 to index
      %get3A_939 = tpu.vector_load %arg7[%get3A_938] {strides = array<i32>} : memref<8192xf32, #tpu.memory_space<vmem>>, vector<16xf32>,
      %mul3A_940 = arith.constant 8 : i32
      %mul3A_941 = arith.muli %scan3A_897, %mul3A_940 : i32
      %add3A_942 = arith.constant 5 : i32
      %add3A_943 = arith.addi %mul3A_941, %add3A_942 : i32
      %mul3A_944 = arith.constant 16 : i32
      %mul3A_945 = arith.muli %add3A_943, %mul3A_944 : i32
      %get3A_946 = arith.index_cast %mul3A_945 : i32 to index
      %get3A_947 = tpu.vector_load %arg7[%get3A_946] {strides = array<i32>} : memref<8192xf32, #tpu.memory_space<vmem>>, vector<16xf32>,
      %mul3A_948 = arith.constant 8 : i32
      %mul3A_949 = arith.muli %scan3A_897, %mul3A_948 : i32
      %add3A_950 = arith.constant 6 : i32
      %add3A_951 = arith.addi %mul3A_949, %add3A_950 : i32
      %mul3A_952 = arith.constant 16 : i32
      %mul3A_953 = arith.muli %add3A_951, %mul3A_952 : i32
      %get3A_954 = arith.index_cast %mul3A_953 : i32 to index
      %get3A_955 = tpu.vector_load %arg7[%get3A_954] {strides = array<i32>} : memref<8192xf32, #tpu.memory_space<vmem>>, vector<16xf32>,
      %mul3A_956 = arith.constant 8 : i32
      %mul3A_957 = arith.muli %scan3A_897, %mul3A_956 : i32
      %add3A_958 = arith.constant 7 : i32
      %add3A_959 = arith.addi %mul3A_957, %add3A_958 : i32
      %mul3A_960 = arith.constant 16 : i32
      %mul3A_961 = arith.muli %add3A_959, %mul3A_960 : i32
      %get3A_962 = arith.index_cast %mul3A_961 : i32 to index
      %get3A_963 = tpu.vector_load %arg7[%get3A_962] {strides = array<i32>} : memref<8192xf32, #tpu.memory_space<vmem>>, vector<16xf32>,
      %mul3A_964 = arith.constant 8 : i32
      %mul3A_965 = arith.muli %scan3A_897, %mul3A_964 : i32
      %add3A_966 = arith.constant 0 : i32
      %add3A_967 = arith.addi %mul3A_965, %add3A_966 : i32
      %mul3A_968 = arith.constant 16 : i32
      %mul3A_969 = arith.muli %add3A_967, %mul3A_968 : i32
      %get3A_970 = arith.index_cast %mul3A_969 : i32 to index
      %get3A_971 = tpu.vector_load %arg8[%get3A_970] {strides = array<i32>} : memref<8192xf32, #tpu.memory_space<vmem>>, vector<16xf32>,
      %mul3A_972 = arith.constant 8 : i32
      %mul3A_973 = arith.muli %scan3A_897, %mul3A_972 : i32
      %add3A_974 = arith.constant 1 : i32
      %add3A_975 = arith.addi %mul3A_973, %add3A_974 : i32
      %mul3A_976 = arith.constant 16 : i32
      %mul3A_977 = arith.muli %add3A_975, %mul3A_976 : i32
      %get3A_978 = arith.index_cast %mul3A_977 : i32 to index
      %get3A_979 = tpu.vector_load %arg8[%get3A_978] {strides = array<i32>} : memref<8192xf32, #tpu.memory_space<vmem>>, vector<16xf32>,
      %mul3A_980 = arith.constant 8 : i32
      %mul3A_981 = arith.muli %scan3A_897, %mul3A_980 : i32
      %add3A_982 = arith.constant 2 : i32
      %add3A_983 = arith.addi %mul3A_981, %add3A_982 : i32
      %mul3A_984 = arith.constant 16 : i32
      %mul3A_985 = arith.muli %add3A_983, %mul3A_984 : i32
      %get3A_986 = arith.index_cast %mul3A_985 : i32 to index
      %get3A_987 = tpu.vector_load %arg8[%get3A_986] {strides = array<i32>} : memref<8192xf32, #tpu.memory_space<vmem>>, vector<16xf32>,
      %mul3A_988 = arith.constant 8 : i32
      %mul3A_989 = arith.muli %scan3A_897, %mul3A_988 : i32
      %add3A_990 = arith.constant 3 : i32
      %add3A_991 = arith.addi %mul3A_989, %add3A_990 : i32
      %mul3A_992 = arith.constant 16 : i32
      %mul3A_993 = arith.muli %add3A_991, %mul3A_992 : i32
      %get3A_994 = arith.index_cast %mul3A_993 : i32 to index
      %get3A_995 = tpu.vector_load %arg8[%get3A_994] {strides = array<i32>} : memref<8192xf32, #tpu.memory_space<vmem>>, vector<16xf32>,
      %mul3A_996 = arith.constant 8 : i32
      %mul3A_997 = arith.muli %scan3A_897, %mul3A_996 : i32
      %add3A_998 = arith.constant 4 : i32
      %add3A_999 = arith.addi %mul3A_997, %add3A_998 : i32
      %mul3A_1000 = arith.constant 16 : i32
      %mul3A_1001 = arith.muli %add3A_999, %mul3A_1000 : i32
      %get3A_1002 = arith.index_cast %mul3A_1001 : i32 to index
      %get3A_1003 = tpu.vector_load %arg8[%get3A_1002] {strides = array<i32>} : memref<8192xf32, #tpu.memory_space<vmem>>, vector<16xf32>,
      %mul3A_1004 = arith.constant 8 : i32
      %mul3A_1005 = arith.muli %scan3A_897, %mul3A_1004 : i32
      %add3A_1006 = arith.constant 5 : i32
      %add3A_1007 = arith.addi %mul3A_1005, %add3A_1006 : i32
      %mul3A_1008 = arith.constant 16 : i32
      %mul3A_1009 = arith.muli %add3A_1007, %mul3A_1008 : i32
      %get3A_1010 = arith.index_cast %mul3A_1009 : i32 to index
      %get3A_1011 = tpu.vector_load %arg8[%get3A_1010] {strides = array<i32>} : memref<8192xf32, #tpu.memory_space<vmem>>, vector<16xf32>,
      %mul3A_1012 = arith.constant 8 : i32
      %mul3A_1013 = arith.muli %scan3A_897, %mul3A_1012 : i32
      %add3A_1014 = arith.constant 6 : i32
      %add3A_1015 = arith.addi %mul3A_1013, %add3A_1014 : i32
      %mul3A_1016 = arith.constant 16 : i32
      %mul3A_1017 = arith.muli %add3A_1015, %mul3A_1016 : i32
      %get3A_1018 = arith.index_cast %mul3A_1017 : i32 to index
      %get3A_1019 = tpu.vector_load %arg8[%get3A_1018] {strides = array<i32>} : memref<8192xf32, #tpu.memory_space<vmem>>, vector<16xf32>,
      %mul3A_1020 = arith.constant 8 : i32
      %mul3A_1021 = arith.muli %scan3A_897, %mul3A_1020 : i32
      %add3A_1022 = arith.constant 7 : i32
      %add3A_1023 = arith.addi %mul3A_1021, %add3A_1022 : i32
      %mul3A_1024 = arith.constant 16 : i32
      %mul3A_1025 = arith.muli %add3A_1023, %mul3A_1024 : i32
      %get3A_1026 = arith.index_cast %mul3A_1025 : i32 to index
      %get3A_1027 = tpu.vector_load %arg8[%get3A_1026] {strides = array<i32>} : memref<8192xf32, #tpu.memory_space<vmem>>, vector<16xf32>,
      %ge3A_1028 = vector.broadcast %neg3A_54 : f32 to vector<16xf32>
      %ge3A_1029 = arith.cmpf oge, %get3A_907, %ge3A_1028 : vector<16xf32>
      %ge3A_1030 = vector.broadcast %neg3A_54 : f32 to vector<16xf32>
      %ge3A_1031 = arith.cmpf oge, %get3A_915, %ge3A_1030 : vector<16xf32>
      %ge3A_1032 = vector.broadcast %neg3A_54 : f32 to vector<16xf32>
      %ge3A_1033 = arith.cmpf oge, %get3A_923, %ge3A_1032 : vector<16xf32>
      %ge3A_1034 = vector.broadcast %neg3A_54 : f32 to vector<16xf32>
      %ge3A_1035 = arith.cmpf oge, %get3A_931, %ge3A_1034 : vector<16xf32>
      %ge3A_1036 = vector.broadcast %neg3A_54 : f32 to vector<16xf32>
      %ge3A_1037 = arith.cmpf oge, %get3A_939, %ge3A_1036 : vector<16xf32>
      %ge3A_1038 = vector.broadcast %neg3A_54 : f32 to vector<16xf32>
      %ge3A_1039 = arith.cmpf oge, %get3A_947, %ge3A_1038 : vector<16xf32>
      %ge3A_1040 = vector.broadcast %neg3A_54 : f32 to vector<16xf32>
      %ge3A_1041 = arith.cmpf oge, %get3A_955, %ge3A_1040 : vector<16xf32>
      %ge3A_1042 = vector.broadcast %neg3A_54 : f32 to vector<16xf32>
      %ge3A_1043 = arith.cmpf oge, %get3A_963, %ge3A_1042 : vector<16xf32>
      %ge3A_1044 = vector.broadcast %neg3A_63 : f32 to vector<16xf32>
      %ge3A_1045 = arith.cmpf oge, %get3A_971, %ge3A_1044 : vector<16xf32>
      %ge3A_1046 = vector.broadcast %neg3A_63 : f32 to vector<16xf32>
      %ge3A_1047 = arith.cmpf oge, %get3A_979, %ge3A_1046 : vector<16xf32>
      %ge3A_1048 = vector.broadcast %neg3A_63 : f32 to vector<16xf32>
      %ge3A_1049 = arith.cmpf oge, %get3A_987, %ge3A_1048 : vector<16xf32>
      %ge3A_1050 = vector.broadcast %neg3A_63 : f32 to vector<16xf32>
      %ge3A_1051 = arith.cmpf oge, %get3A_995, %ge3A_1050 : vector<16xf32>
      %ge3A_1052 = vector.broadcast %neg3A_63 : f32 to vector<16xf32>
      %ge3A_1053 = arith.cmpf oge, %get3A_1003, %ge3A_1052 : vector<16xf32>
      %ge3A_1054 = vector.broadcast %neg3A_63 : f32 to vector<16xf32>
      %ge3A_1055 = arith.cmpf oge, %get3A_1011, %ge3A_1054 : vector<16xf32>
      %ge3A_1056 = vector.broadcast %neg3A_63 : f32 to vector<16xf32>
      %ge3A_1057 = arith.cmpf oge, %get3A_1019, %ge3A_1056 : vector<16xf32>
      %ge3A_1058 = vector.broadcast %neg3A_63 : f32 to vector<16xf32>
      %ge3A_1059 = arith.cmpf oge, %get3A_1027, %ge3A_1058 : vector<16xf32>
      %all_reduce_population_count3A = tpu.all_reduce %ge3A_1029 {dim = 0 : i64, kind = #tpu.reduction_kind<sum>} : vector<16xi1> -> vector<16xi32>
      %slice3A_1060 = vector.extract_strided_slice %all_reduce_population_count3A {offsets = [0], sizes = [1], strides = [1]} : vector<16xi32> to vector<1xi32>
      %squeeze3A_1061 = vector.extract %slice3A_1060[0] : i32 from vector<1xi32>
      %all_reduce_population_count3A_1062 = tpu.all_reduce %ge3A_1031 {dim = 0 : i64, kind = #tpu.reduction_kind<sum>} : vector<16xi1> -> vector<16xi32>
      %slice3A_1063 = vector.extract_strided_slice %all_reduce_population_count3A_1062 {offsets = [0], sizes = [1], strides = [1]} : vector<16xi32> to vector<1xi32>
      %squeeze3A_1064 = vector.extract %slice3A_1063[0] : i32 from vector<1xi32>
      %all_reduce_population_count3A_1065 = tpu.all_reduce %ge3A_1033 {dim = 0 : i64, kind = #tpu.reduction_kind<sum>} : vector<16xi1> -> vector<16xi32>
      %slice3A_1066 = vector.extract_strided_slice %all_reduce_population_count3A_1065 {offsets = [0], sizes = [1], strides = [1]} : vector<16xi32> to vector<1xi32>
      %squeeze3A_1067 = vector.extract %slice3A_1066[0] : i32 from vector<1xi32>
      %all_reduce_population_count3A_1068 = tpu.all_reduce %ge3A_1035 {dim = 0 : i64, kind = #tpu.reduction_kind<sum>} : vector<16xi1> -> vector<16xi32>
      %slice3A_1069 = vector.extract_strided_slice %all_reduce_population_count3A_1068 {offsets = [0], sizes = [1], strides = [1]} : vector<16xi32> to vector<1xi32>
      %squeeze3A_1070 = vector.extract %slice3A_1069[0] : i32 from vector<1xi32>
      %all_reduce_population_count3A_1071 = tpu.all_reduce %ge3A_1037 {dim = 0 : i64, kind = #tpu.reduction_kind<sum>} : vector<16xi1> -> vector<16xi32>
      %slice3A_1072 = vector.extract_strided_slice %all_reduce_population_count3A_1071 {offsets = [0], sizes = [1], strides = [1]} : vector<16xi32> to vector<1xi32>
      %squeeze3A_1073 = vector.extract %slice3A_1072[0] : i32 from vector<1xi32>
      %all_reduce_population_count3A_1074 = tpu.all_reduce %ge3A_1039 {dim = 0 : i64, kind = #tpu.reduction_kind<sum>} : vector<16xi1> -> vector<16xi32>
      %slice3A_1075 = vector.extract_strided_slice %all_reduce_population_count3A_1074 {offsets = [0], sizes = [1], strides = [1]} : vector<16xi32> to vector<1xi32>
      %squeeze3A_1076 = vector.extract %slice3A_1075[0] : i32 from vector<1xi32>
      %all_reduce_population_count3A_1077 = tpu.all_reduce %ge3A_1041 {dim = 0 : i64, kind = #tpu.reduction_kind<sum>} : vector<16xi1> -> vector<16xi32>
      %slice3A_1078 = vector.extract_strided_slice %all_reduce_population_count3A_1077 {offsets = [0], sizes = [1], strides = [1]} : vector<16xi32> to vector<1xi32>
      %squeeze3A_1079 = vector.extract %slice3A_1078[0] : i32 from vector<1xi32>
      %all_reduce_population_count3A_1080 = tpu.all_reduce %ge3A_1043 {dim = 0 : i64, kind = #tpu.reduction_kind<sum>} : vector<16xi1> -> vector<16xi32>
      %slice3A_1081 = vector.extract_strided_slice %all_reduce_population_count3A_1080 {offsets = [0], sizes = [1], strides = [1]} : vector<16xi32> to vector<1xi32>
      %squeeze3A_1082 = vector.extract %slice3A_1081[0] : i32 from vector<1xi32>
      %all_reduce_population_count3A_1083 = tpu.all_reduce %ge3A_1045 {dim = 0 : i64, kind = #tpu.reduction_kind<sum>} : vector<16xi1> -> vector<16xi32>
      %slice3A_1084 = vector.extract_strided_slice %all_reduce_population_count3A_1083 {offsets = [0], sizes = [1], strides = [1]} : vector<16xi32> to vector<1xi32>
      %squeeze3A_1085 = vector.extract %slice3A_1084[0] : i32 from vector<1xi32>
      %all_reduce_population_count3A_1086 = tpu.all_reduce %ge3A_1047 {dim = 0 : i64, kind = #tpu.reduction_kind<sum>} : vector<16xi1> -> vector<16xi32>
      %slice3A_1087 = vector.extract_strided_slice %all_reduce_population_count3A_1086 {offsets = [0], sizes = [1], strides = [1]} : vector<16xi32> to vector<1xi32>
      %squeeze3A_1088 = vector.extract %slice3A_1087[0] : i32 from vector<1xi32>
      %all_reduce_population_count3A_1089 = tpu.all_reduce %ge3A_1049 {dim = 0 : i64, kind = #tpu.reduction_kind<sum>} : vector<16xi1> -> vector<16xi32>
      %slice3A_1090 = vector.extract_strided_slice %all_reduce_population_count3A_1089 {offsets = [0], sizes = [1], strides = [1]} : vector<16xi32> to vector<1xi32>
      %squeeze3A_1091 = vector.extract %slice3A_1090[0] : i32 from vector<1xi32>
      %all_reduce_population_count3A_1092 = tpu.all_reduce %ge3A_1051 {dim = 0 : i64, kind = #tpu.reduction_kind<sum>} : vector<16xi1> -> vector<16xi32>
      %slice3A_1093 = vector.extract_strided_slice %all_reduce_population_count3A_1092 {offsets = [0], sizes = [1], strides = [1]} : vector<16xi32> to vector<1xi32>
      %squeeze3A_1094 = vector.extract %slice3A_1093[0] : i32 from vector<1xi32>
      %all_reduce_population_count3A_1095 = tpu.all_reduce %ge3A_1053 {dim = 0 : i64, kind = #tpu.reduction_kind<sum>} : vector<16xi1> -> vector<16xi32>
      %slice3A_1096 = vector.extract_strided_slice %all_reduce_population_count3A_1095 {offsets = [0], sizes = [1], strides = [1]} : vector<16xi32> to vector<1xi32>
      %squeeze3A_1097 = vector.extract %slice3A_1096[0] : i32 from vector<1xi32>
      %all_reduce_population_count3A_1098 = tpu.all_reduce %ge3A_1055 {dim = 0 : i64, kind = #tpu.reduction_kind<sum>} : vector<16xi1> -> vector<16xi32>
      %slice3A_1099 = vector.extract_strided_slice %all_reduce_population_count3A_1098 {offsets = [0], sizes = [1], strides = [1]} : vector<16xi32> to vector<1xi32>
      %squeeze3A_1100 = vector.extract %slice3A_1099[0] : i32 from vector<1xi32>
      %all_reduce_population_count3A_1101 = tpu.all_reduce %ge3A_1057 {dim = 0 : i64, kind = #tpu.reduction_kind<sum>} : vector<16xi1> -> vector<16xi32>
      %slice3A_1102 = vector.extract_strided_slice %all_reduce_population_count3A_1101 {offsets = [0], sizes = [1], strides = [1]} : vector<16xi32> to vector<1xi32>
      %squeeze3A_1103 = vector.extract %slice3A_1102[0] : i32 from vector<1xi32>
      %all_reduce_population_count3A_1104 = tpu.all_reduce %ge3A_1059 {dim = 0 : i64, kind = #tpu.reduction_kind<sum>} : vector<16xi1> -> vector<16xi32>
      %slice3A_1105 = vector.extract_strided_slice %all_reduce_population_count3A_1104 {offsets = [0], sizes = [1], strides = [1]} : vector<16xi32> to vector<1xi32>
      %squeeze3A_1106 = vector.extract %slice3A_1105[0] : i32 from vector<1xi32>
      %mul3A_1107 = arith.constant 8 : i32
      %mul3A_1108 = arith.muli %scan3A_897, %mul3A_1107 : i32
      %add3A_1109 = arith.constant 0 : i32
      %add3A_1110 = arith.addi %mul3A_1108, %add3A_1109 : i32
      %swap3A_1111 = arith.index_cast %scan3A_898 : i32 to index
      %swap3A_1112 = tpu.vector_load %arg11[%swap3A_1111] masked %ge3A_1029 {strides = array<i32>} : memref<512xf32, #tpu.memory_space<vmem>>, vector<16xf32>, vector<16xi1>
      tpu.vector_store %arg11[%swap3A_1111], %get3A_907 masked %ge3A_1029 {strides = array<i32>} : memref<512xf32, #tpu.memory_space<vmem>>, vector<16xf32>, vector<16xi1>
      %mul3A_1113 = arith.constant 16 : i32
      %mul3A_1114 = arith.muli %add3A_1110, %mul3A_1113 : i32
      %add3A_1115 = vector.broadcast %mul3A_1114 : i32 to vector<16xi32>
      %add3A_1116 = arith.addi %iota3A_40, %add3A_1115 : vector<16xi32>
      %swap3A_1117 = arith.index_cast %scan3A_898 : i32 to index
      %swap3A_1118 = tpu.vector_load %arg12[%swap3A_1117] masked %ge3A_1029 {strides = array<i32>} : memref<512xi32, #tpu.memory_space<vmem>>, vector<16xi32>, vector<16xi1>
      tpu.vector_store %arg12[%swap3A_1117], %add3A_1116 masked %ge3A_1029 {strides = array<i32>} : memref<512xi32, #tpu.memory_space<vmem>>, vector<16xi32>, vector<16xi1>
      %add3A_1119 = arith.addi %scan3A_898, %squeeze3A_1061 : i32
      %swap3A_1120 = arith.index_cast %scan3A_899 : i32 to index
      %swap3A_1121 = tpu.vector_load %arg13[%swap3A_1120] masked %ge3A_1045 {strides = array<i32>} : memref<512xf32, #tpu.memory_space<vmem>>, vector<16xf32>, vector<16xi1>
      tpu.vector_store %arg13[%swap3A_1120], %get3A_971 masked %ge3A_1045 {strides = array<i32>} : memref<512xf32, #tpu.memory_space<vmem>>, vector<16xf32>, vector<16xi1>
      %mul3A_1122 = arith.constant 16 : i32
      %mul3A_1123 = arith.muli %add3A_1110, %mul3A_1122 : i32
      %add3A_1124 = vector.broadcast %mul3A_1123 : i32 to vector<16xi32>
      %add3A_1125 = arith.addi %iota3A_40, %add3A_1124 : vector<16xi32>
      %swap3A_1126 = arith.index_cast %scan3A_899 : i32 to index
      %swap3A_1127 = tpu.vector_load %arg14[%swap3A_1126] masked %ge3A_1045 {strides = array<i32>} : memref<512xi32, #tpu.memory_space<vmem>>, vector<16xi32>, vector<16xi1>
      tpu.vector_store %arg14[%swap3A_1126], %add3A_1125 masked %ge3A_1045 {strides = array<i32>} : memref<512xi32, #tpu.memory_space<vmem>>, vector<16xi32>, vector<16xi1>
      %add3A_1128 = arith.addi %scan3A_899, %squeeze3A_1085 : i32
      %mul3A_1129 = arith.constant 8 : i32
      %mul3A_1130 = arith.muli %scan3A_897, %mul3A_1129 : i32
      %add3A_1131 = arith.constant 1 : i32
      %add3A_1132 = arith.addi %mul3A_1130, %add3A_1131 : i32
      %swap3A_1133 = arith.index_cast %add3A_1119 : i32 to index
      %swap3A_1134 = tpu.vector_load %arg11[%swap3A_1133] masked %ge3A_1031 {strides = array<i32>} : memref<512xf32, #tpu.memory_space<vmem>>, vector<16xf32>, vector<16xi1>
      tpu.vector_store %arg11[%swap3A_1133], %get3A_915 masked %ge3A_1031 {strides = array<i32>} : memref<512xf32, #tpu.memory_space<vmem>>, vector<16xf32>, vector<16xi1>
      %mul3A_1135 = arith.constant 16 : i32
      %mul3A_1136 = arith.muli %add3A_1132, %mul3A_1135 : i32
      %add3A_1137 = vector.broadcast %mul3A_1136 : i32 to vector<16xi32>
      %add3A_1138 = arith.addi %iota3A_40, %add3A_1137 : vector<16xi32>
      %swap3A_1139 = arith.index_cast %add3A_1119 : i32 to index
      %swap3A_1140 = tpu.vector_load %arg12[%swap3A_1139] masked %ge3A_1031 {strides = array<i32>} : memref<512xi32, #tpu.memory_space<vmem>>, vector<16xi32>, vector<16xi1>
      tpu.vector_store %arg12[%swap3A_1139], %add3A_1138 masked %ge3A_1031 {strides = array<i32>} : memref<512xi32, #tpu.memory_space<vmem>>, vector<16xi32>, vector<16xi1>
      %add3A_1141 = arith.addi %add3A_1119, %squeeze3A_1064 : i32
      %swap3A_1142 = arith.index_cast %add3A_1128 : i32 to index
      %swap3A_1143 = tpu.vector_load %arg13[%swap3A_1142] masked %ge3A_1047 {strides = array<i32>} : memref<512xf32, #tpu.memory_space<vmem>>, vector<16xf32>, vector<16xi1>
      tpu.vector_store %arg13[%swap3A_1142], %get3A_979 masked %ge3A_1047 {strides = array<i32>} : memref<512xf32, #tpu.memory_space<vmem>>, vector<16xf32>, vector<16xi1>
      %mul3A_1144 = arith.constant 16 : i32
      %mul3A_1145 = arith.muli %add3A_1132, %mul3A_1144 : i32
      %add3A_1146 = vector.broadcast %mul3A_1145 : i32 to vector<16xi32>
      %add3A_1147 = arith.addi %iota3A_40, %add3A_1146 : vector<16xi32>
      %swap3A_1148 = arith.index_cast %add3A_1128 : i32 to index
      %swap3A_1149 = tpu.vector_load %arg14[%swap3A_1148] masked %ge3A_1047 {strides = array<i32>} : memref<512xi32, #tpu.memory_space<vmem>>, vector<16xi32>, vector<16xi1>
      tpu.vector_store %arg14[%swap3A_1148], %add3A_1147 masked %ge3A_1047 {strides = array<i32>} : memref<512xi32, #tpu.memory_space<vmem>>, vector<16xi32>, vector<16xi1>
      %add3A_1150 = arith.addi %add3A_1128, %squeeze3A_1088 : i32
      %mul3A_1151 = arith.constant 8 : i32
      %mul3A_1152 = arith.muli %scan3A_897, %mul3A_1151 : i32
      %add3A_1153 = arith.constant 2 : i32
      %add3A_1154 = arith.addi %mul3A_1152, %add3A_1153 : i32
      %swap3A_1155 = arith.index_cast %add3A_1141 : i32 to index
      %swap3A_1156 = tpu.vector_load %arg11[%swap3A_1155] masked %ge3A_1033 {strides = array<i32>} : memref<512xf32, #tpu.memory_space<vmem>>, vector<16xf32>, vector<16xi1>
      tpu.vector_store %arg11[%swap3A_1155], %get3A_923 masked %ge3A_1033 {strides = array<i32>} : memref<512xf32, #tpu.memory_space<vmem>>, vector<16xf32>, vector<16xi1>
      %mul3A_1157 = arith.constant 16 : i32
      %mul3A_1158 = arith.muli %add3A_1154, %mul3A_1157 : i32
      %add3A_1159 = vector.broadcast %mul3A_1158 : i32 to vector<16xi32>
      %add3A_1160 = arith.addi %iota3A_40, %add3A_1159 : vector<16xi32>
      %swap3A_1161 = arith.index_cast %add3A_1141 : i32 to index
      %swap3A_1162 = tpu.vector_load %arg12[%swap3A_1161] masked %ge3A_1033 {strides = array<i32>} : memref<512xi32, #tpu.memory_space<vmem>>, vector<16xi32>, vector<16xi1>
      tpu.vector_store %arg12[%swap3A_1161], %add3A_1160 masked %ge3A_1033 {strides = array<i32>} : memref<512xi32, #tpu.memory_space<vmem>>, vector<16xi32>, vector<16xi1>
      %add3A_1163 = arith.addi %add3A_1141, %squeeze3A_1067 : i32
      %swap3A_1164 = arith.index_cast %add3A_1150 : i32 to index
      %swap3A_1165 = tpu.vector_load %arg13[%swap3A_1164] masked %ge3A_1049 {strides = array<i32>} : memref<512xf32, #tpu.memory_space<vmem>>, vector<16xf32>, vector<16xi1>
      tpu.vector_store %arg13[%swap3A_1164], %get3A_987 masked %ge3A_1049 {strides = array<i32>} : memref<512xf32, #tpu.memory_space<vmem>>, vector<16xf32>, vector<16xi1>
      %mul3A_1166 = arith.constant 16 : i32
      %mul3A_1167 = arith.muli %add3A_1154, %mul3A_1166 : i32
      %add3A_1168 = vector.broadcast %mul3A_1167 : i32 to vector<16xi32>
      %add3A_1169 = arith.addi %iota3A_40, %add3A_1168 : vector<16xi32>
      %swap3A_1170 = arith.index_cast %add3A_1150 : i32 to index
      %swap3A_1171 = tpu.vector_load %arg14[%swap3A_1170] masked %ge3A_1049 {strides = array<i32>} : memref<512xi32, #tpu.memory_space<vmem>>, vector<16xi32>, vector<16xi1>
      tpu.vector_store %arg14[%swap3A_1170], %add3A_1169 masked %ge3A_1049 {strides = array<i32>} : memref<512xi32, #tpu.memory_space<vmem>>, vector<16xi32>, vector<16xi1>
      %add3A_1172 = arith.addi %add3A_1150, %squeeze3A_1091 : i32
      %mul3A_1173 = arith.constant 8 : i32
      %mul3A_1174 = arith.muli %scan3A_897, %mul3A_1173 : i32
      %add3A_1175 = arith.constant 3 : i32
      %add3A_1176 = arith.addi %mul3A_1174, %add3A_1175 : i32
      %swap3A_1177 = arith.index_cast %add3A_1163 : i32 to index
      %swap3A_1178 = tpu.vector_load %arg11[%swap3A_1177] masked %ge3A_1035 {strides = array<i32>} : memref<512xf32, #tpu.memory_space<vmem>>, vector<16xf32>, vector<16xi1>
      tpu.vector_store %arg11[%swap3A_1177], %get3A_931 masked %ge3A_1035 {strides = array<i32>} : memref<512xf32, #tpu.memory_space<vmem>>, vector<16xf32>, vector<16xi1>
      %mul3A_1179 = arith.constant 16 : i32
      %mul3A_1180 = arith.muli %add3A_1176, %mul3A_1179 : i32
      %add3A_1181 = vector.broadcast %mul3A_1180 : i32 to vector<16xi32>
      %add3A_1182 = arith.addi %iota3A_40, %add3A_1181 : vector<16xi32>
      %swap3A_1183 = arith.index_cast %add3A_1163 : i32 to index
      %swap3A_1184 = tpu.vector_load %arg12[%swap3A_1183] masked %ge3A_1035 {strides = array<i32>} : memref<512xi32, #tpu.memory_space<vmem>>, vector<16xi32>, vector<16xi1>
      tpu.vector_store %arg12[%swap3A_1183], %add3A_1182 masked %ge3A_1035 {strides = array<i32>} : memref<512xi32, #tpu.memory_space<vmem>>, vector<16xi32>, vector<16xi1>
      %add3A_1185 = arith.addi %add3A_1163, %squeeze3A_1070 : i32
      %swap3A_1186 = arith.index_cast %add3A_1172 : i32 to index
      %swap3A_1187 = tpu.vector_load %arg13[%swap3A_1186] masked %ge3A_1051 {strides = array<i32>} : memref<512xf32, #tpu.memory_space<vmem>>, vector<16xf32>, vector<16xi1>
      tpu.vector_store %arg13[%swap3A_1186], %get3A_995 masked %ge3A_1051 {strides = array<i32>} : memref<512xf32, #tpu.memory_space<vmem>>, vector<16xf32>, vector<16xi1>
      %mul3A_1188 = arith.constant 16 : i32
      %mul3A_1189 = arith.muli %add3A_1176, %mul3A_1188 : i32
      %add3A_1190 = vector.broadcast %mul3A_1189 : i32 to vector<16xi32>
      %add3A_1191 = arith.addi %iota3A_40, %add3A_1190 : vector<16xi32>
      %swap3A_1192 = arith.index_cast %add3A_1172 : i32 to index
      %swap3A_1193 = tpu.vector_load %arg14[%swap3A_1192] masked %ge3A_1051 {strides = array<i32>} : memref<512xi32, #tpu.memory_space<vmem>>, vector<16xi32>, vector<16xi1>
      tpu.vector_store %arg14[%swap3A_1192], %add3A_1191 masked %ge3A_1051 {strides = array<i32>} : memref<512xi32, #tpu.memory_space<vmem>>, vector<16xi32>, vector<16xi1>
      %add3A_1194 = arith.addi %add3A_1172, %squeeze3A_1094 : i32
      %mul3A_1195 = arith.constant 8 : i32
      %mul3A_1196 = arith.muli %scan3A_897, %mul3A_1195 : i32
      %add3A_1197 = arith.constant 4 : i32
      %add3A_1198 = arith.addi %mul3A_1196, %add3A_1197 : i32
      %swap3A_1199 = arith.index_cast %add3A_1185 : i32 to index
      %swap3A_1200 = tpu.vector_load %arg11[%swap3A_1199] masked %ge3A_1037 {strides = array<i32>} : memref<512xf32, #tpu.memory_space<vmem>>, vector<16xf32>, vector<16xi1>
      tpu.vector_store %arg11[%swap3A_1199], %get3A_939 masked %ge3A_1037 {strides = array<i32>} : memref<512xf32, #tpu.memory_space<vmem>>, vector<16xf32>, vector<16xi1>
      %mul3A_1201 = arith.constant 16 : i32
      %mul3A_1202 = arith.muli %add3A_1198, %mul3A_1201 : i32
      %add3A_1203 = vector.broadcast %mul3A_1202 : i32 to vector<16xi32>
      %add3A_1204 = arith.addi %iota3A_40, %add3A_1203 : vector<16xi32>
      %swap3A_1205 = arith.index_cast %add3A_1185 : i32 to index
      %swap3A_1206 = tpu.vector_load %arg12[%swap3A_1205] masked %ge3A_1037 {strides = array<i32>} : memref<512xi32, #tpu.memory_space<vmem>>, vector<16xi32>, vector<16xi1>
      tpu.vector_store %arg12[%swap3A_1205], %add3A_1204 masked %ge3A_1037 {strides = array<i32>} : memref<512xi32, #tpu.memory_space<vmem>>, vector<16xi32>, vector<16xi1>
      %add3A_1207 = arith.addi %add3A_1185, %squeeze3A_1073 : i32
      %swap3A_1208 = arith.index_cast %add3A_1194 : i32 to index
      %swap3A_1209 = tpu.vector_load %arg13[%swap3A_1208] masked %ge3A_1053 {strides = array<i32>} : memref<512xf32, #tpu.memory_space<vmem>>, vector<16xf32>, vector<16xi1>
      tpu.vector_store %arg13[%swap3A_1208], %get3A_1003 masked %ge3A_1053 {strides = array<i32>} : memref<512xf32, #tpu.memory_space<vmem>>, vector<16xf32>, vector<16xi1>
      %mul3A_1210 = arith.constant 16 : i32
      %mul3A_1211 = arith.muli %add3A_1198, %mul3A_1210 : i32
      %add3A_1212 = vector.broadcast %mul3A_1211 : i32 to vector<16xi32>
      %add3A_1213 = arith.addi %iota3A_40, %add3A_1212 : vector<16xi32>
      %swap3A_1214 = arith.index_cast %add3A_1194 : i32 to index
      %swap3A_1215 = tpu.vector_load %arg14[%swap3A_1214] masked %ge3A_1053 {strides = array<i32>} : memref<512xi32, #tpu.memory_space<vmem>>, vector<16xi32>, vector<16xi1>
      tpu.vector_store %arg14[%swap3A_1214], %add3A_1213 masked %ge3A_1053 {strides = array<i32>} : memref<512xi32, #tpu.memory_space<vmem>>, vector<16xi32>, vector<16xi1>
      %add3A_1216 = arith.addi %add3A_1194, %squeeze3A_1097 : i32
      %mul3A_1217 = arith.constant 8 : i32
      %mul3A_1218 = arith.muli %scan3A_897, %mul3A_1217 : i32
      %add3A_1219 = arith.constant 5 : i32
      %add3A_1220 = arith.addi %mul3A_1218, %add3A_1219 : i32
      %swap3A_1221 = arith.index_cast %add3A_1207 : i32 to index
      %swap3A_1222 = tpu.vector_load %arg11[%swap3A_1221] masked %ge3A_1039 {strides = array<i32>} : memref<512xf32, #tpu.memory_space<vmem>>, vector<16xf32>, vector<16xi1>
      tpu.vector_store %arg11[%swap3A_1221], %get3A_947 masked %ge3A_1039 {strides = array<i32>} : memref<512xf32, #tpu.memory_space<vmem>>, vector<16xf32>, vector<16xi1>
      %mul3A_1223 = arith.constant 16 : i32
      %mul3A_1224 = arith.muli %add3A_1220, %mul3A_1223 : i32
      %add3A_1225 = vector.broadcast %mul3A_1224 : i32 to vector<16xi32>
      %add3A_1226 = arith.addi %iota3A_40, %add3A_1225 : vector<16xi32>
      %swap3A_1227 = arith.index_cast %add3A_1207 : i32 to index
      %swap3A_1228 = tpu.vector_load %arg12[%swap3A_1227] masked %ge3A_1039 {strides = array<i32>} : memref<512xi32, #tpu.memory_space<vmem>>, vector<16xi32>, vector<16xi1>
      tpu.vector_store %arg12[%swap3A_1227], %add3A_1226 masked %ge3A_1039 {strides = array<i32>} : memref<512xi32, #tpu.memory_space<vmem>>, vector<16xi32>, vector<16xi1>
      %add3A_1229 = arith.addi %add3A_1207, %squeeze3A_1076 : i32
      %swap3A_1230 = arith.index_cast %add3A_1216 : i32 to index
      %swap3A_1231 = tpu.vector_load %arg13[%swap3A_1230] masked %ge3A_1055 {strides = array<i32>} : memref<512xf32, #tpu.memory_space<vmem>>, vector<16xf32>, vector<16xi1>
      tpu.vector_store %arg13[%swap3A_1230], %get3A_1011 masked %ge3A_1055 {strides = array<i32>} : memref<512xf32, #tpu.memory_space<vmem>>, vector<16xf32>, vector<16xi1>
      %mul3A_1232 = arith.constant 16 : i32
      %mul3A_1233 = arith.muli %add3A_1220, %mul3A_1232 : i32
      %add3A_1234 = vector.broadcast %mul3A_1233 : i32 to vector<16xi32>
      %add3A_1235 = arith.addi %iota3A_40, %add3A_1234 : vector<16xi32>
      %swap3A_1236 = arith.index_cast %add3A_1216 : i32 to index
      %swap3A_1237 = tpu.vector_load %arg14[%swap3A_1236] masked %ge3A_1055 {strides = array<i32>} : memref<512xi32, #tpu.memory_space<vmem>>, vector<16xi32>, vector<16xi1>
      tpu.vector_store %arg14[%swap3A_1236], %add3A_1235 masked %ge3A_1055 {strides = array<i32>} : memref<512xi32, #tpu.memory_space<vmem>>, vector<16xi32>, vector<16xi1>
      %add3A_1238 = arith.addi %add3A_1216, %squeeze3A_1100 : i32
      %mul3A_1239 = arith.constant 8 : i32
      %mul3A_1240 = arith.muli %scan3A_897, %mul3A_1239 : i32
      %add3A_1241 = arith.constant 6 : i32
      %add3A_1242 = arith.addi %mul3A_1240, %add3A_1241 : i32
      %swap3A_1243 = arith.index_cast %add3A_1229 : i32 to index
      %swap3A_1244 = tpu.vector_load %arg11[%swap3A_1243] masked %ge3A_1041 {strides = array<i32>} : memref<512xf32, #tpu.memory_space<vmem>>, vector<16xf32>, vector<16xi1>
      tpu.vector_store %arg11[%swap3A_1243], %get3A_955 masked %ge3A_1041 {strides = array<i32>} : memref<512xf32, #tpu.memory_space<vmem>>, vector<16xf32>, vector<16xi1>
      %mul3A_1245 = arith.constant 16 : i32
      %mul3A_1246 = arith.muli %add3A_1242, %mul3A_1245 : i32
      %add3A_1247 = vector.broadcast %mul3A_1246 : i32 to vector<16xi32>
      %add3A_1248 = arith.addi %iota3A_40, %add3A_1247 : vector<16xi32>
      %swap3A_1249 = arith.index_cast %add3A_1229 : i32 to index
      %swap3A_1250 = tpu.vector_load %arg12[%swap3A_1249] masked %ge3A_1041 {strides = array<i32>} : memref<512xi32, #tpu.memory_space<vmem>>, vector<16xi32>, vector<16xi1>
      tpu.vector_store %arg12[%swap3A_1249], %add3A_1248 masked %ge3A_1041 {strides = array<i32>} : memref<512xi32, #tpu.memory_space<vmem>>, vector<16xi32>, vector<16xi1>
      %add3A_1251 = arith.addi %add3A_1229, %squeeze3A_1079 : i32
      %swap3A_1252 = arith.index_cast %add3A_1238 : i32 to index
      %swap3A_1253 = tpu.vector_load %arg13[%swap3A_1252] masked %ge3A_1057 {strides = array<i32>} : memref<512xf32, #tpu.memory_space<vmem>>, vector<16xf32>, vector<16xi1>
      tpu.vector_store %arg13[%swap3A_1252], %get3A_1019 masked %ge3A_1057 {strides = array<i32>} : memref<512xf32, #tpu.memory_space<vmem>>, vector<16xf32>, vector<16xi1>
      %mul3A_1254 = arith.constant 16 : i32
      %mul3A_1255 = arith.muli %add3A_1242, %mul3A_1254 : i32
      %add3A_1256 = vector.broadcast %mul3A_1255 : i32 to vector<16xi32>
      %add3A_1257 = arith.addi %iota3A_40, %add3A_1256 : vector<16xi32>
      %swap3A_1258 = arith.index_cast %add3A_1238 : i32 to index
      %swap3A_1259 = tpu.vector_load %arg14[%swap3A_1258] masked %ge3A_1057 {strides = array<i32>} : memref<512xi32, #tpu.memory_space<vmem>>, vector<16xi32>, vector<16xi1>
      tpu.vector_store %arg14[%swap3A_1258], %add3A_1257 masked %ge3A_1057 {strides = array<i32>} : memref<512xi32, #tpu.memory_space<vmem>>, vector<16xi32>, vector<16xi1>
      %add3A_1260 = arith.addi %add3A_1238, %squeeze3A_1103 : i32
      %mul3A_1261 = arith.constant 8 : i32
      %mul3A_1262 = arith.muli %scan3A_897, %mul3A_1261 : i32
      %add3A_1263 = arith.constant 7 : i32
      %add3A_1264 = arith.addi %mul3A_1262, %add3A_1263 : i32
      %swap3A_1265 = arith.index_cast %add3A_1251 : i32 to index
      %swap3A_1266 = tpu.vector_load %arg11[%swap3A_1265] masked %ge3A_1043 {strides = array<i32>} : memref<512xf32, #tpu.memory_space<vmem>>, vector<16xf32>, vector<16xi1>
      tpu.vector_store %arg11[%swap3A_1265], %get3A_963 masked %ge3A_1043 {strides = array<i32>} : memref<512xf32, #tpu.memory_space<vmem>>, vector<16xf32>, vector<16xi1>
      %mul3A_1267 = arith.constant 16 : i32
      %mul3A_1268 = arith.muli %add3A_1264, %mul3A_1267 : i32
      %add3A_1269 = vector.broadcast %mul3A_1268 : i32 to vector<16xi32>
      %add3A_1270 = arith.addi %iota3A_40, %add3A_1269 : vector<16xi32>
      %swap3A_1271 = arith.index_cast %add3A_1251 : i32 to index
      %swap3A_1272 = tpu.vector_load %arg12[%swap3A_1271] masked %ge3A_1043 {strides = array<i32>} : memref<512xi32, #tpu.memory_space<vmem>>, vector<16xi32>, vector<16xi1>
      tpu.vector_store %arg12[%swap3A_1271], %add3A_1270 masked %ge3A_1043 {strides = array<i32>} : memref<512xi32, #tpu.memory_space<vmem>>, vector<16xi32>, vector<16xi1>
      %add3A_1273 = arith.addi %add3A_1251, %squeeze3A_1082 : i32
      %swap3A_1274 = arith.index_cast %add3A_1260 : i32 to index
      %swap3A_1275 = tpu.vector_load %arg13[%swap3A_1274] masked %ge3A_1059 {strides = array<i32>} : memref<512xf32, #tpu.memory_space<vmem>>, vector<16xf32>, vector<16xi1>
      tpu.vector_store %arg13[%swap3A_1274], %get3A_1027 masked %ge3A_1059 {strides = array<i32>} : memref<512xf32, #tpu.memory_space<vmem>>, vector<16xf32>, vector<16xi1>
      %mul3A_1276 = arith.constant 16 : i32
      %mul3A_1277 = arith.muli %add3A_1264, %mul3A_1276 : i32
      %add3A_1278 = vector.broadcast %mul3A_1277 : i32 to vector<16xi32>
      %add3A_1279 = arith.addi %iota3A_40, %add3A_1278 : vector<16xi32>
      %swap3A_1280 = arith.index_cast %add3A_1260 : i32 to index
      %swap3A_1281 = tpu.vector_load %arg14[%swap3A_1280] masked %ge3A_1059 {strides = array<i32>} : memref<512xi32, #tpu.memory_space<vmem>>, vector<16xi32>, vector<16xi1>
      tpu.vector_store %arg14[%swap3A_1280], %add3A_1279 masked %ge3A_1059 {strides = array<i32>} : memref<512xi32, #tpu.memory_space<vmem>>, vector<16xi32>, vector<16xi1>
      %add3A_1282 = arith.addi %add3A_1260, %squeeze3A_1106 : i32
      %min3A_1283 = arith.constant 384 : i32
      %min3A_1284 = arith.minsi %add3A_1273, %min3A_1283 : i32
      %min3A_1285 = arith.constant 384 : i32
      %min3A_1286 = arith.minsi %add3A_1282, %min3A_1285 : i32
      scf.yield %min3A_1284, %min3A_1286 : i32, i32
    }
    %scan3A_71 = arith.constant 64 : i32
    %swap3A_72 = arith.index_cast %scan3A_70#0 : i32 to index
    %swap3A_73 = tpu.vector_load %arg11[%swap3A_72] {strides = array<i32>} : memref<512xf32, #tpu.memory_space<vmem>>, vector<16xf32>,
    tpu.vector_store %arg11[%swap3A_72], %broadcast_in_dim3A_42 {strides = array<i32>} : memref<512xf32, #tpu.memory_space<vmem>>, vector<16xf32>,
    %swap3A_74 = arith.index_cast %scan3A_70#1 : i32 to index
    %swap3A_75 = tpu.vector_load %arg13[%swap3A_74] {strides = array<i32>} : memref<512xf32, #tpu.memory_space<vmem>>, vector<16xf32>,
    tpu.vector_store %arg13[%swap3A_74], %broadcast_in_dim3A_42 {strides = array<i32>} : memref<512xf32, #tpu.memory_space<vmem>>, vector<16xf32>,
    %iota3A_76 = tpu.iota {dimensions = array<i32: 0>} : vector<16xi32>
    %broadcast_in_dim3A_77 = arith.constant 0xFF800000 : f32
    %broadcast_in_dim3A_78 = vector.broadcast %broadcast_in_dim3A_77 : f32 to vector<16xf32>
    %add3A_79 = arith.constant 15 : i32
    %add3A_80 = arith.addi %scan3A_70#0, %add3A_79 : i32
    %shift_right_logical3A_81 = arith.constant 4 : i32
    %shift_right_logical3A_82 = arith.shrui %add3A_80, %shift_right_logical3A_81 : i32
    %broadcast_in_dim3A_83 = arith.constant 0 : i32
    %broadcast_in_dim3A_84 = vector.broadcast %broadcast_in_dim3A_83 : i32 to vector<16xi32>
    %while3A = arith.constant 0 : i32
    %while3A_85 = arith.subi %shift_right_logical3A_82, %while3A : i32
    %while3A_86 = arith.addi %while3A, %while3A_85 : i32
    %while3A_87 = arith.constant 1 : i32
    %while3A_88 = arith.divsi %while3A_85, %while3A_87 : i32
    %while3A_89 = arith.muli %while3A_88, %while3A_87 : i32
    %while3A_90 = arith.addi %while3A, %while3A_89 : i32
    %while3A_91 = arith.constant 1 : i32
    %while3A_92:2 = scf.for %while3A_897 = %while3A to %while3A_90 step %while3A_91 iter_args(%while3A_898 = %broadcast_in_dim3A_78, %while3A_899 = %broadcast_in_dim3A_78) -> (vector<16xf32>, vector<16xf32>)  : i32 {
      %mul3A_900 = arith.constant 16 : i32
      %mul3A_901 = arith.muli %while3A_897, %mul3A_900 : i32
      %get3A_902 = arith.index_cast %mul3A_901 : i32 to index
      %get3A_903 = tpu.vector_load %arg11[%get3A_902] {strides = array<i32>} : memref<512xf32, #tpu.memory_space<vmem>>, vector<16xf32>,
      %iota3A_904 = tpu.iota {dimensions = array<i32: 0>} : vector<16xi32>
      %xor3A = arith.constant 8 : i32
      %xor3A_905 = vector.broadcast %xor3A : i32 to vector<16xi32>
      %xor3A_906 = arith.xori %iota3A_904, %xor3A_905 : vector<16xi32>
      %broadcast_in_dim3A_907 = vector.shape_cast %xor3A_906 : vector<16xi32> to vector<16x1xi32>
      %gather3A_908 = vector.shape_cast %broadcast_in_dim3A_907 : vector<16x1xi32> to vector<16xi32>
      %gather3A_909 = tpu.dynamic_gather %get3A_903[%gather3A_908] in [0] : vector<16xf32>, vector<16xi32> -> vector<16xf32>
      %max3A_910 = arith.maximumf %get3A_903, %gather3A_909 : vector<16xf32>
      %xor3A_911 = arith.constant 4 : i32
      %xor3A_912 = vector.broadcast %xor3A_911 : i32 to vector<16xi32>
      %xor3A_913 = arith.xori %iota3A_904, %xor3A_912 : vector<16xi32>
      %broadcast_in_dim3A_914 = vector.shape_cast %xor3A_913 : vector<16xi32> to vector<16x1xi32>
      %gather3A_915 = vector.shape_cast %broadcast_in_dim3A_914 : vector<16x1xi32> to vector<16xi32>
      %gather3A_916 = tpu.dynamic_gather %max3A_910[%gather3A_915] in [0] : vector<16xf32>, vector<16xi32> -> vector<16xf32>
      %max3A_917 = arith.maximumf %max3A_910, %gather3A_916 : vector<16xf32>
      %xor3A_918 = arith.constant 2 : i32
      %xor3A_919 = vector.broadcast %xor3A_918 : i32 to vector<16xi32>
      %xor3A_920 = arith.xori %iota3A_904, %xor3A_919 : vector<16xi32>
      %broadcast_in_dim3A_921 = vector.shape_cast %xor3A_920 : vector<16xi32> to vector<16x1xi32>
      %gather3A_922 = vector.shape_cast %broadcast_in_dim3A_921 : vector<16x1xi32> to vector<16xi32>
      %gather3A_923 = tpu.dynamic_gather %max3A_917[%gather3A_922] in [0] : vector<16xf32>, vector<16xi32> -> vector<16xf32>
      %max3A_924 = arith.maximumf %max3A_917, %gather3A_923 : vector<16xf32>
      %xor3A_925 = arith.constant 1 : i32
      %xor3A_926 = vector.broadcast %xor3A_925 : i32 to vector<16xi32>
      %xor3A_927 = arith.xori %iota3A_904, %xor3A_926 : vector<16xi32>
      %broadcast_in_dim3A_928 = vector.shape_cast %xor3A_927 : vector<16xi32> to vector<16x1xi32>
      %gather3A_929 = vector.shape_cast %broadcast_in_dim3A_928 : vector<16x1xi32> to vector<16xi32>
      %gather3A_930 = tpu.dynamic_gather %max3A_924[%gather3A_929] in [0] : vector<16xf32>, vector<16xi32> -> vector<16xf32>
      %max3A_931 = arith.maximumf %max3A_924, %gather3A_930 : vector<16xf32>
      %jit3A_932 = arith.constant 16 : i32
      %eq3A_933 = arith.constant 0 : i32
      %eq3A_934 = arith.cmpi eq, %jit3A_932, %eq3A_933 : i32
      %jit3A_935 = arith.constant 1 : i32
      %select_n3A_936 = arith.select %eq3A_934, %jit3A_935, %jit3A_932 : i32
      %rem3A_937 = arith.remsi %while3A_897, %select_n3A_936 : i32
      %ne3A_938 = arith.constant 0 : i32
      %ne3A_939 = arith.cmpi ne, %rem3A_937, %ne3A_938 : i32
      %lt3A_940 = arith.constant 0 : i32
      %lt3A_941 = arith.cmpi slt, %rem3A_937, %lt3A_940 : i32
      %lt3A_942 = arith.constant 0 : i32
      %lt3A_943 = arith.cmpi slt, %select_n3A_936, %lt3A_942 : i32
      %ne3A_944 = arith.xori %lt3A_941, %lt3A_943 : i1
      %and3A_945 = arith.andi %ne3A_944, %ne3A_939 : i1
      %add3A_946 = arith.addi %rem3A_937, %select_n3A_936 : i32
      %select_n3A_947 = arith.select %and3A_945, %add3A_946, %rem3A_937 : i32
      %eq3A_948 = vector.broadcast %select_n3A_947 : i32 to vector<16xi32>
      %eq3A_949 = arith.cmpi eq, %iota3A_76, %eq3A_948 : vector<16xi32>
      %lt3A_950 = arith.constant 16 : i32
      %lt3A_951 = arith.cmpi slt, %while3A_897, %lt3A_950 : i32
      %and3A_952 = vector.broadcast %lt3A_951 : i1 to vector<16xi1>
      %and3A_953 = arith.andi %and3A_952, %eq3A_949 : vector<16xi1>
      %select_n3A_954 = arith.select %and3A_953, %max3A_931, %while3A_898 : vector<16xi1>, vector<16xf32>
      %not3A_955 = arith.constant true
      %not3A_956 = arith.xori %lt3A_951, %not3A_955 : i1
      %and3A_957 = vector.broadcast %not3A_956 : i1 to vector<16xi1>
      %and3A_958 = arith.andi %and3A_957, %eq3A_949 : vector<16xi1>
      %select_n3A_959 = arith.select %and3A_958, %max3A_931, %while3A_899 : vector<16xi1>, vector<16xf32>
      scf.yield %select_n3A_954, %select_n3A_959 : vector<16xf32>, vector<16xf32>
    }
    %while3A_93 = arith.constant 1 : i32
    %while3A_94:2 = scf.for %while3A_897 = %while3A_90 to %while3A_86 step %while3A_93 iter_args(%while3A_898 = %while3A_92#0, %while3A_899 = %while3A_92#1) -> (vector<16xf32>, vector<16xf32>)  : i32 {
      %mul3A_900 = arith.constant 16 : i32
      %mul3A_901 = arith.muli %while3A_897, %mul3A_900 : i32
      %get3A_902 = arith.index_cast %mul3A_901 : i32 to index
      %get3A_903 = tpu.vector_load %arg11[%get3A_902] {strides = array<i32>} : memref<512xf32, #tpu.memory_space<vmem>>, vector<16xf32>,
      %iota3A_904 = tpu.iota {dimensions = array<i32: 0>} : vector<16xi32>
      %xor3A = arith.constant 8 : i32
      %xor3A_905 = vector.broadcast %xor3A : i32 to vector<16xi32>
      %xor3A_906 = arith.xori %iota3A_904, %xor3A_905 : vector<16xi32>
      %broadcast_in_dim3A_907 = vector.shape_cast %xor3A_906 : vector<16xi32> to vector<16x1xi32>
      %gather3A_908 = vector.shape_cast %broadcast_in_dim3A_907 : vector<16x1xi32> to vector<16xi32>
      %gather3A_909 = tpu.dynamic_gather %get3A_903[%gather3A_908] in [0] : vector<16xf32>, vector<16xi32> -> vector<16xf32>
      %max3A_910 = arith.maximumf %get3A_903, %gather3A_909 : vector<16xf32>
      %xor3A_911 = arith.constant 4 : i32
      %xor3A_912 = vector.broadcast %xor3A_911 : i32 to vector<16xi32>
      %xor3A_913 = arith.xori %iota3A_904, %xor3A_912 : vector<16xi32>
      %broadcast_in_dim3A_914 = vector.shape_cast %xor3A_913 : vector<16xi32> to vector<16x1xi32>
      %gather3A_915 = vector.shape_cast %broadcast_in_dim3A_914 : vector<16x1xi32> to vector<16xi32>
      %gather3A_916 = tpu.dynamic_gather %max3A_910[%gather3A_915] in [0] : vector<16xf32>, vector<16xi32> -> vector<16xf32>
      %max3A_917 = arith.maximumf %max3A_910, %gather3A_916 : vector<16xf32>
      %xor3A_918 = arith.constant 2 : i32
      %xor3A_919 = vector.broadcast %xor3A_918 : i32 to vector<16xi32>
      %xor3A_920 = arith.xori %iota3A_904, %xor3A_919 : vector<16xi32>
      %broadcast_in_dim3A_921 = vector.shape_cast %xor3A_920 : vector<16xi32> to vector<16x1xi32>
      %gather3A_922 = vector.shape_cast %broadcast_in_dim3A_921 : vector<16x1xi32> to vector<16xi32>
      %gather3A_923 = tpu.dynamic_gather %max3A_917[%gather3A_922] in [0] : vector<16xf32>, vector<16xi32> -> vector<16xf32>
      %max3A_924 = arith.maximumf %max3A_917, %gather3A_923 : vector<16xf32>
      %xor3A_925 = arith.constant 1 : i32
      %xor3A_926 = vector.broadcast %xor3A_925 : i32 to vector<16xi32>
      %xor3A_927 = arith.xori %iota3A_904, %xor3A_926 : vector<16xi32>
      %broadcast_in_dim3A_928 = vector.shape_cast %xor3A_927 : vector<16xi32> to vector<16x1xi32>
      %gather3A_929 = vector.shape_cast %broadcast_in_dim3A_928 : vector<16x1xi32> to vector<16xi32>
      %gather3A_930 = tpu.dynamic_gather %max3A_924[%gather3A_929] in [0] : vector<16xf32>, vector<16xi32> -> vector<16xf32>
      %max3A_931 = arith.maximumf %max3A_924, %gather3A_930 : vector<16xf32>
      %jit3A_932 = arith.constant 16 : i32
      %eq3A_933 = arith.constant 0 : i32
      %eq3A_934 = arith.cmpi eq, %jit3A_932, %eq3A_933 : i32
      %jit3A_935 = arith.constant 1 : i32
      %select_n3A_936 = arith.select %eq3A_934, %jit3A_935, %jit3A_932 : i32
      %rem3A_937 = arith.remsi %while3A_897, %select_n3A_936 : i32
      %ne3A_938 = arith.constant 0 : i32
      %ne3A_939 = arith.cmpi ne, %rem3A_937, %ne3A_938 : i32
      %lt3A_940 = arith.constant 0 : i32
      %lt3A_941 = arith.cmpi slt, %rem3A_937, %lt3A_940 : i32
      %lt3A_942 = arith.constant 0 : i32
      %lt3A_943 = arith.cmpi slt, %select_n3A_936, %lt3A_942 : i32
      %ne3A_944 = arith.xori %lt3A_941, %lt3A_943 : i1
      %and3A_945 = arith.andi %ne3A_944, %ne3A_939 : i1
      %add3A_946 = arith.addi %rem3A_937, %select_n3A_936 : i32
      %select_n3A_947 = arith.select %and3A_945, %add3A_946, %rem3A_937 : i32
      %eq3A_948 = vector.broadcast %select_n3A_947 : i32 to vector<16xi32>
      %eq3A_949 = arith.cmpi eq, %iota3A_76, %eq3A_948 : vector<16xi32>
      %lt3A_950 = arith.constant 16 : i32
      %lt3A_951 = arith.cmpi slt, %while3A_897, %lt3A_950 : i32
      %and3A_952 = vector.broadcast %lt3A_951 : i1 to vector<16xi1>
      %and3A_953 = arith.andi %and3A_952, %eq3A_949 : vector<16xi1>
      %select_n3A_954 = arith.select %and3A_953, %max3A_931, %while3A_898 : vector<16xi1>, vector<16xf32>
      %not3A_955 = arith.constant true
      %not3A_956 = arith.xori %lt3A_951, %not3A_955 : i1
      %and3A_957 = vector.broadcast %not3A_956 : i1 to vector<16xi1>
      %and3A_958 = arith.andi %and3A_957, %eq3A_949 : vector<16xi1>
      %select_n3A_959 = arith.select %and3A_958, %max3A_931, %while3A_899 : vector<16xi1>, vector<16xf32>
      scf.yield %select_n3A_954, %select_n3A_959 : vector<16xf32>, vector<16xf32>
    }
    %scan3A_95 = arith.constant 0 : i32
    %scan3A_96 = arith.constant 32 : i32
    %scan3A_97 = arith.addi %scan3A_95, %scan3A_96 : i32
    %scan3A_98 = arith.constant 1 : i32
    %scan3A_99:6 = scf.for %scan3A_897 = %scan3A_95 to %scan3A_97 step %scan3A_98 iter_args(%scan3A_898 = %broadcast_in_dim3A_84, %scan3A_899 = %broadcast_in_dim3A_84, %scan3A_900 = %broadcast_in_dim3A_78, %scan3A_901 = %broadcast_in_dim3A_78, %scan3A_902 = %while3A_94#0, %scan3A_903 = %while3A_94#1) -> (vector<16xi32>, vector<16xi32>, vector<16xf32>, vector<16xf32>, vector<16xf32>, vector<16xf32>)  : i32 {
      %max3A_904 = arith.maximumf %scan3A_902, %scan3A_903 : vector<16xf32>
      %iota3A_905 = tpu.iota {dimensions = array<i32: 0>} : vector<16xi32>
      %xor3A = arith.constant 8 : i32
      %xor3A_906 = vector.broadcast %xor3A : i32 to vector<16xi32>
      %xor3A_907 = arith.xori %iota3A_905, %xor3A_906 : vector<16xi32>
      %broadcast_in_dim3A_908 = vector.shape_cast %xor3A_907 : vector<16xi32> to vector<16x1xi32>
      %gather3A_909 = vector.shape_cast %broadcast_in_dim3A_908 : vector<16x1xi32> to vector<16xi32>
      %gather3A_910 = tpu.dynamic_gather %max3A_904[%gather3A_909] in [0] : vector<16xf32>, vector<16xi32> -> vector<16xf32>
      %max3A_911 = arith.maximumf %max3A_904, %gather3A_910 : vector<16xf32>
      %xor3A_912 = arith.constant 4 : i32
      %xor3A_913 = vector.broadcast %xor3A_912 : i32 to vector<16xi32>
      %xor3A_914 = arith.xori %iota3A_905, %xor3A_913 : vector<16xi32>
      %broadcast_in_dim3A_915 = vector.shape_cast %xor3A_914 : vector<16xi32> to vector<16x1xi32>
      %gather3A_916 = vector.shape_cast %broadcast_in_dim3A_915 : vector<16x1xi32> to vector<16xi32>
      %gather3A_917 = tpu.dynamic_gather %max3A_911[%gather3A_916] in [0] : vector<16xf32>, vector<16xi32> -> vector<16xf32>
      %max3A_918 = arith.maximumf %max3A_911, %gather3A_917 : vector<16xf32>
      %xor3A_919 = arith.constant 2 : i32
      %xor3A_920 = vector.broadcast %xor3A_919 : i32 to vector<16xi32>
      %xor3A_921 = arith.xori %iota3A_905, %xor3A_920 : vector<16xi32>
      %broadcast_in_dim3A_922 = vector.shape_cast %xor3A_921 : vector<16xi32> to vector<16x1xi32>
      %gather3A_923 = vector.shape_cast %broadcast_in_dim3A_922 : vector<16x1xi32> to vector<16xi32>
      %gather3A_924 = tpu.dynamic_gather %max3A_918[%gather3A_923] in [0] : vector<16xf32>, vector<16xi32> -> vector<16xf32>
      %max3A_925 = arith.maximumf %max3A_918, %gather3A_924 : vector<16xf32>
      %xor3A_926 = arith.constant 1 : i32
      %xor3A_927 = vector.broadcast %xor3A_926 : i32 to vector<16xi32>
      %xor3A_928 = arith.xori %iota3A_905, %xor3A_927 : vector<16xi32>
      %broadcast_in_dim3A_929 = vector.shape_cast %xor3A_928 : vector<16xi32> to vector<16x1xi32>
      %gather3A_930 = vector.shape_cast %broadcast_in_dim3A_929 : vector<16x1xi32> to vector<16xi32>
      %gather3A_931 = tpu.dynamic_gather %max3A_925[%gather3A_930] in [0] : vector<16xf32>, vector<16xi32> -> vector<16xf32>
      %max3A_932 = arith.maximumf %max3A_925, %gather3A_931 : vector<16xf32>
      %eq3A_933 = arith.cmpf oeq, %scan3A_902, %max3A_932 : vector<16xf32>
      %all_reduce_population_count3A = tpu.all_reduce %eq3A_933 {dim = 0 : i64, kind = #tpu.reduction_kind<sum>} : vector<16xi1> -> vector<16xi32>
      %slice3A_934 = vector.extract_strided_slice %all_reduce_population_count3A {offsets = [0], sizes = [1], strides = [1]} : vector<16xi32> to vector<1xi32>
      %squeeze3A_935 = vector.extract %slice3A_934[0] : i32 from vector<1xi32>
      %gt3A_936 = arith.constant 0 : i32
      %gt3A_937 = arith.cmpi sgt, %squeeze3A_935, %gt3A_936 : i32
      %eq3A_938 = arith.cmpf oeq, %scan3A_903, %max3A_932 : vector<16xf32>
      %select_n3A_939 = arith.select %gt3A_937, %eq3A_933, %eq3A_938 : vector<16xi1>
      %all_reduce_ffs3A = tpu.all_reduce %select_n3A_939 {dim = 0 : i64, kind = #tpu.reduction_kind<find_first_set>} : vector<16xi1> -> vector<16xi32>
      %jit3A_940 = arith.constant 0 : i32
      %jit3A_941 = arith.constant 15 : i32
      %max3A_942 = vector.broadcast %jit3A_940 : i32 to vector<16xi32>
      %max3A_943 = arith.maxsi %max3A_942, %all_reduce_ffs3A : vector<16xi32>
      %min3A_944 = vector.broadcast %jit3A_941 : i32 to vector<16xi32>
      %min3A_945 = arith.minsi %min3A_944, %max3A_943 : vector<16xi32>
      %slice3A_946 = vector.extract_strided_slice %min3A_945 {offsets = [0], sizes = [1], strides = [1]} : vector<16xi32> to vector<1xi32>
      %squeeze3A_947 = vector.extract %slice3A_946[0] : i32 from vector<1xi32>
      %add3A_948 = arith.constant 16 : i32
      %add3A_949 = arith.addi %squeeze3A_947, %add3A_948 : i32
      %select_n3A_950 = arith.select %gt3A_937, %squeeze3A_947, %add3A_949 : i32
      %mul3A_951 = arith.constant 16 : i32
      %mul3A_952 = arith.muli %select_n3A_950, %mul3A_951 : i32
      %get3A_953 = arith.index_cast %mul3A_952 : i32 to index
      %get3A_954 = tpu.vector_load %arg11[%get3A_953] {strides = array<i32>} : memref<512xf32, #tpu.memory_space<vmem>>, vector<16xf32>,
      %eq3A_955 = arith.cmpf oeq, %get3A_954, %max3A_932 : vector<16xf32>
      %all_reduce_ffs3A_956 = tpu.all_reduce %eq3A_955 {dim = 0 : i64, kind = #tpu.reduction_kind<find_first_set>} : vector<16xi1> -> vector<16xi32>
      %jit3A_957 = arith.constant 0 : i32
      %jit3A_958 = arith.constant 15 : i32
      %max3A_959 = vector.broadcast %jit3A_957 : i32 to vector<16xi32>
      %max3A_960 = arith.maxsi %max3A_959, %all_reduce_ffs3A_956 : vector<16xi32>
      %min3A_961 = vector.broadcast %jit3A_958 : i32 to vector<16xi32>
      %min3A_962 = arith.minsi %min3A_961, %max3A_960 : vector<16xi32>
      %eq3A_963 = arith.cmpi eq, %iota3A_76, %min3A_962 : vector<16xi32>
      %and3A_964 = arith.andi %eq3A_955, %eq3A_963 : vector<16xi1>
      %jit3A_965 = arith.constant 0xFF800000 : f32
      %broadcast_in_dim3A_966 = vector.broadcast %jit3A_965 : f32 to vector<16xf32>
      %select_n3A_967 = arith.select %and3A_964, %broadcast_in_dim3A_966, %get3A_954 : vector<16xi1>, vector<16xf32>
      %mul3A_968 = arith.constant 16 : i32
      %mul3A_969 = arith.muli %select_n3A_950, %mul3A_968 : i32
      %swap3A_970 = arith.index_cast %mul3A_969 : i32 to index
      %swap3A_971 = tpu.vector_load %arg11[%swap3A_970] {strides = array<i32>} : memref<512xf32, #tpu.memory_space<vmem>>, vector<16xf32>,
      tpu.vector_store %arg11[%swap3A_970], %select_n3A_967 {strides = array<i32>} : memref<512xf32, #tpu.memory_space<vmem>>, vector<16xf32>,
      %mul3A_972 = arith.constant 16 : i32
      %mul3A_973 = arith.muli %select_n3A_950, %mul3A_972 : i32
      %get3A_974 = arith.index_cast %mul3A_973 : i32 to index
      %get3A_975 = tpu.vector_load %arg12[%get3A_974] {strides = array<i32>} : memref<512xi32, #tpu.memory_space<vmem>>, vector<16xi32>,
      %broadcast_in_dim3A_976 = vector.shape_cast %min3A_962 : vector<16xi32> to vector<16x1xi32>
      %gather3A_977 = vector.shape_cast %broadcast_in_dim3A_976 : vector<16x1xi32> to vector<16xi32>
      %gather3A_978 = tpu.dynamic_gather %get3A_975[%gather3A_977] in [0] : vector<16xi32>, vector<16xi32> -> vector<16xi32>
      %iota3A_979 = tpu.iota {dimensions = array<i32: 0>} : vector<16xi32>
      %xor3A_980 = arith.constant 8 : i32
      %xor3A_981 = vector.broadcast %xor3A_980 : i32 to vector<16xi32>
      %xor3A_982 = arith.xori %iota3A_979, %xor3A_981 : vector<16xi32>
      %broadcast_in_dim3A_983 = vector.shape_cast %xor3A_982 : vector<16xi32> to vector<16x1xi32>
      %gather3A_984 = vector.shape_cast %broadcast_in_dim3A_983 : vector<16x1xi32> to vector<16xi32>
      %gather3A_985 = tpu.dynamic_gather %select_n3A_967[%gather3A_984] in [0] : vector<16xf32>, vector<16xi32> -> vector<16xf32>
      %max3A_986 = arith.maximumf %select_n3A_967, %gather3A_985 : vector<16xf32>
      %xor3A_987 = arith.constant 4 : i32
      %xor3A_988 = vector.broadcast %xor3A_987 : i32 to vector<16xi32>
      %xor3A_989 = arith.xori %iota3A_979, %xor3A_988 : vector<16xi32>
      %broadcast_in_dim3A_990 = vector.shape_cast %xor3A_989 : vector<16xi32> to vector<16x1xi32>
      %gather3A_991 = vector.shape_cast %broadcast_in_dim3A_990 : vector<16x1xi32> to vector<16xi32>
      %gather3A_992 = tpu.dynamic_gather %max3A_986[%gather3A_991] in [0] : vector<16xf32>, vector<16xi32> -> vector<16xf32>
      %max3A_993 = arith.maximumf %max3A_986, %gather3A_992 : vector<16xf32>
      %xor3A_994 = arith.constant 2 : i32
      %xor3A_995 = vector.broadcast %xor3A_994 : i32 to vector<16xi32>
      %xor3A_996 = arith.xori %iota3A_979, %xor3A_995 : vector<16xi32>
      %broadcast_in_dim3A_997 = vector.shape_cast %xor3A_996 : vector<16xi32> to vector<16x1xi32>
      %gather3A_998 = vector.shape_cast %broadcast_in_dim3A_997 : vector<16x1xi32> to vector<16xi32>
      %gather3A_999 = tpu.dynamic_gather %max3A_993[%gather3A_998] in [0] : vector<16xf32>, vector<16xi32> -> vector<16xf32>
      %max3A_1000 = arith.maximumf %max3A_993, %gather3A_999 : vector<16xf32>
      %xor3A_1001 = arith.constant 1 : i32
      %xor3A_1002 = vector.broadcast %xor3A_1001 : i32 to vector<16xi32>
      %xor3A_1003 = arith.xori %iota3A_979, %xor3A_1002 : vector<16xi32>
      %broadcast_in_dim3A_1004 = vector.shape_cast %xor3A_1003 : vector<16xi32> to vector<16x1xi32>
      %gather3A_1005 = vector.shape_cast %broadcast_in_dim3A_1004 : vector<16x1xi32> to vector<16xi32>
      %gather3A_1006 = tpu.dynamic_gather %max3A_1000[%gather3A_1005] in [0] : vector<16xf32>, vector<16xi32> -> vector<16xf32>
      %max3A_1007 = arith.maximumf %max3A_1000, %gather3A_1006 : vector<16xf32>
      %jit3A_1008 = arith.constant 16 : i32
      %eq3A_1009 = arith.constant 0 : i32
      %eq3A_1010 = arith.cmpi eq, %jit3A_1008, %eq3A_1009 : i32
      %jit3A_1011 = arith.constant 1 : i32
      %select_n3A_1012 = arith.select %eq3A_1010, %jit3A_1011, %jit3A_1008 : i32
      %rem3A_1013 = arith.remsi %select_n3A_950, %select_n3A_1012 : i32
      %ne3A_1014 = arith.constant 0 : i32
      %ne3A_1015 = arith.cmpi ne, %rem3A_1013, %ne3A_1014 : i32
      %lt3A_1016 = arith.constant 0 : i32
      %lt3A_1017 = arith.cmpi slt, %rem3A_1013, %lt3A_1016 : i32
      %lt3A_1018 = arith.constant 0 : i32
      %lt3A_1019 = arith.cmpi slt, %select_n3A_1012, %lt3A_1018 : i32
      %ne3A_1020 = arith.xori %lt3A_1017, %lt3A_1019 : i1
      %and3A_1021 = arith.andi %ne3A_1020, %ne3A_1015 : i1
      %add3A_1022 = arith.addi %rem3A_1013, %select_n3A_1012 : i32
      %select_n3A_1023 = arith.select %and3A_1021, %add3A_1022, %rem3A_1013 : i32
      %eq3A_1024 = vector.broadcast %select_n3A_1023 : i32 to vector<16xi32>
      %eq3A_1025 = arith.cmpi eq, %iota3A_76, %eq3A_1024 : vector<16xi32>
      %lt3A_1026 = arith.constant 16 : i32
      %lt3A_1027 = arith.cmpi slt, %select_n3A_950, %lt3A_1026 : i32
      %and3A_1028 = vector.broadcast %lt3A_1027 : i1 to vector<16xi1>
      %and3A_1029 = arith.andi %and3A_1028, %eq3A_1025 : vector<16xi1>
      %select_n3A_1030 = arith.select %and3A_1029, %max3A_1007, %scan3A_902 : vector<16xi1>, vector<16xf32>
      %ge3A_1031 = arith.constant 16 : i32
      %ge3A_1032 = arith.cmpi sge, %select_n3A_950, %ge3A_1031 : i32
      %and3A_1033 = vector.broadcast %ge3A_1032 : i1 to vector<16xi1>
      %and3A_1034 = arith.andi %and3A_1033, %eq3A_1025 : vector<16xi1>
      %select_n3A_1035 = arith.select %and3A_1034, %max3A_1007, %scan3A_903 : vector<16xi1>, vector<16xf32>
      %jit3A_1036 = arith.constant 16 : i32
      %eq3A_1037 = arith.constant 0 : i32
      %eq3A_1038 = arith.cmpi eq, %jit3A_1036, %eq3A_1037 : i32
      %jit3A_1039 = arith.constant 1 : i32
      %select_n3A_1040 = arith.select %eq3A_1038, %jit3A_1039, %jit3A_1036 : i32
      %rem3A_1041 = arith.remsi %scan3A_897, %select_n3A_1040 : i32
      %ne3A_1042 = arith.constant 0 : i32
      %ne3A_1043 = arith.cmpi ne, %rem3A_1041, %ne3A_1042 : i32
      %lt3A_1044 = arith.constant 0 : i32
      %lt3A_1045 = arith.cmpi slt, %rem3A_1041, %lt3A_1044 : i32
      %lt3A_1046 = arith.constant 0 : i32
      %lt3A_1047 = arith.cmpi slt, %select_n3A_1040, %lt3A_1046 : i32
      %ne3A_1048 = arith.xori %lt3A_1045, %lt3A_1047 : i1
      %and3A_1049 = arith.andi %ne3A_1048, %ne3A_1043 : i1
      %add3A_1050 = arith.addi %rem3A_1041, %select_n3A_1040 : i32
      %select_n3A_1051 = arith.select %and3A_1049, %add3A_1050, %rem3A_1041 : i32
      %eq3A_1052 = vector.broadcast %select_n3A_1051 : i32 to vector<16xi32>
      %eq3A_1053 = arith.cmpi eq, %iota3A_76, %eq3A_1052 : vector<16xi32>
      %lt3A_1054 = arith.constant 16 : i32
      %lt3A_1055 = arith.cmpi slt, %scan3A_897, %lt3A_1054 : i32
      %and3A_1056 = vector.broadcast %lt3A_1055 : i1 to vector<16xi1>
      %and3A_1057 = arith.andi %and3A_1056, %eq3A_1053 : vector<16xi1>
      %select_n3A_1058 = arith.select %and3A_1057, %gather3A_978, %scan3A_898 : vector<16xi1>, vector<16xi32>
      %not3A_1059 = arith.constant true
      %not3A_1060 = arith.xori %lt3A_1055, %not3A_1059 : i1
      %and3A_1061 = vector.broadcast %not3A_1060 : i1 to vector<16xi1>
      %and3A_1062 = arith.andi %and3A_1061, %eq3A_1053 : vector<16xi1>
      %select_n3A_1063 = arith.select %and3A_1062, %gather3A_978, %scan3A_899 : vector<16xi1>, vector<16xi32>
      %and3A_1064 = vector.broadcast %lt3A_1055 : i1 to vector<16xi1>
      %and3A_1065 = arith.andi %and3A_1064, %eq3A_1053 : vector<16xi1>
      %select_n3A_1066 = arith.select %and3A_1065, %max3A_932, %scan3A_900 : vector<16xi1>, vector<16xf32>
      %not3A_1067 = arith.constant true
      %not3A_1068 = arith.xori %lt3A_1055, %not3A_1067 : i1
      %and3A_1069 = vector.broadcast %not3A_1068 : i1 to vector<16xi1>
      %and3A_1070 = arith.andi %and3A_1069, %eq3A_1053 : vector<16xi1>
      %select_n3A_1071 = arith.select %and3A_1070, %max3A_932, %scan3A_901 : vector<16xi1>, vector<16xf32>
      scf.yield %select_n3A_1058, %select_n3A_1063, %select_n3A_1066, %select_n3A_1071, %select_n3A_1030, %select_n3A_1035 : vector<16xi32>, vector<16xi32>, vector<16xf32>, vector<16xf32>, vector<16xf32>, vector<16xf32>
    }
    %scan3A_100 = arith.constant 32 : i32
    %swap3A_101 = arith.constant 0 : index
    %swap3A_102 = tpu.vector_load %arg15[%swap3A_101] {strides = array<i32>} : memref<64xi32, #tpu.memory_space<vmem>>, vector<16xi32>,
    tpu.vector_store %arg15[%swap3A_101], %scan3A_99#0 {strides = array<i32>} : memref<64xi32, #tpu.memory_space<vmem>>, vector<16xi32>,
    %swap3A_103 = arith.constant 16 : index
    %swap3A_104 = tpu.vector_load %arg15[%swap3A_103] {strides = array<i32>} : memref<64xi32, #tpu.memory_space<vmem>>, vector<16xi32>,
    tpu.vector_store %arg15[%swap3A_103], %scan3A_99#1 {strides = array<i32>} : memref<64xi32, #tpu.memory_space<vmem>>, vector<16xi32>,
    %swap3A_105 = arith.constant 0 : index
    %swap3A_106 = tpu.vector_load %arg16[%swap3A_105] {strides = array<i32>} : memref<64xf32, #tpu.memory_space<vmem>>, vector<16xf32>,
    tpu.vector_store %arg16[%swap3A_105], %scan3A_99#2 {strides = array<i32>} : memref<64xf32, #tpu.memory_space<vmem>>, vector<16xf32>,
    %swap3A_107 = arith.constant 16 : index
    %swap3A_108 = tpu.vector_load %arg16[%swap3A_107] {strides = array<i32>} : memref<64xf32, #tpu.memory_space<vmem>>, vector<16xf32>,
    tpu.vector_store %arg16[%swap3A_107], %scan3A_99#3 {strides = array<i32>} : memref<64xf32, #tpu.memory_space<vmem>>, vector<16xf32>,
    %iota3A_109 = tpu.iota {dimensions = array<i32: 0>} : vector<16xi32>
    %broadcast_in_dim3A_110 = arith.constant 0xFF800000 : f32
    %broadcast_in_dim3A_111 = vector.broadcast %broadcast_in_dim3A_110 : f32 to vector<16xf32>
    %add3A_112 = arith.constant 15 : i32
    %add3A_113 = arith.addi %scan3A_70#1, %add3A_112 : i32
    %shift_right_logical3A_114 = arith.constant 4 : i32
    %shift_right_logical3A_115 = arith.shrui %add3A_113, %shift_right_logical3A_114 : i32
    %broadcast_in_dim3A_116 = arith.constant 0 : i32
    %broadcast_in_dim3A_117 = vector.broadcast %broadcast_in_dim3A_116 : i32 to vector<16xi32>
    %while3A_118 = arith.constant 0 : i32
    %while3A_119 = arith.subi %shift_right_logical3A_115, %while3A_118 : i32
    %while3A_120 = arith.addi %while3A_118, %while3A_119 : i32
    %while3A_121 = arith.constant 1 : i32
    %while3A_122 = arith.divsi %while3A_119, %while3A_121 : i32
    %while3A_123 = arith.muli %while3A_122, %while3A_121 : i32
    %while3A_124 = arith.addi %while3A_118, %while3A_123 : i32
    %while3A_125 = arith.constant 1 : i32
    %while3A_126:2 = scf.for %while3A_897 = %while3A_118 to %while3A_124 step %while3A_125 iter_args(%while3A_898 = %broadcast_in_dim3A_111, %while3A_899 = %broadcast_in_dim3A_111) -> (vector<16xf32>, vector<16xf32>)  : i32 {
      %mul3A_900 = arith.constant 16 : i32
      %mul3A_901 = arith.muli %while3A_897, %mul3A_900 : i32
      %get3A_902 = arith.index_cast %mul3A_901 : i32 to index
      %get3A_903 = tpu.vector_load %arg13[%get3A_902] {strides = array<i32>} : memref<512xf32, #tpu.memory_space<vmem>>, vector<16xf32>,
      %iota3A_904 = tpu.iota {dimensions = array<i32: 0>} : vector<16xi32>
      %xor3A = arith.constant 8 : i32
      %xor3A_905 = vector.broadcast %xor3A : i32 to vector<16xi32>
      %xor3A_906 = arith.xori %iota3A_904, %xor3A_905 : vector<16xi32>
      %broadcast_in_dim3A_907 = vector.shape_cast %xor3A_906 : vector<16xi32> to vector<16x1xi32>
      %gather3A_908 = vector.shape_cast %broadcast_in_dim3A_907 : vector<16x1xi32> to vector<16xi32>
      %gather3A_909 = tpu.dynamic_gather %get3A_903[%gather3A_908] in [0] : vector<16xf32>, vector<16xi32> -> vector<16xf32>
      %max3A_910 = arith.maximumf %get3A_903, %gather3A_909 : vector<16xf32>
      %xor3A_911 = arith.constant 4 : i32
      %xor3A_912 = vector.broadcast %xor3A_911 : i32 to vector<16xi32>
      %xor3A_913 = arith.xori %iota3A_904, %xor3A_912 : vector<16xi32>
      %broadcast_in_dim3A_914 = vector.shape_cast %xor3A_913 : vector<16xi32> to vector<16x1xi32>
      %gather3A_915 = vector.shape_cast %broadcast_in_dim3A_914 : vector<16x1xi32> to vector<16xi32>
      %gather3A_916 = tpu.dynamic_gather %max3A_910[%gather3A_915] in [0] : vector<16xf32>, vector<16xi32> -> vector<16xf32>
      %max3A_917 = arith.maximumf %max3A_910, %gather3A_916 : vector<16xf32>
      %xor3A_918 = arith.constant 2 : i32
      %xor3A_919 = vector.broadcast %xor3A_918 : i32 to vector<16xi32>
      %xor3A_920 = arith.xori %iota3A_904, %xor3A_919 : vector<16xi32>
      %broadcast_in_dim3A_921 = vector.shape_cast %xor3A_920 : vector<16xi32> to vector<16x1xi32>
      %gather3A_922 = vector.shape_cast %broadcast_in_dim3A_921 : vector<16x1xi32> to vector<16xi32>
      %gather3A_923 = tpu.dynamic_gather %max3A_917[%gather3A_922] in [0] : vector<16xf32>, vector<16xi32> -> vector<16xf32>
      %max3A_924 = arith.maximumf %max3A_917, %gather3A_923 : vector<16xf32>
      %xor3A_925 = arith.constant 1 : i32
      %xor3A_926 = vector.broadcast %xor3A_925 : i32 to vector<16xi32>
      %xor3A_927 = arith.xori %iota3A_904, %xor3A_926 : vector<16xi32>
      %broadcast_in_dim3A_928 = vector.shape_cast %xor3A_927 : vector<16xi32> to vector<16x1xi32>
      %gather3A_929 = vector.shape_cast %broadcast_in_dim3A_928 : vector<16x1xi32> to vector<16xi32>
      %gather3A_930 = tpu.dynamic_gather %max3A_924[%gather3A_929] in [0] : vector<16xf32>, vector<16xi32> -> vector<16xf32>
      %max3A_931 = arith.maximumf %max3A_924, %gather3A_930 : vector<16xf32>
      %jit3A_932 = arith.constant 16 : i32
      %eq3A_933 = arith.constant 0 : i32
      %eq3A_934 = arith.cmpi eq, %jit3A_932, %eq3A_933 : i32
      %jit3A_935 = arith.constant 1 : i32
      %select_n3A_936 = arith.select %eq3A_934, %jit3A_935, %jit3A_932 : i32
      %rem3A_937 = arith.remsi %while3A_897, %select_n3A_936 : i32
      %ne3A_938 = arith.constant 0 : i32
      %ne3A_939 = arith.cmpi ne, %rem3A_937, %ne3A_938 : i32
      %lt3A_940 = arith.constant 0 : i32
      %lt3A_941 = arith.cmpi slt, %rem3A_937, %lt3A_940 : i32
      %lt3A_942 = arith.constant 0 : i32
      %lt3A_943 = arith.cmpi slt, %select_n3A_936, %lt3A_942 : i32
      %ne3A_944 = arith.xori %lt3A_941, %lt3A_943 : i1
      %and3A_945 = arith.andi %ne3A_944, %ne3A_939 : i1
      %add3A_946 = arith.addi %rem3A_937, %select_n3A_936 : i32
      %select_n3A_947 = arith.select %and3A_945, %add3A_946, %rem3A_937 : i32
      %eq3A_948 = vector.broadcast %select_n3A_947 : i32 to vector<16xi32>
      %eq3A_949 = arith.cmpi eq, %iota3A_109, %eq3A_948 : vector<16xi32>
      %lt3A_950 = arith.constant 16 : i32
      %lt3A_951 = arith.cmpi slt, %while3A_897, %lt3A_950 : i32
      %and3A_952 = vector.broadcast %lt3A_951 : i1 to vector<16xi1>
      %and3A_953 = arith.andi %and3A_952, %eq3A_949 : vector<16xi1>
      %select_n3A_954 = arith.select %and3A_953, %max3A_931, %while3A_898 : vector<16xi1>, vector<16xf32>
      %not3A_955 = arith.constant true
      %not3A_956 = arith.xori %lt3A_951, %not3A_955 : i1
      %and3A_957 = vector.broadcast %not3A_956 : i1 to vector<16xi1>
      %and3A_958 = arith.andi %and3A_957, %eq3A_949 : vector<16xi1>
      %select_n3A_959 = arith.select %and3A_958, %max3A_931, %while3A_899 : vector<16xi1>, vector<16xf32>
      scf.yield %select_n3A_954, %select_n3A_959 : vector<16xf32>, vector<16xf32>
    }
    %while3A_127 = arith.constant 1 : i32
    %while3A_128:2 = scf.for %while3A_897 = %while3A_124 to %while3A_120 step %while3A_127 iter_args(%while3A_898 = %while3A_126#0, %while3A_899 = %while3A_126#1) -> (vector<16xf32>, vector<16xf32>)  : i32 {
      %mul3A_900 = arith.constant 16 : i32
      %mul3A_901 = arith.muli %while3A_897, %mul3A_900 : i32
      %get3A_902 = arith.index_cast %mul3A_901 : i32 to index
      %get3A_903 = tpu.vector_load %arg13[%get3A_902] {strides = array<i32>} : memref<512xf32, #tpu.memory_space<vmem>>, vector<16xf32>,
      %iota3A_904 = tpu.iota {dimensions = array<i32: 0>} : vector<16xi32>
      %xor3A = arith.constant 8 : i32
      %xor3A_905 = vector.broadcast %xor3A : i32 to vector<16xi32>
      %xor3A_906 = arith.xori %iota3A_904, %xor3A_905 : vector<16xi32>
      %broadcast_in_dim3A_907 = vector.shape_cast %xor3A_906 : vector<16xi32> to vector<16x1xi32>
      %gather3A_908 = vector.shape_cast %broadcast_in_dim3A_907 : vector<16x1xi32> to vector<16xi32>
      %gather3A_909 = tpu.dynamic_gather %get3A_903[%gather3A_908] in [0] : vector<16xf32>, vector<16xi32> -> vector<16xf32>
      %max3A_910 = arith.maximumf %get3A_903, %gather3A_909 : vector<16xf32>
      %xor3A_911 = arith.constant 4 : i32
      %xor3A_912 = vector.broadcast %xor3A_911 : i32 to vector<16xi32>
      %xor3A_913 = arith.xori %iota3A_904, %xor3A_912 : vector<16xi32>
      %broadcast_in_dim3A_914 = vector.shape_cast %xor3A_913 : vector<16xi32> to vector<16x1xi32>
      %gather3A_915 = vector.shape_cast %broadcast_in_dim3A_914 : vector<16x1xi32> to vector<16xi32>
      %gather3A_916 = tpu.dynamic_gather %max3A_910[%gather3A_915] in [0] : vector<16xf32>, vector<16xi32> -> vector<16xf32>
      %max3A_917 = arith.maximumf %max3A_910, %gather3A_916 : vector<16xf32>
      %xor3A_918 = arith.constant 2 : i32
      %xor3A_919 = vector.broadcast %xor3A_918 : i32 to vector<16xi32>
      %xor3A_920 = arith.xori %iota3A_904, %xor3A_919 : vector<16xi32>
      %broadcast_in_dim3A_921 = vector.shape_cast %xor3A_920 : vector<16xi32> to vector<16x1xi32>
      %gather3A_922 = vector.shape_cast %broadcast_in_dim3A_921 : vector<16x1xi32> to vector<16xi32>
      %gather3A_923 = tpu.dynamic_gather %max3A_917[%gather3A_922] in [0] : vector<16xf32>, vector<16xi32> -> vector<16xf32>
      %max3A_924 = arith.maximumf %max3A_917, %gather3A_923 : vector<16xf32>
      %xor3A_925 = arith.constant 1 : i32
      %xor3A_926 = vector.broadcast %xor3A_925 : i32 to vector<16xi32>
      %xor3A_927 = arith.xori %iota3A_904, %xor3A_926 : vector<16xi32>
      %broadcast_in_dim3A_928 = vector.shape_cast %xor3A_927 : vector<16xi32> to vector<16x1xi32>
      %gather3A_929 = vector.shape_cast %broadcast_in_dim3A_928 : vector<16x1xi32> to vector<16xi32>
      %gather3A_930 = tpu.dynamic_gather %max3A_924[%gather3A_929] in [0] : vector<16xf32>, vector<16xi32> -> vector<16xf32>
      %max3A_931 = arith.maximumf %max3A_924, %gather3A_930 : vector<16xf32>
      %jit3A_932 = arith.constant 16 : i32
      %eq3A_933 = arith.constant 0 : i32
      %eq3A_934 = arith.cmpi eq, %jit3A_932, %eq3A_933 : i32
      %jit3A_935 = arith.constant 1 : i32
      %select_n3A_936 = arith.select %eq3A_934, %jit3A_935, %jit3A_932 : i32
      %rem3A_937 = arith.remsi %while3A_897, %select_n3A_936 : i32
      %ne3A_938 = arith.constant 0 : i32
      %ne3A_939 = arith.cmpi ne, %rem3A_937, %ne3A_938 : i32
      %lt3A_940 = arith.constant 0 : i32
      %lt3A_941 = arith.cmpi slt, %rem3A_937, %lt3A_940 : i32
      %lt3A_942 = arith.constant 0 : i32
      %lt3A_943 = arith.cmpi slt, %select_n3A_936, %lt3A_942 : i32
      %ne3A_944 = arith.xori %lt3A_941, %lt3A_943 : i1
      %and3A_945 = arith.andi %ne3A_944, %ne3A_939 : i1
      %add3A_946 = arith.addi %rem3A_937, %select_n3A_936 : i32
      %select_n3A_947 = arith.select %and3A_945, %add3A_946, %rem3A_937 : i32
      %eq3A_948 = vector.broadcast %select_n3A_947 : i32 to vector<16xi32>
      %eq3A_949 = arith.cmpi eq, %iota3A_109, %eq3A_948 : vector<16xi32>
      %lt3A_950 = arith.constant 16 : i32
      %lt3A_951 = arith.cmpi slt, %while3A_897, %lt3A_950 : i32
      %and3A_952 = vector.broadcast %lt3A_951 : i1 to vector<16xi1>
      %and3A_953 = arith.andi %and3A_952, %eq3A_949 : vector<16xi1>
      %select_n3A_954 = arith.select %and3A_953, %max3A_931, %while3A_898 : vector<16xi1>, vector<16xf32>
      %not3A_955 = arith.constant true
      %not3A_956 = arith.xori %lt3A_951, %not3A_955 : i1
      %and3A_957 = vector.broadcast %not3A_956 : i1 to vector<16xi1>
      %and3A_958 = arith.andi %and3A_957, %eq3A_949 : vector<16xi1>
      %select_n3A_959 = arith.select %and3A_958, %max3A_931, %while3A_899 : vector<16xi1>, vector<16xf32>
      scf.yield %select_n3A_954, %select_n3A_959 : vector<16xf32>, vector<16xf32>
    }
    %scan3A_129 = arith.constant 0 : i32
    %scan3A_130 = arith.constant 32 : i32
    %scan3A_131 = arith.addi %scan3A_129, %scan3A_130 : i32
    %scan3A_132 = arith.constant 1 : i32
    %scan3A_133:6 = scf.for %scan3A_897 = %scan3A_129 to %scan3A_131 step %scan3A_132 iter_args(%scan3A_898 = %broadcast_in_dim3A_117, %scan3A_899 = %broadcast_in_dim3A_117, %scan3A_900 = %broadcast_in_dim3A_111, %scan3A_901 = %broadcast_in_dim3A_111, %scan3A_902 = %while3A_128#0, %scan3A_903 = %while3A_128#1) -> (vector<16xi32>, vector<16xi32>, vector<16xf32>, vector<16xf32>, vector<16xf32>, vector<16xf32>)  : i32 {
      %max3A_904 = arith.maximumf %scan3A_902, %scan3A_903 : vector<16xf32>
      %iota3A_905 = tpu.iota {dimensions = array<i32: 0>} : vector<16xi32>
      %xor3A = arith.constant 8 : i32
      %xor3A_906 = vector.broadcast %xor3A : i32 to vector<16xi32>
      %xor3A_907 = arith.xori %iota3A_905, %xor3A_906 : vector<16xi32>
      %broadcast_in_dim3A_908 = vector.shape_cast %xor3A_907 : vector<16xi32> to vector<16x1xi32>
      %gather3A_909 = vector.shape_cast %broadcast_in_dim3A_908 : vector<16x1xi32> to vector<16xi32>
      %gather3A_910 = tpu.dynamic_gather %max3A_904[%gather3A_909] in [0] : vector<16xf32>, vector<16xi32> -> vector<16xf32>
      %max3A_911 = arith.maximumf %max3A_904, %gather3A_910 : vector<16xf32>
      %xor3A_912 = arith.constant 4 : i32
      %xor3A_913 = vector.broadcast %xor3A_912 : i32 to vector<16xi32>
      %xor3A_914 = arith.xori %iota3A_905, %xor3A_913 : vector<16xi32>
      %broadcast_in_dim3A_915 = vector.shape_cast %xor3A_914 : vector<16xi32> to vector<16x1xi32>
      %gather3A_916 = vector.shape_cast %broadcast_in_dim3A_915 : vector<16x1xi32> to vector<16xi32>
      %gather3A_917 = tpu.dynamic_gather %max3A_911[%gather3A_916] in [0] : vector<16xf32>, vector<16xi32> -> vector<16xf32>
      %max3A_918 = arith.maximumf %max3A_911, %gather3A_917 : vector<16xf32>
      %xor3A_919 = arith.constant 2 : i32
      %xor3A_920 = vector.broadcast %xor3A_919 : i32 to vector<16xi32>
      %xor3A_921 = arith.xori %iota3A_905, %xor3A_920 : vector<16xi32>
      %broadcast_in_dim3A_922 = vector.shape_cast %xor3A_921 : vector<16xi32> to vector<16x1xi32>
      %gather3A_923 = vector.shape_cast %broadcast_in_dim3A_922 : vector<16x1xi32> to vector<16xi32>
      %gather3A_924 = tpu.dynamic_gather %max3A_918[%gather3A_923] in [0] : vector<16xf32>, vector<16xi32> -> vector<16xf32>
      %max3A_925 = arith.maximumf %max3A_918, %gather3A_924 : vector<16xf32>
      %xor3A_926 = arith.constant 1 : i32
      %xor3A_927 = vector.broadcast %xor3A_926 : i32 to vector<16xi32>
      %xor3A_928 = arith.xori %iota3A_905, %xor3A_927 : vector<16xi32>
      %broadcast_in_dim3A_929 = vector.shape_cast %xor3A_928 : vector<16xi32> to vector<16x1xi32>
      %gather3A_930 = vector.shape_cast %broadcast_in_dim3A_929 : vector<16x1xi32> to vector<16xi32>
      %gather3A_931 = tpu.dynamic_gather %max3A_925[%gather3A_930] in [0] : vector<16xf32>, vector<16xi32> -> vector<16xf32>
      %max3A_932 = arith.maximumf %max3A_925, %gather3A_931 : vector<16xf32>
      %eq3A_933 = arith.cmpf oeq, %scan3A_902, %max3A_932 : vector<16xf32>
      %all_reduce_population_count3A = tpu.all_reduce %eq3A_933 {dim = 0 : i64, kind = #tpu.reduction_kind<sum>} : vector<16xi1> -> vector<16xi32>
      %slice3A_934 = vector.extract_strided_slice %all_reduce_population_count3A {offsets = [0], sizes = [1], strides = [1]} : vector<16xi32> to vector<1xi32>
      %squeeze3A_935 = vector.extract %slice3A_934[0] : i32 from vector<1xi32>
      %gt3A_936 = arith.constant 0 : i32
      %gt3A_937 = arith.cmpi sgt, %squeeze3A_935, %gt3A_936 : i32
      %eq3A_938 = arith.cmpf oeq, %scan3A_903, %max3A_932 : vector<16xf32>
      %select_n3A_939 = arith.select %gt3A_937, %eq3A_933, %eq3A_938 : vector<16xi1>
      %all_reduce_ffs3A = tpu.all_reduce %select_n3A_939 {dim = 0 : i64, kind = #tpu.reduction_kind<find_first_set>} : vector<16xi1> -> vector<16xi32>
      %jit3A_940 = arith.constant 0 : i32
      %jit3A_941 = arith.constant 15 : i32
      %max3A_942 = vector.broadcast %jit3A_940 : i32 to vector<16xi32>
      %max3A_943 = arith.maxsi %max3A_942, %all_reduce_ffs3A : vector<16xi32>
      %min3A_944 = vector.broadcast %jit3A_941 : i32 to vector<16xi32>
      %min3A_945 = arith.minsi %min3A_944, %max3A_943 : vector<16xi32>
      %slice3A_946 = vector.extract_strided_slice %min3A_945 {offsets = [0], sizes = [1], strides = [1]} : vector<16xi32> to vector<1xi32>
      %squeeze3A_947 = vector.extract %slice3A_946[0] : i32 from vector<1xi32>
      %add3A_948 = arith.constant 16 : i32
      %add3A_949 = arith.addi %squeeze3A_947, %add3A_948 : i32
      %select_n3A_950 = arith.select %gt3A_937, %squeeze3A_947, %add3A_949 : i32
      %mul3A_951 = arith.constant 16 : i32
      %mul3A_952 = arith.muli %select_n3A_950, %mul3A_951 : i32
      %get3A_953 = arith.index_cast %mul3A_952 : i32 to index
      %get3A_954 = tpu.vector_load %arg13[%get3A_953] {strides = array<i32>} : memref<512xf32, #tpu.memory_space<vmem>>, vector<16xf32>,
      %eq3A_955 = arith.cmpf oeq, %get3A_954, %max3A_932 : vector<16xf32>
      %all_reduce_ffs3A_956 = tpu.all_reduce %eq3A_955 {dim = 0 : i64, kind = #tpu.reduction_kind<find_first_set>} : vector<16xi1> -> vector<16xi32>
      %jit3A_957 = arith.constant 0 : i32
      %jit3A_958 = arith.constant 15 : i32
      %max3A_959 = vector.broadcast %jit3A_957 : i32 to vector<16xi32>
      %max3A_960 = arith.maxsi %max3A_959, %all_reduce_ffs3A_956 : vector<16xi32>
      %min3A_961 = vector.broadcast %jit3A_958 : i32 to vector<16xi32>
      %min3A_962 = arith.minsi %min3A_961, %max3A_960 : vector<16xi32>
      %eq3A_963 = arith.cmpi eq, %iota3A_109, %min3A_962 : vector<16xi32>
      %and3A_964 = arith.andi %eq3A_955, %eq3A_963 : vector<16xi1>
      %jit3A_965 = arith.constant 0xFF800000 : f32
      %broadcast_in_dim3A_966 = vector.broadcast %jit3A_965 : f32 to vector<16xf32>
      %select_n3A_967 = arith.select %and3A_964, %broadcast_in_dim3A_966, %get3A_954 : vector<16xi1>, vector<16xf32>
      %mul3A_968 = arith.constant 16 : i32
      %mul3A_969 = arith.muli %select_n3A_950, %mul3A_968 : i32
      %swap3A_970 = arith.index_cast %mul3A_969 : i32 to index
      %swap3A_971 = tpu.vector_load %arg13[%swap3A_970] {strides = array<i32>} : memref<512xf32, #tpu.memory_space<vmem>>, vector<16xf32>,
      tpu.vector_store %arg13[%swap3A_970], %select_n3A_967 {strides = array<i32>} : memref<512xf32, #tpu.memory_space<vmem>>, vector<16xf32>,
      %mul3A_972 = arith.constant 16 : i32
      %mul3A_973 = arith.muli %select_n3A_950, %mul3A_972 : i32
      %get3A_974 = arith.index_cast %mul3A_973 : i32 to index
      %get3A_975 = tpu.vector_load %arg14[%get3A_974] {strides = array<i32>} : memref<512xi32, #tpu.memory_space<vmem>>, vector<16xi32>,
      %broadcast_in_dim3A_976 = vector.shape_cast %min3A_962 : vector<16xi32> to vector<16x1xi32>
      %gather3A_977 = vector.shape_cast %broadcast_in_dim3A_976 : vector<16x1xi32> to vector<16xi32>
      %gather3A_978 = tpu.dynamic_gather %get3A_975[%gather3A_977] in [0] : vector<16xi32>, vector<16xi32> -> vector<16xi32>
      %iota3A_979 = tpu.iota {dimensions = array<i32: 0>} : vector<16xi32>
      %xor3A_980 = arith.constant 8 : i32
      %xor3A_981 = vector.broadcast %xor3A_980 : i32 to vector<16xi32>
      %xor3A_982 = arith.xori %iota3A_979, %xor3A_981 : vector<16xi32>
      %broadcast_in_dim3A_983 = vector.shape_cast %xor3A_982 : vector<16xi32> to vector<16x1xi32>
      %gather3A_984 = vector.shape_cast %broadcast_in_dim3A_983 : vector<16x1xi32> to vector<16xi32>
      %gather3A_985 = tpu.dynamic_gather %select_n3A_967[%gather3A_984] in [0] : vector<16xf32>, vector<16xi32> -> vector<16xf32>
      %max3A_986 = arith.maximumf %select_n3A_967, %gather3A_985 : vector<16xf32>
      %xor3A_987 = arith.constant 4 : i32
      %xor3A_988 = vector.broadcast %xor3A_987 : i32 to vector<16xi32>
      %xor3A_989 = arith.xori %iota3A_979, %xor3A_988 : vector<16xi32>
      %broadcast_in_dim3A_990 = vector.shape_cast %xor3A_989 : vector<16xi32> to vector<16x1xi32>
      %gather3A_991 = vector.shape_cast %broadcast_in_dim3A_990 : vector<16x1xi32> to vector<16xi32>
      %gather3A_992 = tpu.dynamic_gather %max3A_986[%gather3A_991] in [0] : vector<16xf32>, vector<16xi32> -> vector<16xf32>
      %max3A_993 = arith.maximumf %max3A_986, %gather3A_992 : vector<16xf32>
      %xor3A_994 = arith.constant 2 : i32
      %xor3A_995 = vector.broadcast %xor3A_994 : i32 to vector<16xi32>
      %xor3A_996 = arith.xori %iota3A_979, %xor3A_995 : vector<16xi32>
      %broadcast_in_dim3A_997 = vector.shape_cast %xor3A_996 : vector<16xi32> to vector<16x1xi32>
      %gather3A_998 = vector.shape_cast %broadcast_in_dim3A_997 : vector<16x1xi32> to vector<16xi32>
      %gather3A_999 = tpu.dynamic_gather %max3A_993[%gather3A_998] in [0] : vector<16xf32>, vector<16xi32> -> vector<16xf32>
      %max3A_1000 = arith.maximumf %max3A_993, %gather3A_999 : vector<16xf32>
      %xor3A_1001 = arith.constant 1 : i32
      %xor3A_1002 = vector.broadcast %xor3A_1001 : i32 to vector<16xi32>
      %xor3A_1003 = arith.xori %iota3A_979, %xor3A_1002 : vector<16xi32>
      %broadcast_in_dim3A_1004 = vector.shape_cast %xor3A_1003 : vector<16xi32> to vector<16x1xi32>
      %gather3A_1005 = vector.shape_cast %broadcast_in_dim3A_1004 : vector<16x1xi32> to vector<16xi32>
      %gather3A_1006 = tpu.dynamic_gather %max3A_1000[%gather3A_1005] in [0] : vector<16xf32>, vector<16xi32> -> vector<16xf32>
      %max3A_1007 = arith.maximumf %max3A_1000, %gather3A_1006 : vector<16xf32>
      %jit3A_1008 = arith.constant 16 : i32
      %eq3A_1009 = arith.constant 0 : i32
      %eq3A_1010 = arith.cmpi eq, %jit3A_1008, %eq3A_1009 : i32
      %jit3A_1011 = arith.constant 1 : i32
      %select_n3A_1012 = arith.select %eq3A_1010, %jit3A_1011, %jit3A_1008 : i32
      %rem3A_1013 = arith.remsi %select_n3A_950, %select_n3A_1012 : i32
      %ne3A_1014 = arith.constant 0 : i32
      %ne3A_1015 = arith.cmpi ne, %rem3A_1013, %ne3A_1014 : i32
      %lt3A_1016 = arith.constant 0 : i32
      %lt3A_1017 = arith.cmpi slt, %rem3A_1013, %lt3A_1016 : i32
      %lt3A_1018 = arith.constant 0 : i32
      %lt3A_1019 = arith.cmpi slt, %select_n3A_1012, %lt3A_1018 : i32
      %ne3A_1020 = arith.xori %lt3A_1017, %lt3A_1019 : i1
      %and3A_1021 = arith.andi %ne3A_1020, %ne3A_1015 : i1
      %add3A_1022 = arith.addi %rem3A_1013, %select_n3A_1012 : i32
      %select_n3A_1023 = arith.select %and3A_1021, %add3A_1022, %rem3A_1013 : i32
      %eq3A_1024 = vector.broadcast %select_n3A_1023 : i32 to vector<16xi32>
      %eq3A_1025 = arith.cmpi eq, %iota3A_109, %eq3A_1024 : vector<16xi32>
      %lt3A_1026 = arith.constant 16 : i32
      %lt3A_1027 = arith.cmpi slt, %select_n3A_950, %lt3A_1026 : i32
      %and3A_1028 = vector.broadcast %lt3A_1027 : i1 to vector<16xi1>
      %and3A_1029 = arith.andi %and3A_1028, %eq3A_1025 : vector<16xi1>
      %select_n3A_1030 = arith.select %and3A_1029, %max3A_1007, %scan3A_902 : vector<16xi1>, vector<16xf32>
      %ge3A_1031 = arith.constant 16 : i32
      %ge3A_1032 = arith.cmpi sge, %select_n3A_950, %ge3A_1031 : i32
      %and3A_1033 = vector.broadcast %ge3A_1032 : i1 to vector<16xi1>
      %and3A_1034 = arith.andi %and3A_1033, %eq3A_1025 : vector<16xi1>
      %select_n3A_1035 = arith.select %and3A_1034, %max3A_1007, %scan3A_903 : vector<16xi1>, vector<16xf32>
      %jit3A_1036 = arith.constant 16 : i32
      %eq3A_1037 = arith.constant 0 : i32
      %eq3A_1038 = arith.cmpi eq, %jit3A_1036, %eq3A_1037 : i32
      %jit3A_1039 = arith.constant 1 : i32
      %select_n3A_1040 = arith.select %eq3A_1038, %jit3A_1039, %jit3A_1036 : i32
      %rem3A_1041 = arith.remsi %scan3A_897, %select_n3A_1040 : i32
      %ne3A_1042 = arith.constant 0 : i32
      %ne3A_1043 = arith.cmpi ne, %rem3A_1041, %ne3A_1042 : i32
      %lt3A_1044 = arith.constant 0 : i32
      %lt3A_1045 = arith.cmpi slt, %rem3A_1041, %lt3A_1044 : i32
      %lt3A_1046 = arith.constant 0 : i32
      %lt3A_1047 = arith.cmpi slt, %select_n3A_1040, %lt3A_1046 : i32
      %ne3A_1048 = arith.xori %lt3A_1045, %lt3A_1047 : i1
      %and3A_1049 = arith.andi %ne3A_1048, %ne3A_1043 : i1
      %add3A_1050 = arith.addi %rem3A_1041, %select_n3A_1040 : i32
      %select_n3A_1051 = arith.select %and3A_1049, %add3A_1050, %rem3A_1041 : i32
      %eq3A_1052 = vector.broadcast %select_n3A_1051 : i32 to vector<16xi32>
      %eq3A_1053 = arith.cmpi eq, %iota3A_109, %eq3A_1052 : vector<16xi32>
      %lt3A_1054 = arith.constant 16 : i32
      %lt3A_1055 = arith.cmpi slt, %scan3A_897, %lt3A_1054 : i32
      %and3A_1056 = vector.broadcast %lt3A_1055 : i1 to vector<16xi1>
      %and3A_1057 = arith.andi %and3A_1056, %eq3A_1053 : vector<16xi1>
      %select_n3A_1058 = arith.select %and3A_1057, %gather3A_978, %scan3A_898 : vector<16xi1>, vector<16xi32>
      %not3A_1059 = arith.constant true
      %not3A_1060 = arith.xori %lt3A_1055, %not3A_1059 : i1
      %and3A_1061 = vector.broadcast %not3A_1060 : i1 to vector<16xi1>
      %and3A_1062 = arith.andi %and3A_1061, %eq3A_1053 : vector<16xi1>
      %select_n3A_1063 = arith.select %and3A_1062, %gather3A_978, %scan3A_899 : vector<16xi1>, vector<16xi32>
      %and3A_1064 = vector.broadcast %lt3A_1055 : i1 to vector<16xi1>
      %and3A_1065 = arith.andi %and3A_1064, %eq3A_1053 : vector<16xi1>
      %select_n3A_1066 = arith.select %and3A_1065, %max3A_932, %scan3A_900 : vector<16xi1>, vector<16xf32>
      %not3A_1067 = arith.constant true
      %not3A_1068 = arith.xori %lt3A_1055, %not3A_1067 : i1
      %and3A_1069 = vector.broadcast %not3A_1068 : i1 to vector<16xi1>
      %and3A_1070 = arith.andi %and3A_1069, %eq3A_1053 : vector<16xi1>
      %select_n3A_1071 = arith.select %and3A_1070, %max3A_932, %scan3A_901 : vector<16xi1>, vector<16xf32>
      scf.yield %select_n3A_1058, %select_n3A_1063, %select_n3A_1066, %select_n3A_1071, %select_n3A_1030, %select_n3A_1035 : vector<16xi32>, vector<16xi32>, vector<16xf32>, vector<16xf32>, vector<16xf32>, vector<16xf32>
    }
    %scan3A_134 = arith.constant 32 : i32
    %swap3A_135 = arith.constant 32 : index
    %swap3A_136 = tpu.vector_load %arg15[%swap3A_135] {strides = array<i32>} : memref<64xi32, #tpu.memory_space<vmem>>, vector<16xi32>,
    tpu.vector_store %arg15[%swap3A_135], %scan3A_133#0 {strides = array<i32>} : memref<64xi32, #tpu.memory_space<vmem>>, vector<16xi32>,
    %swap3A_137 = arith.constant 48 : index
    %swap3A_138 = tpu.vector_load %arg15[%swap3A_137] {strides = array<i32>} : memref<64xi32, #tpu.memory_space<vmem>>, vector<16xi32>,
    tpu.vector_store %arg15[%swap3A_137], %scan3A_133#1 {strides = array<i32>} : memref<64xi32, #tpu.memory_space<vmem>>, vector<16xi32>,
    %swap3A_139 = arith.constant 32 : index
    %swap3A_140 = tpu.vector_load %arg16[%swap3A_139] {strides = array<i32>} : memref<64xf32, #tpu.memory_space<vmem>>, vector<16xf32>,
    tpu.vector_store %arg16[%swap3A_139], %scan3A_133#2 {strides = array<i32>} : memref<64xf32, #tpu.memory_space<vmem>>, vector<16xf32>,
    %swap3A_141 = arith.constant 48 : index
    %swap3A_142 = tpu.vector_load %arg16[%swap3A_141] {strides = array<i32>} : memref<64xf32, #tpu.memory_space<vmem>>, vector<16xf32>,
    tpu.vector_store %arg16[%swap3A_141], %scan3A_133#3 {strides = array<i32>} : memref<64xf32, #tpu.memory_space<vmem>>, vector<16xf32>,
    %get3A_143 = arith.constant 0 : index
    %get3A_144 = tpu.vector_load %arg9[%get3A_143] {strides = array<i32>} : memref<16xi32, #tpu.memory_space<vmem>>, vector<16xi32>,
    %get3A_145 = arith.constant 0 : index
    %get3A_146 = tpu.vector_load %arg10[%get3A_145] {strides = array<i32>} : memref<16xi32, #tpu.memory_space<vmem>>, vector<16xi32>,
    %jit3A_147 = arith.constant 2 : i32
    %eq3A_148 = arith.constant 0 : i32
    %eq3A_149 = arith.cmpi eq, %jit3A_147, %eq3A_148 : i32
    %jit3A_150 = arith.constant 1 : i32
    %select_n3A_151 = arith.select %eq3A_149, %jit3A_150, %jit3A_147 : i32
    %rem3A = arith.remsi %add3A, %select_n3A_151 : i32
    %ne3A = arith.constant 0 : i32
    %ne3A_152 = arith.cmpi ne, %rem3A, %ne3A : i32
    %lt3A = arith.constant 0 : i32
    %lt3A_153 = arith.cmpi slt, %rem3A, %lt3A : i32
    %lt3A_154 = arith.constant 0 : i32
    %lt3A_155 = arith.cmpi slt, %select_n3A_151, %lt3A_154 : i32
    %ne3A_156 = arith.xori %lt3A_153, %lt3A_155 : i1
    %and3A = arith.andi %ne3A_156, %ne3A_152 : i1
    %add3A_157 = arith.addi %rem3A, %select_n3A_151 : i32
    %select_n3A_158 = arith.select %and3A, %add3A_157, %rem3A : i32
    %eq3A_159 = arith.constant 1 : i32
    %eq3A_160 = arith.cmpi eq, %select_n3A_158, %eq3A_159 : i32
    %slice3A = vector.extract_strided_slice %get3A_144 {offsets = [4], sizes = [1], strides = [1]} : vector<16xi32> to vector<1xi32>
    %squeeze3A = vector.extract %slice3A[0] : i32 from vector<1xi32>
    %slice3A_161 = vector.extract_strided_slice %get3A_144 {offsets = [0], sizes = [1], strides = [1]} : vector<16xi32> to vector<1xi32>
    %squeeze3A_162 = vector.extract %slice3A_161[0] : i32 from vector<1xi32>
    %select_n3A_163 = arith.select %eq3A_160, %squeeze3A, %squeeze3A_162 : i32
    %slice3A_164 = vector.extract_strided_slice %get3A_144 {offsets = [5], sizes = [1], strides = [1]} : vector<16xi32> to vector<1xi32>
    %squeeze3A_165 = vector.extract %slice3A_164[0] : i32 from vector<1xi32>
    %slice3A_166 = vector.extract_strided_slice %get3A_144 {offsets = [1], sizes = [1], strides = [1]} : vector<16xi32> to vector<1xi32>
    %squeeze3A_167 = vector.extract %slice3A_166[0] : i32 from vector<1xi32>
    %select_n3A_168 = arith.select %eq3A_160, %squeeze3A_165, %squeeze3A_167 : i32
    %slice3A_169 = vector.extract_strided_slice %get3A_144 {offsets = [6], sizes = [1], strides = [1]} : vector<16xi32> to vector<1xi32>
    %squeeze3A_170 = vector.extract %slice3A_169[0] : i32 from vector<1xi32>
    %slice3A_171 = vector.extract_strided_slice %get3A_144 {offsets = [2], sizes = [1], strides = [1]} : vector<16xi32> to vector<1xi32>
    %squeeze3A_172 = vector.extract %slice3A_171[0] : i32 from vector<1xi32>
    %select_n3A_173 = arith.select %eq3A_160, %squeeze3A_170, %squeeze3A_172 : i32
    %slice3A_174 = vector.extract_strided_slice %get3A_144 {offsets = [7], sizes = [1], strides = [1]} : vector<16xi32> to vector<1xi32>
    %squeeze3A_175 = vector.extract %slice3A_174[0] : i32 from vector<1xi32>
    %slice3A_176 = vector.extract_strided_slice %get3A_144 {offsets = [3], sizes = [1], strides = [1]} : vector<16xi32> to vector<1xi32>
    %squeeze3A_177 = vector.extract %slice3A_176[0] : i32 from vector<1xi32>
    %select_n3A_178 = arith.select %eq3A_160, %squeeze3A_175, %squeeze3A_177 : i32
    %slice3A_179 = vector.extract_strided_slice %get3A_146 {offsets = [4], sizes = [1], strides = [1]} : vector<16xi32> to vector<1xi32>
    %squeeze3A_180 = vector.extract %slice3A_179[0] : i32 from vector<1xi32>
    %slice3A_181 = vector.extract_strided_slice %get3A_146 {offsets = [0], sizes = [1], strides = [1]} : vector<16xi32> to vector<1xi32>
    %squeeze3A_182 = vector.extract %slice3A_181[0] : i32 from vector<1xi32>
    %select_n3A_183 = arith.select %eq3A_160, %squeeze3A_180, %squeeze3A_182 : i32
    %slice3A_184 = vector.extract_strided_slice %get3A_146 {offsets = [5], sizes = [1], strides = [1]} : vector<16xi32> to vector<1xi32>
    %squeeze3A_185 = vector.extract %slice3A_184[0] : i32 from vector<1xi32>
    %slice3A_186 = vector.extract_strided_slice %get3A_146 {offsets = [1], sizes = [1], strides = [1]} : vector<16xi32> to vector<1xi32>
    %squeeze3A_187 = vector.extract %slice3A_186[0] : i32 from vector<1xi32>
    %select_n3A_188 = arith.select %eq3A_160, %squeeze3A_185, %squeeze3A_187 : i32
    %slice3A_189 = vector.extract_strided_slice %get3A_146 {offsets = [6], sizes = [1], strides = [1]} : vector<16xi32> to vector<1xi32>
    %squeeze3A_190 = vector.extract %slice3A_189[0] : i32 from vector<1xi32>
    %slice3A_191 = vector.extract_strided_slice %get3A_146 {offsets = [2], sizes = [1], strides = [1]} : vector<16xi32> to vector<1xi32>
    %squeeze3A_192 = vector.extract %slice3A_191[0] : i32 from vector<1xi32>
    %select_n3A_193 = arith.select %eq3A_160, %squeeze3A_190, %squeeze3A_192 : i32
    %slice3A_194 = vector.extract_strided_slice %get3A_146 {offsets = [7], sizes = [1], strides = [1]} : vector<16xi32> to vector<1xi32>
    %squeeze3A_195 = vector.extract %slice3A_194[0] : i32 from vector<1xi32>
    %slice3A_196 = vector.extract_strided_slice %get3A_146 {offsets = [3], sizes = [1], strides = [1]} : vector<16xi32> to vector<1xi32>
    %squeeze3A_197 = vector.extract %slice3A_196[0] : i32 from vector<1xi32>
    %select_n3A_198 = arith.select %eq3A_160, %squeeze3A_195, %squeeze3A_197 : i32
    %add3A_199 = arith.addi %select_n3A_163, %select_n3A_183 : i32
    %add3A_200 = arith.addi %select_n3A_168, %select_n3A_188 : i32
    %add3A_201 = arith.addi %select_n3A_173, %select_n3A_193 : i32
    %add3A_202 = arith.addi %select_n3A_178, %select_n3A_198 : i32
    %ge3A = arith.constant 0 : i32
    %ge3A_203 = arith.cmpi sge, %select_n3A_163, %ge3A : i32
    %le3A = arith.cmpi sle, %select_n3A_163, %add3A_199 : i32
    %and3A_204 = arith.andi %ge3A_203, %le3A : i1
    %lt3A_205 = arith.constant 8192 : i32
    %lt3A_206 = arith.cmpi slt, %add3A_199, %lt3A_205 : i32
    %and3A_207 = arith.andi %and3A_204, %lt3A_206 : i1
    %ge3A_208 = arith.constant 0 : i32
    %ge3A_209 = arith.cmpi sge, %select_n3A_168, %ge3A_208 : i32
    %le3A_210 = arith.cmpi sle, %select_n3A_168, %add3A_200 : i32
    %and3A_211 = arith.andi %ge3A_209, %le3A_210 : i1
    %lt3A_212 = arith.constant 8192 : i32
    %lt3A_213 = arith.cmpi slt, %add3A_200, %lt3A_212 : i32
    %and3A_214 = arith.andi %and3A_211, %lt3A_213 : i1
    %ge3A_215 = arith.constant 0 : i32
    %ge3A_216 = arith.cmpi sge, %select_n3A_173, %ge3A_215 : i32
    %le3A_217 = arith.cmpi sle, %select_n3A_173, %add3A_201 : i32
    %and3A_218 = arith.andi %ge3A_216, %le3A_217 : i1
    %lt3A_219 = arith.constant 8192 : i32
    %lt3A_220 = arith.cmpi slt, %add3A_201, %lt3A_219 : i32
    %and3A_221 = arith.andi %and3A_218, %lt3A_220 : i1
    %ge3A_222 = arith.constant 0 : i32
    %ge3A_223 = arith.cmpi sge, %select_n3A_178, %ge3A_222 : i32
    %le3A_224 = arith.cmpi sle, %select_n3A_178, %add3A_202 : i32
    %and3A_225 = arith.andi %ge3A_223, %le3A_224 : i1
    %lt3A_226 = arith.constant 8192 : i32
    %lt3A_227 = arith.cmpi slt, %add3A_202, %lt3A_226 : i32
    %and3A_228 = arith.andi %and3A_225, %lt3A_227 : i1
    %eq3A_229 = arith.cmpi eq, %select_n3A_163, %select_n3A_168 : i32
    %and3A_230 = arith.andi %and3A_207, %eq3A_229 : i1
    %eq3A_231 = arith.cmpi eq, %add3A_199, %add3A_200 : i32
    %and3A_232 = arith.andi %and3A_230, %eq3A_231 : i1
    %not3A = arith.constant true
    %not3A_233 = arith.xori %and3A_232, %not3A : i1
    %and3A_234 = arith.andi %and3A_214, %not3A_233 : i1
    %eq3A_235 = arith.cmpi eq, %select_n3A_163, %select_n3A_173 : i32
    %and3A_236 = arith.andi %and3A_207, %eq3A_235 : i1
    %eq3A_237 = arith.cmpi eq, %add3A_199, %add3A_201 : i32
    %and3A_238 = arith.andi %and3A_236, %eq3A_237 : i1
    %eq3A_239 = arith.cmpi eq, %select_n3A_168, %select_n3A_173 : i32
    %and3A_240 = arith.andi %and3A_214, %eq3A_239 : i1
    %eq3A_241 = arith.cmpi eq, %add3A_200, %add3A_201 : i32
    %and3A_242 = arith.andi %and3A_240, %eq3A_241 : i1
    %or3A = arith.ori %and3A_238, %and3A_242 : i1
    %not3A_243 = arith.constant true
    %not3A_244 = arith.xori %or3A, %not3A_243 : i1
    %and3A_245 = arith.andi %and3A_221, %not3A_244 : i1
    %eq3A_246 = arith.cmpi eq, %select_n3A_163, %select_n3A_178 : i32
    %and3A_247 = arith.andi %and3A_207, %eq3A_246 : i1
    %eq3A_248 = arith.cmpi eq, %add3A_199, %add3A_202 : i32
    %and3A_249 = arith.andi %and3A_247, %eq3A_248 : i1
    %eq3A_250 = arith.cmpi eq, %select_n3A_168, %select_n3A_178 : i32
    %and3A_251 = arith.andi %and3A_214, %eq3A_250 : i1
    %eq3A_252 = arith.cmpi eq, %add3A_200, %add3A_202 : i32
    %and3A_253 = arith.andi %and3A_251, %eq3A_252 : i1
    %or3A_254 = arith.ori %and3A_249, %and3A_253 : i1
    %eq3A_255 = arith.cmpi eq, %select_n3A_173, %select_n3A_178 : i32
    %and3A_256 = arith.andi %and3A_221, %eq3A_255 : i1
    %eq3A_257 = arith.cmpi eq, %add3A_201, %add3A_202 : i32
    %and3A_258 = arith.andi %and3A_256, %eq3A_257 : i1
    %or3A_259 = arith.ori %or3A_254, %and3A_258 : i1
    %not3A_260 = arith.constant true
    %not3A_261 = arith.xori %or3A_259, %not3A_260 : i1
    %and3A_262 = arith.andi %and3A_228, %not3A_261 : i1
    %get3A_263 = arith.constant 32 : index
    %get3A_264 = tpu.vector_load %arg15[%get3A_263] {strides = array<i32>} : memref<64xi32, #tpu.memory_space<vmem>>, vector<16xi32>,
    %get3A_265 = arith.constant 48 : index
    %get3A_266 = tpu.vector_load %arg15[%get3A_265] {strides = array<i32>} : memref<64xi32, #tpu.memory_space<vmem>>, vector<16xi32>,
    %get3A_267 = arith.constant 32 : index
    %get3A_268 = tpu.vector_load %arg16[%get3A_267] {strides = array<i32>} : memref<64xf32, #tpu.memory_space<vmem>>, vector<16xf32>,
    %get3A_269 = arith.constant 48 : index
    %get3A_270 = tpu.vector_load %arg16[%get3A_269] {strides = array<i32>} : memref<64xf32, #tpu.memory_space<vmem>>, vector<16xf32>,
    %broadcast_in_dim3A_271 = arith.constant 0 : i32
    %broadcast_in_dim3A_272 = vector.broadcast %broadcast_in_dim3A_271 : i32 to vector<16xi32>
    %scan3A_273 = arith.constant 0 : i32
    %scan3A_274 = arith.constant 32 : i32
    %scan3A_275 = arith.addi %scan3A_273, %scan3A_274 : i32
    %scan3A_276 = arith.constant 1 : i32
    %scan3A_277:2 = scf.for %scan3A_897 = %scan3A_273 to %scan3A_275 step %scan3A_276 iter_args(%scan3A_898 = %broadcast_in_dim3A_0, %scan3A_899 = %broadcast_in_dim3A_272) -> (vector<16xf32>, vector<16xi32>)  : i32 {
      %broadcast_in_dim3A_900 = vector.broadcast %scan3A_897 : i32 to vector<16xi32>
      %gather3A_901 = tpu.vector_load_idx %arg15[%broadcast_in_dim3A_900] : memref<64xi32, #tpu.memory_space<vmem>>[vector<16xi32>], vector<16xi32>,
      %gather3A_902 = tpu.vector_load_idx %arg16[%broadcast_in_dim3A_900] : memref<64xf32, #tpu.memory_space<vmem>>[vector<16xi32>], vector<16xf32>,
      %sub3A_903 = arith.subi %get3A_264, %gather3A_901 : vector<16xi32>
      %ge3A_904 = arith.constant 0 : i32
      %ge3A_905 = vector.broadcast %ge3A_904 : i32 to vector<16xi32>
      %ge3A_906 = arith.cmpi sge, %sub3A_903, %ge3A_905 : vector<16xi32>
      %le3A_907 = arith.constant 15 : i32
      %le3A_908 = vector.broadcast %le3A_907 : i32 to vector<16xi32>
      %le3A_909 = arith.cmpi sle, %sub3A_903, %le3A_908 : vector<16xi32>
      %and3A_910 = arith.andi %ge3A_906, %le3A_909 : vector<16xi1>
      %add3A_911 = arith.addf %gather3A_902, %get3A_268 : vector<16xf32>
      %jit3A_912 = arith.constant 0xFF800000 : f32
      %broadcast_in_dim3A_913 = vector.broadcast %jit3A_912 : f32 to vector<16xf32>
      %select_n3A_914 = arith.select %and3A_910, %add3A_911, %broadcast_in_dim3A_913 : vector<16xi1>, vector<16xf32>
      %max3A_915 = arith.maximumf %scan3A_898, %select_n3A_914 : vector<16xf32>
      %convert_element_type3A_916 = arith.extui %and3A_910 : vector<16xi1> to vector<16xi32>
      %add3A_917 = arith.addi %scan3A_899, %convert_element_type3A_916 : vector<16xi32>
      %sub3A_918 = arith.subi %get3A_266, %gather3A_901 : vector<16xi32>
      %ge3A_919 = arith.constant 0 : i32
      %ge3A_920 = vector.broadcast %ge3A_919 : i32 to vector<16xi32>
      %ge3A_921 = arith.cmpi sge, %sub3A_918, %ge3A_920 : vector<16xi32>
      %le3A_922 = arith.constant 15 : i32
      %le3A_923 = vector.broadcast %le3A_922 : i32 to vector<16xi32>
      %le3A_924 = arith.cmpi sle, %sub3A_918, %le3A_923 : vector<16xi32>
      %and3A_925 = arith.andi %ge3A_921, %le3A_924 : vector<16xi1>
      %add3A_926 = arith.addf %gather3A_902, %get3A_270 : vector<16xf32>
      %jit3A_927 = arith.constant 0xFF800000 : f32
      %broadcast_in_dim3A_928 = vector.broadcast %jit3A_927 : f32 to vector<16xf32>
      %select_n3A_929 = arith.select %and3A_925, %add3A_926, %broadcast_in_dim3A_928 : vector<16xi1>, vector<16xf32>
      %max3A_930 = arith.maximumf %max3A_915, %select_n3A_929 : vector<16xf32>
      %convert_element_type3A_931 = arith.extui %and3A_925 : vector<16xi1> to vector<16xi32>
      %add3A_932 = arith.addi %add3A_917, %convert_element_type3A_931 : vector<16xi32>
      scf.yield %max3A_930, %add3A_932 : vector<16xf32>, vector<16xi32>
    }
    %scan3A_278 = arith.constant 32 : i32
    %reduce_sum3A = arith.constant true
    %reduce_sum3A_279 = vector.broadcast %reduce_sum3A : i1 to vector<16xi1>
    %reduce_sum3A_280 = tpu.scan <sum>, %scan3A_277#1 masked %reduce_sum3A_279 : vector<16xi32>, vector<16xi1> -> vector<16xi32>
    %reduce_sum3A_281 = vector.extract %reduce_sum3A_280[15] : i32 from vector<16xi32>
    %reduce_max3A_282 = arith.constant true
    %reduce_max3A_283 = vector.broadcast %reduce_max3A_282 : i1 to vector<16xi1>
    %reduce_max3A_284 = tpu.scan <max>, %scan3A_277#0 masked %reduce_max3A_283 : vector<16xf32>, vector<16xi1> -> vector<16xf32>
    %reduce_max3A_285 = vector.extract %reduce_max3A_284[15] : f32 from vector<16xf32>
    %eq3A_286 = arith.constant 0 : i32
    %eq3A_287 = vector.broadcast %eq3A_286 : i32 to vector<16xi32>
    %eq3A_288 = arith.cmpi eq, %iota3A, %eq3A_287 : vector<16xi32>
    %eq3A_289 = arith.constant 1 : i32
    %eq3A_290 = vector.broadcast %eq3A_289 : i32 to vector<16xi32>
    %eq3A_291 = arith.cmpi eq, %iota3A, %eq3A_290 : vector<16xi32>
    %eq3A_292 = arith.constant 2 : i32
    %eq3A_293 = vector.broadcast %eq3A_292 : i32 to vector<16xi32>
    %eq3A_294 = arith.cmpi eq, %iota3A, %eq3A_293 : vector<16xi32>
    %broadcast_in_dim3A_295 = vector.broadcast %select_n3A_173 : i32 to vector<16xi32>
    %broadcast_in_dim3A_296 = vector.broadcast %select_n3A_178 : i32 to vector<16xi32>
    %select_n3A_297 = arith.select %eq3A_294, %broadcast_in_dim3A_295, %broadcast_in_dim3A_296 : vector<16xi1>, vector<16xi32>
    %broadcast_in_dim3A_298 = vector.broadcast %select_n3A_168 : i32 to vector<16xi32>
    %select_n3A_299 = arith.select %eq3A_291, %broadcast_in_dim3A_298, %select_n3A_297 : vector<16xi1>, vector<16xi32>
    %broadcast_in_dim3A_300 = vector.broadcast %select_n3A_163 : i32 to vector<16xi32>
    %select_n3A_301 = arith.select %eq3A_288, %broadcast_in_dim3A_300, %select_n3A_299 : vector<16xi1>, vector<16xi32>
    %eq3A_302 = arith.constant 0 : i32
    %eq3A_303 = vector.broadcast %eq3A_302 : i32 to vector<16xi32>
    %eq3A_304 = arith.cmpi eq, %iota3A, %eq3A_303 : vector<16xi32>
    %eq3A_305 = arith.constant 1 : i32
    %eq3A_306 = vector.broadcast %eq3A_305 : i32 to vector<16xi32>
    %eq3A_307 = arith.cmpi eq, %iota3A, %eq3A_306 : vector<16xi32>
    %eq3A_308 = arith.constant 2 : i32
    %eq3A_309 = vector.broadcast %eq3A_308 : i32 to vector<16xi32>
    %eq3A_310 = arith.cmpi eq, %iota3A, %eq3A_309 : vector<16xi32>
    %broadcast_in_dim3A_311 = vector.broadcast %add3A_201 : i32 to vector<16xi32>
    %broadcast_in_dim3A_312 = vector.broadcast %add3A_202 : i32 to vector<16xi32>
    %select_n3A_313 = arith.select %eq3A_310, %broadcast_in_dim3A_311, %broadcast_in_dim3A_312 : vector<16xi1>, vector<16xi32>
    %broadcast_in_dim3A_314 = vector.broadcast %add3A_200 : i32 to vector<16xi32>
    %select_n3A_315 = arith.select %eq3A_307, %broadcast_in_dim3A_314, %select_n3A_313 : vector<16xi1>, vector<16xi32>
    %broadcast_in_dim3A_316 = vector.broadcast %add3A_199 : i32 to vector<16xi32>
    %select_n3A_317 = arith.select %eq3A_304, %broadcast_in_dim3A_316, %select_n3A_315 : vector<16xi1>, vector<16xi32>
    %jit3A_318 = arith.constant 0 : i32
    %jit3A_319 = arith.constant 8191 : i32
    %max3A = vector.broadcast %jit3A_318 : i32 to vector<16xi32>
    %max3A_320 = arith.maxsi %max3A, %select_n3A_301 : vector<16xi32>
    %min3A = vector.broadcast %jit3A_319 : i32 to vector<16xi32>
    %min3A_321 = arith.minsi %min3A, %max3A_320 : vector<16xi32>
    %gather3A = tpu.vector_load_idx %arg7[%min3A_321] : memref<8192xf32, #tpu.memory_space<vmem>>[vector<16xi32>], vector<16xf32>,
    %jit3A_322 = arith.constant 0 : i32
    %jit3A_323 = arith.constant 8191 : i32
    %max3A_324 = vector.broadcast %jit3A_322 : i32 to vector<16xi32>
    %max3A_325 = arith.maxsi %max3A_324, %select_n3A_317 : vector<16xi32>
    %min3A_326 = vector.broadcast %jit3A_323 : i32 to vector<16xi32>
    %min3A_327 = arith.minsi %min3A_326, %max3A_325 : vector<16xi32>
    %gather3A_328 = tpu.vector_load_idx %arg8[%min3A_327] : memref<8192xf32, #tpu.memory_space<vmem>>[vector<16xi32>], vector<16xf32>,
    %add3A_329 = arith.addf %gather3A, %gather3A_328 : vector<16xf32>
    %slice3A_330 = vector.extract_strided_slice %add3A_329 {offsets = [0], sizes = [1], strides = [1]} : vector<16xf32> to vector<1xf32>
    %squeeze3A_331 = vector.extract %slice3A_330[0] : f32 from vector<1xf32>
    %slice3A_332 = vector.extract_strided_slice %add3A_329 {offsets = [1], sizes = [1], strides = [1]} : vector<16xf32> to vector<1xf32>
    %squeeze3A_333 = vector.extract %slice3A_332[0] : f32 from vector<1xf32>
    %slice3A_334 = vector.extract_strided_slice %add3A_329 {offsets = [2], sizes = [1], strides = [1]} : vector<16xf32> to vector<1xf32>
    %squeeze3A_335 = vector.extract %slice3A_334[0] : f32 from vector<1xf32>
    %slice3A_336 = vector.extract_strided_slice %add3A_329 {offsets = [3], sizes = [1], strides = [1]} : vector<16xf32> to vector<1xf32>
    %squeeze3A_337 = vector.extract %slice3A_336[0] : f32 from vector<1xf32>
    %jit3A_338 = arith.constant 0xFF800000 : f32
    %select_n3A_339 = arith.select %and3A_207, %squeeze3A_331, %jit3A_338 : f32
    %max3A_340 = arith.maximumf %reduce_max3A_285, %select_n3A_339 : f32
    %jit3A_341 = arith.constant 0xFF800000 : f32
    %select_n3A_342 = arith.select %and3A_234, %squeeze3A_333, %jit3A_341 : f32
    %max3A_343 = arith.maximumf %max3A_340, %select_n3A_342 : f32
    %jit3A_344 = arith.constant 0xFF800000 : f32
    %select_n3A_345 = arith.select %and3A_245, %squeeze3A_335, %jit3A_344 : f32
    %max3A_346 = arith.maximumf %max3A_343, %select_n3A_345 : f32
    %jit3A_347 = arith.constant 0xFF800000 : f32
    %select_n3A_348 = arith.select %and3A_262, %squeeze3A_337, %jit3A_347 : f32
    %max3A_349 = arith.maximumf %max3A_346, %select_n3A_348 : f32
    %broadcast_in_dim3A_350 = arith.constant 0.000000e+00 : f32
    %broadcast_in_dim3A_351 = vector.broadcast %broadcast_in_dim3A_350 : f32 to vector<16xf32>
    %scan3A_352 = arith.constant 0 : i32
    %scan3A_353 = arith.constant 32 : i32
    %scan3A_354 = arith.addi %scan3A_352, %scan3A_353 : i32
    %scan3A_355 = arith.constant 1 : i32
    %scan3A_356 = scf.for %scan3A_897 = %scan3A_352 to %scan3A_354 step %scan3A_355 iter_args(%scan3A_898 = %broadcast_in_dim3A_351) -> (vector<16xf32>)  : i32 {
      %broadcast_in_dim3A_899 = vector.broadcast %scan3A_897 : i32 to vector<16xi32>
      %gather3A_900 = tpu.vector_load_idx %arg15[%broadcast_in_dim3A_899] : memref<64xi32, #tpu.memory_space<vmem>>[vector<16xi32>], vector<16xi32>,
      %gather3A_901 = tpu.vector_load_idx %arg16[%broadcast_in_dim3A_899] : memref<64xf32, #tpu.memory_space<vmem>>[vector<16xi32>], vector<16xf32>,
      %sub3A_902 = arith.subi %get3A_264, %gather3A_900 : vector<16xi32>
      %ge3A_903 = arith.constant 0 : i32
      %ge3A_904 = vector.broadcast %ge3A_903 : i32 to vector<16xi32>
      %ge3A_905 = arith.cmpi sge, %sub3A_902, %ge3A_904 : vector<16xi32>
      %le3A_906 = arith.constant 15 : i32
      %le3A_907 = vector.broadcast %le3A_906 : i32 to vector<16xi32>
      %le3A_908 = arith.cmpi sle, %sub3A_902, %le3A_907 : vector<16xi32>
      %and3A_909 = arith.andi %ge3A_905, %le3A_908 : vector<16xi1>
      %add3A_910 = arith.addf %gather3A_901, %get3A_268 : vector<16xf32>
      %sub3A_911 = vector.broadcast %max3A_349 : f32 to vector<16xf32>
      %sub3A_912 = arith.subf %add3A_910, %sub3A_911 : vector<16xf32>
      %exp3A_913 = math.exp %sub3A_912 : vector<16xf32>
      %jit3A_914 = arith.constant 0.000000e+00 : f32
      %broadcast_in_dim3A_915 = vector.broadcast %jit3A_914 : f32 to vector<16xf32>
      %select_n3A_916 = arith.select %and3A_909, %exp3A_913, %broadcast_in_dim3A_915 : vector<16xi1>, vector<16xf32>
      %add3A_917 = arith.addf %scan3A_898, %select_n3A_916 : vector<16xf32>
      %sub3A_918 = arith.subi %get3A_266, %gather3A_900 : vector<16xi32>
      %ge3A_919 = arith.constant 0 : i32
      %ge3A_920 = vector.broadcast %ge3A_919 : i32 to vector<16xi32>
      %ge3A_921 = arith.cmpi sge, %sub3A_918, %ge3A_920 : vector<16xi32>
      %le3A_922 = arith.constant 15 : i32
      %le3A_923 = vector.broadcast %le3A_922 : i32 to vector<16xi32>
      %le3A_924 = arith.cmpi sle, %sub3A_918, %le3A_923 : vector<16xi32>
      %and3A_925 = arith.andi %ge3A_921, %le3A_924 : vector<16xi1>
      %add3A_926 = arith.addf %gather3A_901, %get3A_270 : vector<16xf32>
      %sub3A_927 = vector.broadcast %max3A_349 : f32 to vector<16xf32>
      %sub3A_928 = arith.subf %add3A_926, %sub3A_927 : vector<16xf32>
      %exp3A_929 = math.exp %sub3A_928 : vector<16xf32>
      %jit3A_930 = arith.constant 0.000000e+00 : f32
      %broadcast_in_dim3A_931 = vector.broadcast %jit3A_930 : f32 to vector<16xf32>
      %select_n3A_932 = arith.select %and3A_925, %exp3A_929, %broadcast_in_dim3A_931 : vector<16xi1>, vector<16xf32>
      %add3A_933 = arith.addf %add3A_917, %select_n3A_932 : vector<16xf32>
      scf.yield %add3A_933 : vector<16xf32>
    }
    %scan3A_357 = arith.constant 32 : i32
    %reduce_sum3A_358 = arith.constant true
    %reduce_sum3A_359 = vector.broadcast %reduce_sum3A_358 : i1 to vector<16xi1>
    %reduce_sum3A_360 = tpu.scan <sum>, %scan3A_356 masked %reduce_sum3A_359 : vector<16xf32>, vector<16xi1> -> vector<16xf32>
    %reduce_sum3A_361 = vector.extract %reduce_sum3A_360[15] : f32 from vector<16xf32>
    %shift_right_logical3A_362 = arith.constant 2 : i32
    %shift_right_logical3A_363 = vector.broadcast %shift_right_logical3A_362 : i32 to vector<16xi32>
    %shift_right_logical3A_364 = arith.shrui %iota3A, %shift_right_logical3A_363 : vector<16xi32>
    %and3A_365 = arith.constant 3 : i32
    %and3A_366 = vector.broadcast %and3A_365 : i32 to vector<16xi32>
    %and3A_367 = arith.andi %iota3A, %and3A_366 : vector<16xi32>
    %eq3A_368 = arith.constant 0 : i32
    %eq3A_369 = vector.broadcast %eq3A_368 : i32 to vector<16xi32>
    %eq3A_370 = arith.cmpi eq, %shift_right_logical3A_364, %eq3A_369 : vector<16xi32>
    %eq3A_371 = arith.constant 1 : i32
    %eq3A_372 = vector.broadcast %eq3A_371 : i32 to vector<16xi32>
    %eq3A_373 = arith.cmpi eq, %shift_right_logical3A_364, %eq3A_372 : vector<16xi32>
    %eq3A_374 = arith.constant 2 : i32
    %eq3A_375 = vector.broadcast %eq3A_374 : i32 to vector<16xi32>
    %eq3A_376 = arith.cmpi eq, %shift_right_logical3A_364, %eq3A_375 : vector<16xi32>
    %broadcast_in_dim3A_377 = vector.broadcast %select_n3A_173 : i32 to vector<16xi32>
    %broadcast_in_dim3A_378 = vector.broadcast %select_n3A_178 : i32 to vector<16xi32>
    %select_n3A_379 = arith.select %eq3A_376, %broadcast_in_dim3A_377, %broadcast_in_dim3A_378 : vector<16xi1>, vector<16xi32>
    %broadcast_in_dim3A_380 = vector.broadcast %select_n3A_168 : i32 to vector<16xi32>
    %select_n3A_381 = arith.select %eq3A_373, %broadcast_in_dim3A_380, %select_n3A_379 : vector<16xi1>, vector<16xi32>
    %broadcast_in_dim3A_382 = vector.broadcast %select_n3A_163 : i32 to vector<16xi32>
    %select_n3A_383 = arith.select %eq3A_370, %broadcast_in_dim3A_382, %select_n3A_381 : vector<16xi1>, vector<16xi32>
    %eq3A_384 = arith.constant 0 : i32
    %eq3A_385 = vector.broadcast %eq3A_384 : i32 to vector<16xi32>
    %eq3A_386 = arith.cmpi eq, %shift_right_logical3A_364, %eq3A_385 : vector<16xi32>
    %eq3A_387 = arith.constant 1 : i32
    %eq3A_388 = vector.broadcast %eq3A_387 : i32 to vector<16xi32>
    %eq3A_389 = arith.cmpi eq, %shift_right_logical3A_364, %eq3A_388 : vector<16xi32>
    %eq3A_390 = arith.constant 2 : i32
    %eq3A_391 = vector.broadcast %eq3A_390 : i32 to vector<16xi32>
    %eq3A_392 = arith.cmpi eq, %shift_right_logical3A_364, %eq3A_391 : vector<16xi32>
    %broadcast_in_dim3A_393 = vector.broadcast %add3A_201 : i32 to vector<16xi32>
    %broadcast_in_dim3A_394 = vector.broadcast %add3A_202 : i32 to vector<16xi32>
    %select_n3A_395 = arith.select %eq3A_392, %broadcast_in_dim3A_393, %broadcast_in_dim3A_394 : vector<16xi1>, vector<16xi32>
    %broadcast_in_dim3A_396 = vector.broadcast %add3A_200 : i32 to vector<16xi32>
    %select_n3A_397 = arith.select %eq3A_389, %broadcast_in_dim3A_396, %select_n3A_395 : vector<16xi1>, vector<16xi32>
    %broadcast_in_dim3A_398 = vector.broadcast %add3A_199 : i32 to vector<16xi32>
    %select_n3A_399 = arith.select %eq3A_386, %broadcast_in_dim3A_398, %select_n3A_397 : vector<16xi1>, vector<16xi32>
    %eq3A_400 = arith.constant 0 : i32
    %eq3A_401 = vector.broadcast %eq3A_400 : i32 to vector<16xi32>
    %eq3A_402 = arith.cmpi eq, %and3A_367, %eq3A_401 : vector<16xi32>
    %eq3A_403 = arith.constant 1 : i32
    %eq3A_404 = vector.broadcast %eq3A_403 : i32 to vector<16xi32>
    %eq3A_405 = arith.cmpi eq, %and3A_367, %eq3A_404 : vector<16xi32>
    %jit3A_406 = arith.constant 1 : i32
    %jit3A_407 = arith.constant 0 : i32
    %broadcast_in_dim3A_408 = vector.broadcast %jit3A_406 : i32 to vector<16xi32>
    %broadcast_in_dim3A_409 = vector.broadcast %jit3A_407 : i32 to vector<16xi32>
    %select_n3A_410 = arith.select %eq3A_405, %broadcast_in_dim3A_408, %broadcast_in_dim3A_409 : vector<16xi1>, vector<16xi32>
    %jit3A_411 = arith.constant -1 : i32
    %broadcast_in_dim3A_412 = vector.broadcast %jit3A_411 : i32 to vector<16xi32>
    %select_n3A_413 = arith.select %eq3A_402, %broadcast_in_dim3A_412, %select_n3A_410 : vector<16xi1>, vector<16xi32>
    %eq3A_414 = arith.constant 2 : i32
    %eq3A_415 = vector.broadcast %eq3A_414 : i32 to vector<16xi32>
    %eq3A_416 = arith.cmpi eq, %and3A_367, %eq3A_415 : vector<16xi32>
    %eq3A_417 = arith.constant 3 : i32
    %eq3A_418 = vector.broadcast %eq3A_417 : i32 to vector<16xi32>
    %eq3A_419 = arith.cmpi eq, %and3A_367, %eq3A_418 : vector<16xi32>
    %jit3A_420 = arith.constant 1 : i32
    %jit3A_421 = arith.constant 0 : i32
    %broadcast_in_dim3A_422 = vector.broadcast %jit3A_420 : i32 to vector<16xi32>
    %broadcast_in_dim3A_423 = vector.broadcast %jit3A_421 : i32 to vector<16xi32>
    %select_n3A_424 = arith.select %eq3A_419, %broadcast_in_dim3A_422, %broadcast_in_dim3A_423 : vector<16xi1>, vector<16xi32>
    %jit3A_425 = arith.constant -1 : i32
    %broadcast_in_dim3A_426 = vector.broadcast %jit3A_425 : i32 to vector<16xi32>
    %select_n3A_427 = arith.select %eq3A_416, %broadcast_in_dim3A_426, %select_n3A_424 : vector<16xi1>, vector<16xi32>
    %add3A_428 = arith.addi %select_n3A_383, %select_n3A_413 : vector<16xi32>
    %add3A_429 = arith.addi %select_n3A_399, %select_n3A_427 : vector<16xi32>
    %lt3A_430 = arith.constant 4 : i32
    %lt3A_431 = vector.broadcast %lt3A_430 : i32 to vector<16xi32>
    %lt3A_432 = arith.cmpi slt, %iota3A, %lt3A_431 : vector<16xi32>
    %jit3A_433 = arith.constant -1 : i32
    %broadcast_in_dim3A_434 = vector.broadcast %jit3A_433 : i32 to vector<16xi32>
    %select_n3A_435 = arith.select %lt3A_432, %select_n3A_301, %broadcast_in_dim3A_434 : vector<16xi1>, vector<16xi32>
    %lt3A_436 = arith.constant 4 : i32
    %lt3A_437 = vector.broadcast %lt3A_436 : i32 to vector<16xi32>
    %lt3A_438 = arith.cmpi slt, %iota3A, %lt3A_437 : vector<16xi32>
    %jit3A_439 = arith.constant -1 : i32
    %broadcast_in_dim3A_440 = vector.broadcast %jit3A_439 : i32 to vector<16xi32>
    %select_n3A_441 = arith.select %lt3A_438, %select_n3A_317, %broadcast_in_dim3A_440 : vector<16xi1>, vector<16xi32>
    %broadcast_in_dim3A_442 = arith.constant 0 : i32
    %broadcast_in_dim3A_443 = vector.broadcast %broadcast_in_dim3A_442 : i32 to vector<16xi32>
    %eq3A_444 = arith.constant 1 : i32
    %eq3A_445 = vector.broadcast %eq3A_444 : i32 to vector<16xi32>
    %eq3A_446 = arith.cmpi eq, %broadcast_in_dim3A_443, %eq3A_445 : vector<16xi32>
    %scan3A_447 = arith.constant 0 : i32
    %scan3A_448 = arith.constant 32 : i32
    %scan3A_449 = arith.addi %scan3A_447, %scan3A_448 : i32
    %scan3A_450 = arith.constant 1 : i32
    %scan3A_451:4 = scf.for %scan3A_897 = %scan3A_447 to %scan3A_449 step %scan3A_450 iter_args(%scan3A_898 = %eq3A_446, %scan3A_899 = %eq3A_446, %scan3A_900 = %eq3A_446, %scan3A_901 = %eq3A_446) -> (vector<16xi1>, vector<16xi1>, vector<16xi1>, vector<16xi1>)  : i32 {
      %broadcast_in_dim3A_902 = vector.broadcast %scan3A_897 : i32 to vector<16xi32>
      %gather3A_903 = tpu.vector_load_idx %arg15[%broadcast_in_dim3A_902] : memref<64xi32, #tpu.memory_space<vmem>>[vector<16xi32>], vector<16xi32>,
      %add3A_904 = arith.constant 32 : i32
      %add3A_905 = vector.broadcast %add3A_904 : i32 to vector<16xi32>
      %add3A_906 = arith.addi %broadcast_in_dim3A_902, %add3A_905 : vector<16xi32>
      %gather3A_907 = tpu.vector_load_idx %arg15[%add3A_906] : memref<64xi32, #tpu.memory_space<vmem>>[vector<16xi32>], vector<16xi32>,
      %eq3A_908 = arith.cmpi eq, %add3A_428, %gather3A_903 : vector<16xi32>
      %or3A_909 = arith.ori %scan3A_898, %eq3A_908 : vector<16xi1>
      %eq3A_910 = arith.cmpi eq, %add3A_429, %gather3A_907 : vector<16xi32>
      %or3A_911 = arith.ori %scan3A_899, %eq3A_910 : vector<16xi1>
      %eq3A_912 = arith.cmpi eq, %select_n3A_435, %gather3A_903 : vector<16xi32>
      %or3A_913 = arith.ori %scan3A_900, %eq3A_912 : vector<16xi1>
      %eq3A_914 = arith.cmpi eq, %select_n3A_441, %gather3A_907 : vector<16xi32>
      %or3A_915 = arith.ori %scan3A_901, %eq3A_914 : vector<16xi1>
      scf.yield %or3A_909, %or3A_911, %or3A_913, %or3A_915 : vector<16xi1>, vector<16xi1>, vector<16xi1>, vector<16xi1>
    }
    %scan3A_452 = arith.constant 32 : i32
    %sub3A = arith.subi %add3A_429, %add3A_428 : vector<16xi32>
    %ge3A_453 = arith.constant 0 : i32
    %ge3A_454 = vector.broadcast %ge3A_453 : i32 to vector<16xi32>
    %ge3A_455 = arith.cmpi sge, %sub3A, %ge3A_454 : vector<16xi32>
    %sub3A_456 = arith.subi %add3A_429, %add3A_428 : vector<16xi32>
    %le3A_457 = arith.constant 15 : i32
    %le3A_458 = vector.broadcast %le3A_457 : i32 to vector<16xi32>
    %le3A_459 = arith.cmpi sle, %sub3A_456, %le3A_458 : vector<16xi32>
    %and3A_460 = arith.andi %ge3A_455, %le3A_459 : vector<16xi1>
    %sub3A_461 = arith.subi %select_n3A_441, %select_n3A_435 : vector<16xi32>
    %ge3A_462 = arith.constant 0 : i32
    %ge3A_463 = vector.broadcast %ge3A_462 : i32 to vector<16xi32>
    %ge3A_464 = arith.cmpi sge, %sub3A_461, %ge3A_463 : vector<16xi32>
    %sub3A_465 = arith.subi %select_n3A_441, %select_n3A_435 : vector<16xi32>
    %le3A_466 = arith.constant 15 : i32
    %le3A_467 = vector.broadcast %le3A_466 : i32 to vector<16xi32>
    %le3A_468 = arith.cmpi sle, %sub3A_465, %le3A_467 : vector<16xi32>
    %and3A_469 = arith.andi %ge3A_464, %le3A_468 : vector<16xi1>
    %eq3A_470 = vector.broadcast %select_n3A_163 : i32 to vector<16xi32>
    %eq3A_471 = arith.cmpi eq, %add3A_428, %eq3A_470 : vector<16xi32>
    %eq3A_472 = vector.broadcast %add3A_199 : i32 to vector<16xi32>
    %eq3A_473 = arith.cmpi eq, %add3A_429, %eq3A_472 : vector<16xi32>
    %and3A_474 = arith.andi %eq3A_471, %eq3A_473 : vector<16xi1>
    %and3A_475 = vector.broadcast %and3A_207 : i1 to vector<16xi1>
    %and3A_476 = arith.andi %and3A_474, %and3A_475 : vector<16xi1>
    %or3A_477 = arith.ori %eq3A_446, %and3A_476 : vector<16xi1>
    %eq3A_478 = vector.broadcast %select_n3A_168 : i32 to vector<16xi32>
    %eq3A_479 = arith.cmpi eq, %add3A_428, %eq3A_478 : vector<16xi32>
    %eq3A_480 = vector.broadcast %add3A_200 : i32 to vector<16xi32>
    %eq3A_481 = arith.cmpi eq, %add3A_429, %eq3A_480 : vector<16xi32>
    %and3A_482 = arith.andi %eq3A_479, %eq3A_481 : vector<16xi1>
    %and3A_483 = vector.broadcast %and3A_214 : i1 to vector<16xi1>
    %and3A_484 = arith.andi %and3A_482, %and3A_483 : vector<16xi1>
    %or3A_485 = arith.ori %or3A_477, %and3A_484 : vector<16xi1>
    %eq3A_486 = vector.broadcast %select_n3A_173 : i32 to vector<16xi32>
    %eq3A_487 = arith.cmpi eq, %add3A_428, %eq3A_486 : vector<16xi32>
    %eq3A_488 = vector.broadcast %add3A_201 : i32 to vector<16xi32>
    %eq3A_489 = arith.cmpi eq, %add3A_429, %eq3A_488 : vector<16xi32>
    %and3A_490 = arith.andi %eq3A_487, %eq3A_489 : vector<16xi1>
    %and3A_491 = vector.broadcast %and3A_221 : i1 to vector<16xi1>
    %and3A_492 = arith.andi %and3A_490, %and3A_491 : vector<16xi1>
    %or3A_493 = arith.ori %or3A_485, %and3A_492 : vector<16xi1>
    %eq3A_494 = vector.broadcast %select_n3A_178 : i32 to vector<16xi32>
    %eq3A_495 = arith.cmpi eq, %add3A_428, %eq3A_494 : vector<16xi32>
    %eq3A_496 = vector.broadcast %add3A_202 : i32 to vector<16xi32>
    %eq3A_497 = arith.cmpi eq, %add3A_429, %eq3A_496 : vector<16xi32>
    %and3A_498 = arith.andi %eq3A_495, %eq3A_497 : vector<16xi1>
    %and3A_499 = vector.broadcast %and3A_228 : i1 to vector<16xi1>
    %and3A_500 = arith.andi %and3A_498, %and3A_499 : vector<16xi1>
    %or3A_501 = arith.ori %or3A_493, %and3A_500 : vector<16xi1>
    %and3A_502 = arith.andi %scan3A_451#0, %scan3A_451#1 : vector<16xi1>
    %and3A_503 = arith.andi %and3A_502, %and3A_460 : vector<16xi1>
    %or3A_504 = arith.ori %or3A_501, %and3A_503 : vector<16xi1>
    %and3A_505 = arith.andi %scan3A_451#2, %scan3A_451#3 : vector<16xi1>
    %and3A_506 = arith.andi %and3A_505, %and3A_469 : vector<16xi1>
    %jit3A_507 = arith.constant 0 : i32
    %jit3A_508 = arith.constant 8191 : i32
    %max3A_509 = vector.broadcast %jit3A_507 : i32 to vector<16xi32>
    %max3A_510 = arith.maxsi %max3A_509, %add3A_428 : vector<16xi32>
    %min3A_511 = vector.broadcast %jit3A_508 : i32 to vector<16xi32>
    %min3A_512 = arith.minsi %min3A_511, %max3A_510 : vector<16xi32>
    %gather3A_513 = tpu.vector_load_idx %arg7[%min3A_512] : memref<8192xf32, #tpu.memory_space<vmem>>[vector<16xi32>], vector<16xf32>,
    %jit3A_514 = arith.constant 0 : i32
    %jit3A_515 = arith.constant 8191 : i32
    %max3A_516 = vector.broadcast %jit3A_514 : i32 to vector<16xi32>
    %max3A_517 = arith.maxsi %max3A_516, %add3A_429 : vector<16xi32>
    %min3A_518 = vector.broadcast %jit3A_515 : i32 to vector<16xi32>
    %min3A_519 = arith.minsi %min3A_518, %max3A_517 : vector<16xi32>
    %gather3A_520 = tpu.vector_load_idx %arg8[%min3A_519] : memref<8192xf32, #tpu.memory_space<vmem>>[vector<16xi32>], vector<16xf32>,
    %add3A_521 = arith.addf %gather3A_513, %gather3A_520 : vector<16xf32>
    %eq3A_522 = arith.constant 0 : i32
    %eq3A_523 = vector.broadcast %eq3A_522 : i32 to vector<16xi32>
    %eq3A_524 = arith.cmpi eq, %iota3A, %eq3A_523 : vector<16xi32>
    %eq3A_525 = arith.constant 1 : i32
    %eq3A_526 = vector.broadcast %eq3A_525 : i32 to vector<16xi32>
    %eq3A_527 = arith.cmpi eq, %iota3A, %eq3A_526 : vector<16xi32>
    %eq3A_528 = arith.constant 2 : i32
    %eq3A_529 = vector.broadcast %eq3A_528 : i32 to vector<16xi32>
    %eq3A_530 = arith.cmpi eq, %iota3A, %eq3A_529 : vector<16xi32>
    %eq3A_531 = arith.constant 3 : i32
    %eq3A_532 = vector.broadcast %eq3A_531 : i32 to vector<16xi32>
    %eq3A_533 = arith.cmpi eq, %iota3A, %eq3A_532 : vector<16xi32>
    %broadcast_in_dim3A_534 = vector.broadcast %and3A_262 : i1 to vector<16xi1>
    %select_n3A_535 = arith.select %eq3A_533, %broadcast_in_dim3A_534, %eq3A_446 : vector<16xi1>, vector<16xi1>
    %broadcast_in_dim3A_536 = vector.broadcast %and3A_245 : i1 to vector<16xi1>
    %select_n3A_537 = arith.select %eq3A_530, %broadcast_in_dim3A_536, %select_n3A_535 : vector<16xi1>, vector<16xi1>
    %broadcast_in_dim3A_538 = vector.broadcast %and3A_234 : i1 to vector<16xi1>
    %select_n3A_539 = arith.select %eq3A_527, %broadcast_in_dim3A_538, %select_n3A_537 : vector<16xi1>, vector<16xi1>
    %broadcast_in_dim3A_540 = vector.broadcast %and3A_207 : i1 to vector<16xi1>
    %select_n3A_541 = arith.select %eq3A_524, %broadcast_in_dim3A_540, %select_n3A_539 : vector<16xi1>, vector<16xi1>
    %not3A_542 = arith.constant dense<true> : vector<16xi1>
    %not3A_543 = arith.xori %and3A_506, %not3A_542 : vector<16xi1>
    %and3A_544 = arith.andi %select_n3A_541, %not3A_543 : vector<16xi1>
    %lt3A_545 = arith.constant 4 : i32
    %lt3A_546 = vector.broadcast %lt3A_545 : i32 to vector<16xi32>
    %lt3A_547 = arith.cmpi slt, %iota3A, %lt3A_546 : vector<16xi32>
    %and3A_548 = arith.andi %and3A_544, %lt3A_547 : vector<16xi1>
    %sub3A_549 = vector.broadcast %max3A_349 : f32 to vector<16xf32>
    %sub3A_550 = arith.subf %add3A_329, %sub3A_549 : vector<16xf32>
    %exp3A = math.exp %sub3A_550 : vector<16xf32>
    %jit3A_551 = arith.constant 0.000000e+00 : f32
    %broadcast_in_dim3A_552 = vector.broadcast %jit3A_551 : f32 to vector<16xf32>
    %select_n3A_553 = arith.select %and3A_548, %exp3A, %broadcast_in_dim3A_552 : vector<16xi1>, vector<16xf32>
    %reduce_sum3A_554 = arith.constant true
    %reduce_sum3A_555 = vector.broadcast %reduce_sum3A_554 : i1 to vector<16xi1>
    %reduce_sum3A_556 = tpu.scan <sum>, %select_n3A_553 masked %reduce_sum3A_555 : vector<16xf32>, vector<16xi1> -> vector<16xf32>
    %reduce_sum3A_557 = vector.extract %reduce_sum3A_556[15] : f32 from vector<16xf32>
    %add3A_558 = arith.addf %reduce_sum3A_361, %reduce_sum3A_557 : f32
    %broadcast_in_dim3A_559 = vector.broadcast %add3A_558 : f32 to vector<16xf32>
    %bitcast_convert_type3A = tpu.bitcast %broadcast_in_dim3A_559 : vector<16xf32> -> vector<16xi32>
    %shift_right_logical3A_560 = arith.constant 23 : i32
    %shift_right_logical3A_561 = vector.broadcast %shift_right_logical3A_560 : i32 to vector<16xi32>
    %shift_right_logical3A_562 = arith.shrui %bitcast_convert_type3A, %shift_right_logical3A_561 : vector<16xi32>
    %and3A_563 = arith.constant 255 : i32
    %and3A_564 = vector.broadcast %and3A_563 : i32 to vector<16xi32>
    %and3A_565 = arith.andi %shift_right_logical3A_562, %and3A_564 : vector<16xi32>
    %sub3A_566 = arith.constant 127 : i32
    %sub3A_567 = vector.broadcast %sub3A_566 : i32 to vector<16xi32>
    %sub3A_568 = arith.subi %and3A_565, %sub3A_567 : vector<16xi32>
    %and3A_569 = arith.constant 8388607 : i32
    %and3A_570 = vector.broadcast %and3A_569 : i32 to vector<16xi32>
    %and3A_571 = arith.andi %bitcast_convert_type3A, %and3A_570 : vector<16xi32>
    %or3A_572 = arith.constant 1065353216 : i32
    %or3A_573 = vector.broadcast %or3A_572 : i32 to vector<16xi32>
    %or3A_574 = arith.ori %and3A_571, %or3A_573 : vector<16xi32>
    %bitcast_convert_type3A_575 = tpu.bitcast %or3A_574 : vector<16xi32> -> vector<16xf32>
    %gt3A = arith.constant 1.500000e+00 : f32
    %gt3A_576 = vector.broadcast %gt3A : f32 to vector<16xf32>
    %gt3A_577 = arith.cmpf ogt, %bitcast_convert_type3A_575, %gt3A_576 : vector<16xf32>
    %mul3A_578 = arith.constant 5.000000e-01 : f32
    %mul3A_579 = vector.broadcast %mul3A_578 : f32 to vector<16xf32>
    %mul3A_580 = arith.mulf %bitcast_convert_type3A_575, %mul3A_579 : vector<16xf32>
    %select_n3A_581 = arith.select %gt3A_577, %mul3A_580, %bitcast_convert_type3A_575 : vector<16xi1>, vector<16xf32>
    %convert_element_type3A = arith.extui %gt3A_577 : vector<16xi1> to vector<16xi32>
    %add3A_582 = arith.addi %sub3A_568, %convert_element_type3A : vector<16xi32>
    %sub3A_583 = arith.constant 1.000000e+00 : f32
    %sub3A_584 = vector.broadcast %sub3A_583 : f32 to vector<16xf32>
    %sub3A_585 = arith.subf %select_n3A_581, %sub3A_584 : vector<16xf32>
    %add3A_586 = arith.constant 1.000000e+00 : f32
    %add3A_587 = vector.broadcast %add3A_586 : f32 to vector<16xf32>
    %add3A_588 = arith.addf %select_n3A_581, %add3A_587 : vector<16xf32>
    %div3A = arith.divf %sub3A_585, %add3A_588 : vector<16xf32>
    %mul3A_589 = arith.mulf %div3A, %div3A : vector<16xf32>
    %mul3A_590 = arith.constant 2.000000e+00 : f32
    %mul3A_591 = vector.broadcast %mul3A_590 : f32 to vector<16xf32>
    %mul3A_592 = arith.mulf %mul3A_591, %div3A : vector<16xf32>
    %mul3A_593 = arith.constant 0.142857149 : f32
    %mul3A_594 = vector.broadcast %mul3A_593 : f32 to vector<16xf32>
    %mul3A_595 = arith.mulf %mul3A_589, %mul3A_594 : vector<16xf32>
    %add3A_596 = arith.constant 2.000000e-01 : f32
    %add3A_597 = vector.broadcast %add3A_596 : f32 to vector<16xf32>
    %add3A_598 = arith.addf %add3A_597, %mul3A_595 : vector<16xf32>
    %mul3A_599 = arith.mulf %mul3A_589, %add3A_598 : vector<16xf32>
    %add3A_600 = arith.constant 0.333333343 : f32
    %add3A_601 = vector.broadcast %add3A_600 : f32 to vector<16xf32>
    %add3A_602 = arith.addf %add3A_601, %mul3A_599 : vector<16xf32>
    %mul3A_603 = arith.mulf %mul3A_589, %add3A_602 : vector<16xf32>
    %add3A_604 = arith.constant 1.000000e+00 : f32
    %add3A_605 = vector.broadcast %add3A_604 : f32 to vector<16xf32>
    %add3A_606 = arith.addf %add3A_605, %mul3A_603 : vector<16xf32>
    %mul3A_607 = arith.mulf %mul3A_592, %add3A_606 : vector<16xf32>
    %convert_element_type3A_608 = arith.sitofp %add3A_582 : vector<16xi32> to vector<16xf32>
    %mul3A_609 = arith.constant 0.693147182 : f32
    %mul3A_610 = vector.broadcast %mul3A_609 : f32 to vector<16xf32>
    %mul3A_611 = arith.mulf %convert_element_type3A_608, %mul3A_610 : vector<16xf32>
    %add3A_612 = arith.addf %mul3A_611, %mul3A_607 : vector<16xf32>
    %slice3A_613 = vector.extract_strided_slice %add3A_612 {offsets = [0], sizes = [1], strides = [1]} : vector<16xf32> to vector<1xf32>
    %squeeze3A_614 = vector.extract %slice3A_613[0] : f32 from vector<1xf32>
    %add3A_615 = arith.addf %max3A_349, %squeeze3A_614 : f32
    %eq3A_616 = arith.constant 0 : i32
    %eq3A_617 = vector.broadcast %eq3A_616 : i32 to vector<16xi32>
    %eq3A_618 = arith.cmpi eq, %shift_right_logical3A_364, %eq3A_617 : vector<16xi32>
    %and3A_619 = arith.andi %or3A_504, %eq3A_618 : vector<16xi1>
    %convert_element_type3A_620 = arith.extui %and3A_619 : vector<16xi1> to vector<16xi32>
    %reduce_sum3A_621 = arith.constant true
    %reduce_sum3A_622 = vector.broadcast %reduce_sum3A_621 : i1 to vector<16xi1>
    %reduce_sum3A_623 = tpu.scan <sum>, %convert_element_type3A_620 masked %reduce_sum3A_622 : vector<16xi32>, vector<16xi1> -> vector<16xi32>
    %reduce_sum3A_624 = vector.extract %reduce_sum3A_623[15] : i32 from vector<16xi32>
    %jit3A_625 = arith.constant 0.000000e+00 : f32
    %broadcast_in_dim3A_626 = vector.broadcast %jit3A_625 : f32 to vector<16xf32>
    %select_n3A_627 = arith.select %and3A_619, %add3A_521, %broadcast_in_dim3A_626 : vector<16xi1>, vector<16xf32>
    %reduce_sum3A_628 = arith.constant true
    %reduce_sum3A_629 = vector.broadcast %reduce_sum3A_628 : i1 to vector<16xi1>
    %reduce_sum3A_630 = tpu.scan <sum>, %select_n3A_627 masked %reduce_sum3A_629 : vector<16xf32>, vector<16xi1> -> vector<16xf32>
    %reduce_sum3A_631 = vector.extract %reduce_sum3A_630[15] : f32 from vector<16xf32>
    %eq3A_632 = arith.constant 2 : i32
    %eq3A_633 = arith.cmpi eq, %reduce_sum3A_624, %eq3A_632 : i32
    %eq3A_634 = arith.constant 3 : i32
    %eq3A_635 = arith.cmpi eq, %reduce_sum3A_624, %eq3A_634 : i32
    %eq3A_636 = arith.constant 4 : i32
    %eq3A_637 = arith.cmpi eq, %reduce_sum3A_624, %eq3A_636 : i32
    %jit3A_638 = arith.constant 1.38629436 : f32
    %jit3A_639 = arith.constant 0.000000e+00 : f32
    %select_n3A_640 = arith.select %eq3A_637, %jit3A_638, %jit3A_639 : f32
    %jit3A_641 = arith.constant 1.09861231 : f32
    %select_n3A_642 = arith.select %eq3A_635, %jit3A_641, %select_n3A_640 : f32
    %jit3A_643 = arith.constant 0.693147182 : f32
    %select_n3A_644 = arith.select %eq3A_633, %jit3A_643, %select_n3A_642 : f32
    %eq3A_645 = arith.constant 2 : i32
    %eq3A_646 = arith.cmpi eq, %reduce_sum3A_624, %eq3A_645 : i32
    %eq3A_647 = arith.constant 3 : i32
    %eq3A_648 = arith.cmpi eq, %reduce_sum3A_624, %eq3A_647 : i32
    %eq3A_649 = arith.constant 4 : i32
    %eq3A_650 = arith.cmpi eq, %reduce_sum3A_624, %eq3A_649 : i32
    %jit3A_651 = arith.constant 2.500000e-02 : f32
    %jit3A_652 = arith.constant 1.000000e-01 : f32
    %select_n3A_653 = arith.select %eq3A_650, %jit3A_651, %jit3A_652 : f32
    %jit3A_654 = arith.constant 0.0333333351 : f32
    %select_n3A_655 = arith.select %eq3A_648, %jit3A_654, %select_n3A_653 : f32
    %jit3A_656 = arith.constant 5.000000e-02 : f32
    %select_n3A_657 = arith.select %eq3A_646, %jit3A_656, %select_n3A_655 : f32
    %sub3A_658 = arith.constant -2.30258512 : f32
    %sub3A_659 = arith.subf %sub3A_658, %select_n3A_644 : f32
    %mul3A_660 = arith.constant 1.000000e-01 : f32
    %mul3A_661 = arith.mulf %mul3A_660, %sub3A_659 : f32
    %add3A_662 = arith.constant -0.0948244631 : f32
    %add3A_663 = arith.addf %add3A_662, %mul3A_661 : f32
    %sub3A_664 = arith.subf %add3A_615, %squeeze3A_331 : f32
    %add3A_665 = arith.addf %add3A_663, %add3A_615 : f32
    %mul3A_666 = arith.constant 0.899999976 : f32
    %mul3A_667 = arith.mulf %mul3A_666, %squeeze3A_331 : f32
    %sub3A_668 = arith.subf %add3A_665, %mul3A_667 : f32
    %mul3A_669 = arith.mulf %select_n3A_657, %reduce_sum3A_631 : f32
    %sub3A_670 = arith.subf %sub3A_668, %mul3A_669 : f32
    %eq3A_671 = arith.constant 0 : i32
    %eq3A_672 = arith.cmpi eq, %reduce_sum3A_624, %eq3A_671 : i32
    %select_n3A_673 = arith.select %eq3A_672, %sub3A_664, %sub3A_670 : f32
    %gt3A_674 = arith.constant 0 : i32
    %gt3A_675 = arith.cmpi sgt, %reduce_sum3A_281, %gt3A_674 : i32
    %and3A_676 = arith.andi %and3A_207, %gt3A_675 : i1
    %jit3A_677 = arith.constant 0.000000e+00 : f32
    %select_n3A_678 = arith.select %and3A_676, %select_n3A_673, %jit3A_677 : f32
    %add3A_679 = arith.constant 0.000000e+00 : f32
    %add3A_680 = arith.addf %add3A_679, %select_n3A_678 : f32
    %convert_element_type3A_681 = arith.extui %and3A_676 : i1 to i32
    %add3A_682 = arith.constant 0 : i32
    %add3A_683 = arith.addi %add3A_682, %convert_element_type3A_681 : i32
    %eq3A_684 = arith.constant 1 : i32
    %eq3A_685 = vector.broadcast %eq3A_684 : i32 to vector<16xi32>
    %eq3A_686 = arith.cmpi eq, %shift_right_logical3A_364, %eq3A_685 : vector<16xi32>
    %and3A_687 = arith.andi %or3A_504, %eq3A_686 : vector<16xi1>
    %convert_element_type3A_688 = arith.extui %and3A_687 : vector<16xi1> to vector<16xi32>
    %reduce_sum3A_689 = arith.constant true
    %reduce_sum3A_690 = vector.broadcast %reduce_sum3A_689 : i1 to vector<16xi1>
    %reduce_sum3A_691 = tpu.scan <sum>, %convert_element_type3A_688 masked %reduce_sum3A_690 : vector<16xi32>, vector<16xi1> -> vector<16xi32>
    %reduce_sum3A_692 = vector.extract %reduce_sum3A_691[15] : i32 from vector<16xi32>
    %jit3A_693 = arith.constant 0.000000e+00 : f32
    %broadcast_in_dim3A_694 = vector.broadcast %jit3A_693 : f32 to vector<16xf32>
    %select_n3A_695 = arith.select %and3A_687, %add3A_521, %broadcast_in_dim3A_694 : vector<16xi1>, vector<16xf32>
    %reduce_sum3A_696 = arith.constant true
    %reduce_sum3A_697 = vector.broadcast %reduce_sum3A_696 : i1 to vector<16xi1>
    %reduce_sum3A_698 = tpu.scan <sum>, %select_n3A_695 masked %reduce_sum3A_697 : vector<16xf32>, vector<16xi1> -> vector<16xf32>
    %reduce_sum3A_699 = vector.extract %reduce_sum3A_698[15] : f32 from vector<16xf32>
    %eq3A_700 = arith.constant 2 : i32
    %eq3A_701 = arith.cmpi eq, %reduce_sum3A_692, %eq3A_700 : i32
    %eq3A_702 = arith.constant 3 : i32
    %eq3A_703 = arith.cmpi eq, %reduce_sum3A_692, %eq3A_702 : i32
    %eq3A_704 = arith.constant 4 : i32
    %eq3A_705 = arith.cmpi eq, %reduce_sum3A_692, %eq3A_704 : i32
    %jit3A_706 = arith.constant 1.38629436 : f32
    %jit3A_707 = arith.constant 0.000000e+00 : f32
    %select_n3A_708 = arith.select %eq3A_705, %jit3A_706, %jit3A_707 : f32
    %jit3A_709 = arith.constant 1.09861231 : f32
    %select_n3A_710 = arith.select %eq3A_703, %jit3A_709, %select_n3A_708 : f32
    %jit3A_711 = arith.constant 0.693147182 : f32
    %select_n3A_712 = arith.select %eq3A_701, %jit3A_711, %select_n3A_710 : f32
    %eq3A_713 = arith.constant 2 : i32
    %eq3A_714 = arith.cmpi eq, %reduce_sum3A_692, %eq3A_713 : i32
    %eq3A_715 = arith.constant 3 : i32
    %eq3A_716 = arith.cmpi eq, %reduce_sum3A_692, %eq3A_715 : i32
    %eq3A_717 = arith.constant 4 : i32
    %eq3A_718 = arith.cmpi eq, %reduce_sum3A_692, %eq3A_717 : i32
    %jit3A_719 = arith.constant 2.500000e-02 : f32
    %jit3A_720 = arith.constant 1.000000e-01 : f32
    %select_n3A_721 = arith.select %eq3A_718, %jit3A_719, %jit3A_720 : f32
    %jit3A_722 = arith.constant 0.0333333351 : f32
    %select_n3A_723 = arith.select %eq3A_716, %jit3A_722, %select_n3A_721 : f32
    %jit3A_724 = arith.constant 5.000000e-02 : f32
    %select_n3A_725 = arith.select %eq3A_714, %jit3A_724, %select_n3A_723 : f32
    %sub3A_726 = arith.constant -2.30258512 : f32
    %sub3A_727 = arith.subf %sub3A_726, %select_n3A_712 : f32
    %mul3A_728 = arith.constant 1.000000e-01 : f32
    %mul3A_729 = arith.mulf %mul3A_728, %sub3A_727 : f32
    %add3A_730 = arith.constant -0.0948244631 : f32
    %add3A_731 = arith.addf %add3A_730, %mul3A_729 : f32
    %sub3A_732 = arith.subf %add3A_615, %squeeze3A_333 : f32
    %add3A_733 = arith.addf %add3A_731, %add3A_615 : f32
    %mul3A_734 = arith.constant 0.899999976 : f32
    %mul3A_735 = arith.mulf %mul3A_734, %squeeze3A_333 : f32
    %sub3A_736 = arith.subf %add3A_733, %mul3A_735 : f32
    %mul3A_737 = arith.mulf %select_n3A_725, %reduce_sum3A_699 : f32
    %sub3A_738 = arith.subf %sub3A_736, %mul3A_737 : f32
    %eq3A_739 = arith.constant 0 : i32
    %eq3A_740 = arith.cmpi eq, %reduce_sum3A_692, %eq3A_739 : i32
    %select_n3A_741 = arith.select %eq3A_740, %sub3A_732, %sub3A_738 : f32
    %gt3A_742 = arith.constant 0 : i32
    %gt3A_743 = arith.cmpi sgt, %reduce_sum3A_281, %gt3A_742 : i32
    %and3A_744 = arith.andi %and3A_214, %gt3A_743 : i1
    %jit3A_745 = arith.constant 0.000000e+00 : f32
    %select_n3A_746 = arith.select %and3A_744, %select_n3A_741, %jit3A_745 : f32
    %add3A_747 = arith.addf %add3A_680, %select_n3A_746 : f32
    %convert_element_type3A_748 = arith.extui %and3A_744 : i1 to i32
    %add3A_749 = arith.addi %add3A_683, %convert_element_type3A_748 : i32
    %eq3A_750 = arith.constant 2 : i32
    %eq3A_751 = vector.broadcast %eq3A_750 : i32 to vector<16xi32>
    %eq3A_752 = arith.cmpi eq, %shift_right_logical3A_364, %eq3A_751 : vector<16xi32>
    %and3A_753 = arith.andi %or3A_504, %eq3A_752 : vector<16xi1>
    %convert_element_type3A_754 = arith.extui %and3A_753 : vector<16xi1> to vector<16xi32>
    %reduce_sum3A_755 = arith.constant true
    %reduce_sum3A_756 = vector.broadcast %reduce_sum3A_755 : i1 to vector<16xi1>
    %reduce_sum3A_757 = tpu.scan <sum>, %convert_element_type3A_754 masked %reduce_sum3A_756 : vector<16xi32>, vector<16xi1> -> vector<16xi32>
    %reduce_sum3A_758 = vector.extract %reduce_sum3A_757[15] : i32 from vector<16xi32>
    %jit3A_759 = arith.constant 0.000000e+00 : f32
    %broadcast_in_dim3A_760 = vector.broadcast %jit3A_759 : f32 to vector<16xf32>
    %select_n3A_761 = arith.select %and3A_753, %add3A_521, %broadcast_in_dim3A_760 : vector<16xi1>, vector<16xf32>
    %reduce_sum3A_762 = arith.constant true
    %reduce_sum3A_763 = vector.broadcast %reduce_sum3A_762 : i1 to vector<16xi1>
    %reduce_sum3A_764 = tpu.scan <sum>, %select_n3A_761 masked %reduce_sum3A_763 : vector<16xf32>, vector<16xi1> -> vector<16xf32>
    %reduce_sum3A_765 = vector.extract %reduce_sum3A_764[15] : f32 from vector<16xf32>
    %eq3A_766 = arith.constant 2 : i32
    %eq3A_767 = arith.cmpi eq, %reduce_sum3A_758, %eq3A_766 : i32
    %eq3A_768 = arith.constant 3 : i32
    %eq3A_769 = arith.cmpi eq, %reduce_sum3A_758, %eq3A_768 : i32
    %eq3A_770 = arith.constant 4 : i32
    %eq3A_771 = arith.cmpi eq, %reduce_sum3A_758, %eq3A_770 : i32
    %jit3A_772 = arith.constant 1.38629436 : f32
    %jit3A_773 = arith.constant 0.000000e+00 : f32
    %select_n3A_774 = arith.select %eq3A_771, %jit3A_772, %jit3A_773 : f32
    %jit3A_775 = arith.constant 1.09861231 : f32
    %select_n3A_776 = arith.select %eq3A_769, %jit3A_775, %select_n3A_774 : f32
    %jit3A_777 = arith.constant 0.693147182 : f32
    %select_n3A_778 = arith.select %eq3A_767, %jit3A_777, %select_n3A_776 : f32
    %eq3A_779 = arith.constant 2 : i32
    %eq3A_780 = arith.cmpi eq, %reduce_sum3A_758, %eq3A_779 : i32
    %eq3A_781 = arith.constant 3 : i32
    %eq3A_782 = arith.cmpi eq, %reduce_sum3A_758, %eq3A_781 : i32
    %eq3A_783 = arith.constant 4 : i32
    %eq3A_784 = arith.cmpi eq, %reduce_sum3A_758, %eq3A_783 : i32
    %jit3A_785 = arith.constant 2.500000e-02 : f32
    %jit3A_786 = arith.constant 1.000000e-01 : f32
    %select_n3A_787 = arith.select %eq3A_784, %jit3A_785, %jit3A_786 : f32
    %jit3A_788 = arith.constant 0.0333333351 : f32
    %select_n3A_789 = arith.select %eq3A_782, %jit3A_788, %select_n3A_787 : f32
    %jit3A_790 = arith.constant 5.000000e-02 : f32
    %select_n3A_791 = arith.select %eq3A_780, %jit3A_790, %select_n3A_789 : f32
    %sub3A_792 = arith.constant -2.30258512 : f32
    %sub3A_793 = arith.subf %sub3A_792, %select_n3A_778 : f32
    %mul3A_794 = arith.constant 1.000000e-01 : f32
    %mul3A_795 = arith.mulf %mul3A_794, %sub3A_793 : f32
    %add3A_796 = arith.constant -0.0948244631 : f32
    %add3A_797 = arith.addf %add3A_796, %mul3A_795 : f32
    %sub3A_798 = arith.subf %add3A_615, %squeeze3A_335 : f32
    %add3A_799 = arith.addf %add3A_797, %add3A_615 : f32
    %mul3A_800 = arith.constant 0.899999976 : f32
    %mul3A_801 = arith.mulf %mul3A_800, %squeeze3A_335 : f32
    %sub3A_802 = arith.subf %add3A_799, %mul3A_801 : f32
    %mul3A_803 = arith.mulf %select_n3A_791, %reduce_sum3A_765 : f32
    %sub3A_804 = arith.subf %sub3A_802, %mul3A_803 : f32
    %eq3A_805 = arith.constant 0 : i32
    %eq3A_806 = arith.cmpi eq, %reduce_sum3A_758, %eq3A_805 : i32
    %select_n3A_807 = arith.select %eq3A_806, %sub3A_798, %sub3A_804 : f32
    %gt3A_808 = arith.constant 0 : i32
    %gt3A_809 = arith.cmpi sgt, %reduce_sum3A_281, %gt3A_808 : i32
    %and3A_810 = arith.andi %and3A_221, %gt3A_809 : i1
    %jit3A_811 = arith.constant 0.000000e+00 : f32
    %select_n3A_812 = arith.select %and3A_810, %select_n3A_807, %jit3A_811 : f32
    %add3A_813 = arith.addf %add3A_747, %select_n3A_812 : f32
    %convert_element_type3A_814 = arith.extui %and3A_810 : i1 to i32
    %add3A_815 = arith.addi %add3A_749, %convert_element_type3A_814 : i32
    %eq3A_816 = arith.constant 3 : i32
    %eq3A_817 = vector.broadcast %eq3A_816 : i32 to vector<16xi32>
    %eq3A_818 = arith.cmpi eq, %shift_right_logical3A_364, %eq3A_817 : vector<16xi32>
    %and3A_819 = arith.andi %or3A_504, %eq3A_818 : vector<16xi1>
    %convert_element_type3A_820 = arith.extui %and3A_819 : vector<16xi1> to vector<16xi32>
    %reduce_sum3A_821 = arith.constant true
    %reduce_sum3A_822 = vector.broadcast %reduce_sum3A_821 : i1 to vector<16xi1>
    %reduce_sum3A_823 = tpu.scan <sum>, %convert_element_type3A_820 masked %reduce_sum3A_822 : vector<16xi32>, vector<16xi1> -> vector<16xi32>
    %reduce_sum3A_824 = vector.extract %reduce_sum3A_823[15] : i32 from vector<16xi32>
    %jit3A_825 = arith.constant 0.000000e+00 : f32
    %broadcast_in_dim3A_826 = vector.broadcast %jit3A_825 : f32 to vector<16xf32>
    %select_n3A_827 = arith.select %and3A_819, %add3A_521, %broadcast_in_dim3A_826 : vector<16xi1>, vector<16xf32>
    %reduce_sum3A_828 = arith.constant true
    %reduce_sum3A_829 = vector.broadcast %reduce_sum3A_828 : i1 to vector<16xi1>
    %reduce_sum3A_830 = tpu.scan <sum>, %select_n3A_827 masked %reduce_sum3A_829 : vector<16xf32>, vector<16xi1> -> vector<16xf32>
    %reduce_sum3A_831 = vector.extract %reduce_sum3A_830[15] : f32 from vector<16xf32>
    %eq3A_832 = arith.constant 2 : i32
    %eq3A_833 = arith.cmpi eq, %reduce_sum3A_824, %eq3A_832 : i32
    %eq3A_834 = arith.constant 3 : i32
    %eq3A_835 = arith.cmpi eq, %reduce_sum3A_824, %eq3A_834 : i32
    %eq3A_836 = arith.constant 4 : i32
    %eq3A_837 = arith.cmpi eq, %reduce_sum3A_824, %eq3A_836 : i32
    %jit3A_838 = arith.constant 1.38629436 : f32
    %jit3A_839 = arith.constant 0.000000e+00 : f32
    %select_n3A_840 = arith.select %eq3A_837, %jit3A_838, %jit3A_839 : f32
    %jit3A_841 = arith.constant 1.09861231 : f32
    %select_n3A_842 = arith.select %eq3A_835, %jit3A_841, %select_n3A_840 : f32
    %jit3A_843 = arith.constant 0.693147182 : f32
    %select_n3A_844 = arith.select %eq3A_833, %jit3A_843, %select_n3A_842 : f32
    %eq3A_845 = arith.constant 2 : i32
    %eq3A_846 = arith.cmpi eq, %reduce_sum3A_824, %eq3A_845 : i32
    %eq3A_847 = arith.constant 3 : i32
    %eq3A_848 = arith.cmpi eq, %reduce_sum3A_824, %eq3A_847 : i32
    %eq3A_849 = arith.constant 4 : i32
    %eq3A_850 = arith.cmpi eq, %reduce_sum3A_824, %eq3A_849 : i32
    %jit3A_851 = arith.constant 2.500000e-02 : f32
    %jit3A_852 = arith.constant 1.000000e-01 : f32
    %select_n3A_853 = arith.select %eq3A_850, %jit3A_851, %jit3A_852 : f32
    %jit3A_854 = arith.constant 0.0333333351 : f32
    %select_n3A_855 = arith.select %eq3A_848, %jit3A_854, %select_n3A_853 : f32
    %jit3A_856 = arith.constant 5.000000e-02 : f32
    %select_n3A_857 = arith.select %eq3A_846, %jit3A_856, %select_n3A_855 : f32
    %sub3A_858 = arith.constant -2.30258512 : f32
    %sub3A_859 = arith.subf %sub3A_858, %select_n3A_844 : f32
    %mul3A_860 = arith.constant 1.000000e-01 : f32
    %mul3A_861 = arith.mulf %mul3A_860, %sub3A_859 : f32
    %add3A_862 = arith.constant -0.0948244631 : f32
    %add3A_863 = arith.addf %add3A_862, %mul3A_861 : f32
    %sub3A_864 = arith.subf %add3A_615, %squeeze3A_337 : f32
    %add3A_865 = arith.addf %add3A_863, %add3A_615 : f32
    %mul3A_866 = arith.constant 0.899999976 : f32
    %mul3A_867 = arith.mulf %mul3A_866, %squeeze3A_337 : f32
    %sub3A_868 = arith.subf %add3A_865, %mul3A_867 : f32
    %mul3A_869 = arith.mulf %select_n3A_857, %reduce_sum3A_831 : f32
    %sub3A_870 = arith.subf %sub3A_868, %mul3A_869 : f32
    %eq3A_871 = arith.constant 0 : i32
    %eq3A_872 = arith.cmpi eq, %reduce_sum3A_824, %eq3A_871 : i32
    %select_n3A_873 = arith.select %eq3A_872, %sub3A_864, %sub3A_870 : f32
    %gt3A_874 = arith.constant 0 : i32
    %gt3A_875 = arith.cmpi sgt, %reduce_sum3A_281, %gt3A_874 : i32
    %and3A_876 = arith.andi %and3A_228, %gt3A_875 : i1
    %jit3A_877 = arith.constant 0.000000e+00 : f32
    %select_n3A_878 = arith.select %and3A_876, %select_n3A_873, %jit3A_877 : f32
    %add3A_879 = arith.addf %add3A_813, %select_n3A_878 : f32
    %convert_element_type3A_880 = arith.extui %and3A_876 : i1 to i32
    %add3A_881 = arith.addi %add3A_815, %convert_element_type3A_880 : i32
    %eq3A_882 = arith.constant 0 : i32
    %eq3A_883 = vector.broadcast %eq3A_882 : i32 to vector<16xi32>
    %eq3A_884 = arith.cmpi eq, %iota3A, %eq3A_883 : vector<16xi32>
    %eq3A_885 = arith.constant 1 : i32
    %eq3A_886 = vector.broadcast %eq3A_885 : i32 to vector<16xi32>
    %eq3A_887 = arith.cmpi eq, %iota3A, %eq3A_886 : vector<16xi32>
    %convert_element_type3A_888 = arith.sitofp %add3A_881 : i32 to f32
    %jit3A_889 = arith.constant 0.000000e+00 : f32
    %broadcast_in_dim3A_890 = vector.broadcast %convert_element_type3A_888 : f32 to vector<16xf32>
    %broadcast_in_dim3A_891 = vector.broadcast %jit3A_889 : f32 to vector<16xf32>
    %select_n3A_892 = arith.select %eq3A_887, %broadcast_in_dim3A_890, %broadcast_in_dim3A_891 : vector<16xi1>, vector<16xf32>
    %broadcast_in_dim3A_893 = vector.broadcast %add3A_879 : f32 to vector<16xf32>
    %select_n3A_894 = arith.select %eq3A_884, %broadcast_in_dim3A_893, %select_n3A_892 : vector<16xi1>, vector<16xf32>
    %swap3A_895 = arith.constant 0 : index
    %swap3A_896 = tpu.vector_load %arg17[%swap3A_895] {strides = array<i32>} : memref<16xf32, #tpu.memory_space<vmem>>, vector<16xf32>,
    tpu.vector_store %arg17[%swap3A_895], %select_n3A_894 {strides = array<i32>} : memref<16xf32, #tpu.memory_space<vmem>>, vector<16xf32>,
    "tpu.region"() ({
      %run_scoped3A = tpu.sem_alloc : memref<!tpu.dma_semaphore, #tpu.memory_space<semaphore_mem>>
      %dma_start3A = arith.constant 0 : i32
      %dma_start3A_897 = tpu.memref_slice %arg6[%add3A, %dma_start3A] : memref<32x16xf32, #tpu.memory_space<hbm>> -> memref<1x16xf32, #tpu.memory_space<hbm>>
      %dma_start3A_898 = tpu.memref_squeeze %dma_start3A_897 : memref<1x16xf32, #tpu.memory_space<hbm>> -> memref<16xf32, #tpu.memory_space<hbm>>
      %dma_start3A_899 = arith.constant 0 : i32
      %dma_start3A_900 = tpu.memref_slice %arg6[%add3A, %dma_start3A_899] : memref<32x16xf32, #tpu.memory_space<hbm>> -> memref<1x16xf32, #tpu.memory_space<hbm>>
      %dma_start3A_901 = tpu.memref_squeeze %dma_start3A_900 : memref<1x16xf32, #tpu.memory_space<hbm>> -> memref<16xf32, #tpu.memory_space<hbm>>
      tpu.enqueue_dma source(%arg17 : memref<16xf32, #tpu.memory_space<vmem>>) target(%dma_start3A_901 : memref<16xf32, #tpu.memory_space<hbm>>) target_semaphore(%run_scoped3A : memref<!tpu.dma_semaphore, #tpu.memory_space<semaphore_mem>>)
      %dma_wait3A = arith.constant 0 : i32
      %dma_wait3A_902 = tpu.memref_slice %arg6[%add3A, %dma_wait3A] : memref<32x16xf32, #tpu.memory_space<hbm>> -> memref<1x16xf32, #tpu.memory_space<hbm>>
      %dma_wait3A_903 = tpu.memref_squeeze %dma_wait3A_902 : memref<1x16xf32, #tpu.memory_space<hbm>> -> memref<16xf32, #tpu.memory_space<hbm>>
      %dma_wait3A_904 = arith.constant 0 : i32
      %dma_wait3A_905 = tpu.memref_slice %arg6[%add3A, %dma_wait3A_904] : memref<32x16xf32, #tpu.memory_space<hbm>> -> memref<1x16xf32, #tpu.memory_space<hbm>>
      %dma_wait3A_906 = tpu.memref_squeeze %dma_wait3A_905 : memref<1x16xf32, #tpu.memory_space<hbm>> -> memref<16xf32, #tpu.memory_space<hbm>>
      tpu.wait_dma2 semaphore(%run_scoped3A : memref<!tpu.dma_semaphore, #tpu.memory_space<semaphore_mem>>) src(%arg17 : memref<16xf32, #tpu.memory_space<vmem>>) dst(%dma_wait3A_906 : memref<16xf32, #tpu.memory_space<hbm>>)
      tpu.yield
    }) : () -> ()
    return
  }
}

</mosaic_0001>

<sc_bundles>
// kernel: _launch.3.cloned.1.call-start
scs
__scs_entry_jumppad:
0x0: {  	(pc) =	sbr.rel $0x88, $3  }
0x1: {  	(tag) =	ssettag $0x0;
	lr =	simm.s32 $0x1  }
0x2: {  	[smem:$0x3F9D] =	sst lr;
	_ =	strace $0xD0000000  }
0x3: {  	_ = 	snop  }
0x4: {  	_ = 	snop  }
0x5: {  	_ = 	snop  }
0x6: {  	_ = 	snop  }
0x7: {  	_ = 	snop  }
__scs_overlays_trampoline_lowered:
0x8: {  	[smem:$0x3FAC] =	sst s0  }
0x9: {  	[smem:$0x3FAD] =	sst s1  }
0xa: {  	[smem:$0x3FAE] =	sst s2  }
0xb: {  	[smem:$0x3FAF] =	sst s3  }
0xc: {  	[smem:$0x3FB0] =	sst s4  }
0xd: {  	[smem:$0x3FB1] =	sst s5  }
0xe: {  	[smem:$0x3FB2] =	sst s6  }
0xf: {  	[smem:$0x3FB3] =	sst s7  }
0x10: {  	[smem:$0x3FB4] =	sst s8  }
0x11: {  	[smem:$0x3FB5] =	sst s9;
	s0 =	simm.s32 @!p0 $0x0  }
0x12: {  	s1 =	sld [smem:$0x3F9B];
	s0 =	simm.s32 @p0 $0x1  }
0x13: {  	[smem:$0x3FB6] =	sst s0;
	s0 =	simm.s32 @!p1 $0x0  }
0x14: {  	s2 =	sld [smem:$0x3F9A];
	s0 =	simm.s32 @p1 $0x1  }
0x15: {  	[smem:$0x3FB7] =	sst s0;
	s0 =	simm.s32 @!p2 $0x0  }
0x16: {  	s3 =	sld [smem:$0x3FDB];
	s0 =	simm.s32 @p2 $0x1  }
0x17: {  	s4 =	simm.s32 $0x1BF5;
	[smem:$0x3FB9] =	sst s0  }
0x18: {  	s0 =	sld [smem:$0x3F9C];
	_ =	swait.ge [sflag:s4], $0x0  }
0x19: {  	s7 =	sld [smem:$0x3F9D]  }
0x1a: {  	s8 =	sadd.s32 $0xFFFFE003, lr  }
0x1b: {  	s9 =	sadd.s32 $0xFFFFFEF7, lr;
	s5 =	simm.s32 $0xFFFFFFFF;
	p2 =	slt.u32 s8, $0xFFFFF086  }
0x1c: {  	p1 =	slt.u32 s9, $0xF7A;
	s5 =	simm.s32 @!p2 $0x0  }
0x1d: {  	s5 =	simm.s32 @p1 $0x1;
	p0 =	seq.s32 s7, s2  }
0x1e: {  	s7 =	smul.u32 @!p0 $0xF7A, s2;
	p2 =	seq.s32 @!p0 s5, $0x0  }
0x1f: {  	s9 =	smul.u32 $0xF7A, s1;
	s8 =	simm.s32 @!p0 $0x1BF5;
	p2 =	por !p2, p0  }
0x20: {  	[sflag:s8] =	ssyncset.s32 @!p0 $0xFFFFF086;
	s6 =	sadd.s32 @!p0 s3, s7;
	s7 =	simm.s32 @!p0 $0x108  }
0x21: {  	s3 =	sadd.s32 s3, s9;
	s6 =	sadd.s32 @!p0 $0x88, s6;
	s7 =	simm.s32 @p2 $0x1082  }
0x22: {  	[simem:s7], [sflag:s8] =	dma.local @!p0 [hbm:s6], $0xF7A  }
0x23: {  	s9 =	sor.u32 $0xD0000000, s2;
	s6 =	simm.s32 $0x108;
	_ =	swait.ge @!p0 [sflag:s8], $0x0  }
0x24: {  	s3 =	sadd.s32 $0x88, s3;
	s6 =	simm.s32 @!p1 $0x1082;
	[sflag:s4] =	ssyncset.s32 $0xFFFFF086  }
0x25: {  	[simem:s6], [sflag:s4] =	dma.local [hbm:s3], $0xF7A  }
0x26: {  	[smem:$0x3F9D] =	sst s1;
	(tag) =	ssettag s2;
	_ =	strace s9  }
0x27: {  	s1 =	sld [smem:$0x3FAD]  }
0x28: {  	s2 =	sld [smem:$0x3FAE]  }
0x29: {  	s4 =	sld [smem:$0x3FB0]  }
0x2a: {  	p0 =	seq.s32 s5, $0x0;
	s5 =	sld [smem:$0x3FB1]  }
0x2b: {  	s6 =	sld [smem:$0x3FB2]  }
0x2c: {  	s7 =	sld [smem:$0x3FB3]  }
0x2d: {  	s3 =	simm.s32 $0x108;
	s8 =	sld [smem:$0x3FB4]  }
0x2e: {  	s3 =	simm.s32 @!p0 $0x1082;
	s9 =	sld [smem:$0x3FB5]  }
0x2f: {  	lr =	sadd.s32 s0, s3;
	s0 =	sld [smem:$0x3FAC]  }
0x30: {  	s3 =	sld [smem:$0x3FAF]  }
0x31: {  	[smem:$0x3FB8] =	sst s10  }
0x32: {  	s10 =	sld [smem:$0x3FB6];
	_ =	sdelay $0x3  }
0x33: {  	p0 =	seq.s32 s10, $0x1;
	s10 =	sld [smem:$0x3FB8];
	_ =	sdelay $0x3  }
0x34: {  	[smem:$0x3FB8] =	sst s10  }
0x35: {  	s10 =	sld [smem:$0x3FB7];
	_ =	sdelay $0x3  }
0x36: {  	p1 =	seq.s32 s10, $0x1;
	s10 =	sld [smem:$0x3FB8];
	_ =	sdelay $0x3  }
0x37: {  	[smem:$0x3FB8] =	sst s10  }
0x38: {  	s10 =	sld [smem:$0x3FB9]  }
0x39: {  	_ = 	snop;
	(pc) =	sbr.ind lr, $3  }
0x3a: {  	_ = 	snop  }
0x3b: {  	_ = 	snop  }
0x3c: {  	p2 =	seq.s32 s10, $0x1;
	s10 =	sld [smem:$0x3FB8]  }
0x3d: {  	_ =	shalt  }
0x3e: {  	_ =	shalt  }
0x3f: {  	_ =	shalt  }
0x40: {  	_ =	shalt  }
0x41: {  	_ =	shalt  }
0x42: {  	_ =	shalt  }
0x43: {  	_ =	shalt  }
0x44: {  	_ =	shalt  }
0x45: {  	_ =	shalt  }
0x46: {  	_ =	shalt  }
0x47: {  	_ =	shalt  }
0x48: {  	_ =	shalt  }
0x49: {  	_ =	shalt  }
0x4a: {  	_ =	shalt  }
0x4b: {  	_ =	shalt  }
0x4c: {  	_ =	shalt  }
0x4d: {  	_ =	shalt  }
0x4e: {  	_ =	shalt  }
0x4f: {  	_ =	shalt  }
0x50: {  	_ =	shalt  }
0x51: {  	_ =	shalt  }
0x52: {  	_ =	shalt  }
0x53: {  	_ =	shalt  }
0x54: {  	_ =	shalt  }
0x55: {  	_ =	shalt  }
0x56: {  	_ =	shalt  }
0x57: {  	_ =	shalt  }
0x58: {  	_ =	shalt  }
0x59: {  	_ =	shalt  }
0x5a: {  	_ =	shalt  }
0x5b: {  	_ =	shalt  }
0x5c: {  	_ =	shalt  }
0x5d: {  	_ =	shalt  }
0x5e: {  	_ =	shalt  }
0x5f: {  	_ =	shalt  }
0x60: {  	_ =	shalt  }
0x61: {  	_ =	shalt  }
0x62: {  	_ =	shalt  }
0x63: {  	_ =	shalt  }
0x64: {  	_ =	shalt  }
0x65: {  	_ =	shalt  }
0x66: {  	_ =	shalt  }
0x67: {  	_ =	shalt  }
0x68: {  	_ =	shalt  }
0x69: {  	_ =	shalt  }
0x6a: {  	_ =	shalt  }
0x6b: {  	_ =	shalt  }
0x6c: {  	_ =	shalt  }
0x6d: {  	_ =	shalt  }
0x6e: {  	_ =	shalt  }
0x6f: {  	_ =	shalt  }
0x70: {  	_ =	shalt  }
0x71: {  	_ =	shalt  }
0x72: {  	_ =	shalt  }
0x73: {  	_ =	shalt  }
0x74: {  	_ =	shalt  }
0x75: {  	_ =	shalt  }
0x76: {  	_ =	shalt  }
0x77: {  	_ =	shalt  }
0x78: {  	_ =	shalt  }
0x79: {  	_ =	shalt  }
0x7a: {  	_ =	shalt  }
0x7b: {  	_ =	shalt  }
0x7c: {  	_ =	shalt  }
0x7d: {  	_ =	shalt  }
0x7e: {  	_ =	shalt  }
0x7f: {  	_ =	shalt  }
0x80: {  	_ =	shalt  }
0x81: {  	_ =	shalt  }
0x82: {  	_ =	shalt  }
0x83: {  	_ =	shalt  }
0x84: {  	_ =	shalt  }
0x85: {  	_ =	shalt  }
0x86: {  	_ =	shalt  }
0x87: {  	_ =	shalt  }
.Lfunc_end0:
.L_simem_size_0:
called_computation_lowered:
.L_overlay_start_0:
0x88: {  	s2 =	sld [smem:$0x3FD9]  }
0x89: {  	s3 =	sld [smem:$0x3FFE];
	_ =	sdelay $0x1  }
0x8a: {  	s1 =	srdreg.scid  }
0x8b: {  	s0 =	sand.u32 $0x1, s1  }
0x8c: {  	s17 =	sshll.u32 s0, $0xA;
	s2 =	sadd.s32 s3, s2  }
0x8d: {  	s2 =	sadd.s32 s2, s17  }
0x8e: {  	[smem:$0x3FC4] =	sst s2  }
0x8f: {  	_ = 	snop  }
0x90: {  	s2 =	sld [smem:$0x3FC9]  }
0x91: {  	s18 =	sld [smem:$0x3FC8]  }
0x92: {  	s4 =	sld [smem:$0x3FC7]  }
0x93: {  	s5 =	sld [smem:$0x3FC6];
	(tm) =	ssettm $0x1  }
0x94: {  	s6 =	sld [smem:$0x3FFB];
	_ =	sdelay $0x3  }
0x95: {  	_ =	strace s6  }
0x96: {  	s6 =	sld [smem:$0x3FFC];
	_ =	sdelay $0x3  }
0x97: {  	_ =	strace s6  }
0x98: {  	s6 =	sld [smem:$0x3FFD];
	_ =	sdelay $0x3  }
0x99: {  	_ =	strace s6  }
0x9a: {  	_ =	strace $0x8FFFFFFF  }
0x9b: {  	s19 =	sld [smem:$0x3FDB];
	_ =	sdelay $0x1  }
0x9c: {  	s7 =	simm.s32 $_scs_section_size  }
0x9d: {  	s8 =	simm.s32 $_size__tile_overlayer_lowered;
	s9 =	simm.s32 $_tile_overlayer_lowered  }
0x9e: {  	s22 =	simm.s32 $0x1BFF;
	s21 =	sshll.u32 s9, $0x1;
	s6 =	sadd.s32 s7, s19  }
0x9f: {  	s10 =	simm.s32 $0x0;
	s20 =	sshll.u32 s8, $0x1;
	s8 =	sadd.s32 s21, s6  }
0xa0: {  	[timem:s10], [sflag:s22] =	dma.local [hbm:s8], s20  }
0xa1: {  	_ =	swait.ge [sflag:s22], s20  }
0xa2: {  	s7 =	ssub.s32 $0x0, s20;
	[sflag:s22] =	ssyncset.done $0x0  }
0xa3: {  	[sflag:s22] =	ssyncadd.s32 s7;
	_ =	sdelay $0x1  }
0xa4: {  	s23 =	simm.s32 $0x1B8B  }
0xa5: {  	_ =	swait.ge [sflag:s23], $0x1  }
0xa6: {  	[sflag:s23] =	ssyncset.done $0x0  }
0xa7: {  	s25 =	simm.s32 $0x1B8E;
	s24 =	sld [smem:$0x3FFE];
	[sflag:s23] =	ssyncadd.s32 $0xFFFFFFFF  }
0xa8: {  	s26 =	simm.s32 $execute0_lowered;
	[smem:$0x3FD2] =	sst s25  }
0xa9: {  	s8 =	sshll.u32 s26, $0x1;
	_ =	strace $0x80000046;
	[dreg:$0x1] =	wrdreg $0xFFFFFFFF  }
0xaa: {  	s28 =	simm.s32 $_size_execute0_lowered;
	s6 =	sadd.s32 s6, s8;
	[dreg:$0x0] =	wrdreg $0x0  }
0xab: {  	s8 =	sshll.u32 s28, $0x1;
	[dreg:$0x2] =	wrdreg s6  }
0xac: {  	[dreg:$0x3] =	wrdreg s8  }
0xad: {  	[dreg:$0x4] =	wrdreg $0xC0  }
0xae: {  	_ =	task [dreg:s10], $0x5FFFF  }
0xaf: {  	[dreg:$0x1] =	wrdreg $0xFFFFFFFF  }
0xb0: {  	[dreg:$0x0] =	wrdreg $0x60  }
0xb1: {  	[dreg:$0x2] =	wrdreg s2  }
0xb2: {  	[dreg:$0x3] =	wrdreg s18  }
0xb3: {  	[dreg:$0x4] =	wrdreg s4  }
0xb4: {  	[dreg:$0x5] =	wrdreg s5  }
0xb5: {  	[dreg:$0x6] =	wrdreg s24  }
0xb6: {  	[dreg:$0x7] =	wrdreg $0x9  }
0xb7: {  	_ =	task.clear_ibuf [dreg:s10], $0x8FFFF;
	_ =	strace $0x90000046  }
0xb8: {  	s29 =	simm.s32 $0x9;
	_ =	strace $0x80000048  }
0xb9: {  	_ =	swait.ge [sflag:s29], $0x1  }
0xba: {  	[sflag:s29] =	ssyncadd.s32 $0xFFFFFFFF  }
0xbb: {  	_ =	strace $0x90000048  }
0xbc: {  	_ =	sfence  }
0xbd: {  	s30 =	sld [smem:$0x0];
	_ =	sdelay $0x2  }
0xbe: {  	s31 =	sshll.u32 s1, $0xD;
	s1 =	sshrl.u32 s1, $0x2  }
0xbf: {  	s3 =	sand.u32 $0x4000, s31;
	s1 =	sadd.s32 s1, s30  }
0xc0: {  	s0 =	sor.u32 s3, s0;
	s1 =	sshll.u32 s1, $0x11  }
0xc1: {  	s0 =	sor.u32 s1, s0  }
0xc2: {  	s0 =	sadd.s32 $0x8F2B, s0  }
0xc3: {  	[sflag:s0] =	ssyncadd.remote.s32 $0x1  }
0xc4: {  	_ =	sfence.sel $0xFFFF  }
0xc5: {  	[dreg:$0x0] =	wrdreg $0xFFFFFFFF;
	(pc) =	sbr.abs _section_cstart, $3  }
0xc6: {  	[dreg:$0x1] =	wrdreg $0xFFFFFFFF  }
0xc7: {  	_ =	task.clear_ibuf [dreg:s10], $0x2FFFF;
	_ =	strace $0x9FFFFFFF  }
0xc8: {  	(tm) =	ssettm $0x7FFFFFFF  }
0xc9: {  	_ =	shalt  }
tec
execute0_lowered:
.L_overlay_start_1:
0x0: {  	(tag) =	ssettag $0x1  }
0x1: {  	s3 =	rddreg [dreg:$0x0]  }
0x2: {  	s4 =	rddreg [dreg:$0x1]  }
0x3: {  	s5 =	rddreg [dreg:$0x2]  }
0x4: {  	v0 =	vimm.s32 $0x76543210;
	v1 =	vimm.s32 $0xFEDCBA98;
	s6 =	rddreg [dreg:$0x3]  }
0x5: {  	v2 =	vimm.s32 $0xBA98FEDC;
	s7 =	rddreg [dreg:$0x4];
	v3 =	vimm.s32 $0x32107654;
	v4 =	vimm.s32 $0xDCFE98BA;
	s8 =	srdreg.scid  }
0x6: {  	v5 =	vimm.s32 $0x54761032;
	s0 =	stileid.u32;
	v6 =	vimm.s32 $0xEFCDAB89;
	s2 =	simm.s32 $0x0;
	s12 =	simm.s32 $0x2000  }
0x7: {  	v7 =	vimm.s32 $0x67452301;
	s14 =	simm.s32 $0x4080;
	s15 =	simm.s32 $0x4900;
	s16 =	simm.s32 $0x4980  }
0x8: {  	vm0 =	vmxor vm0, vm0;
	vm3 =	vcmask $0x3F30;
	v10 =	vimm.s32 $0x1FF0000;
	s18 =	simm.s32 $0x0;
	s17 =	sand.u32 $0x1, s8;
	s29 =	sshll.u32 s0, $0x8  }
0x9: {  	vm6 =	vcmask $0x704;
	v0 =	vunpack.c.l.s4.s8 v0;
	v1 =	vunpack.c.l.s4.s8 v1;
	s9 =	sshrl.u32 s0, $0x2;
	[smem:$0x7FF] =	sst s2;
	s5 =	sadd.s32 s5, s0  }
0xa: {  	v2 =	vunpack.c.l.s4.s8 v2;
	v3 =	vunpack.c.l.s4.s8 v3;
	v4 =	vunpack.c.l.s4.s8 v4;
	s6 =	sadd.s32 s6, s0;
	s10 =	sshll.u32 s17, $0x7;
	s8 =	sand.u32 $0x300, s29  }
0xb: {  	v5 =	vunpack.c.l.s4.s8 v5;
	v6 =	vunpack.c.l.s4.s8 v6;
	v7 =	vunpack.c.l.s4.s8 v7;
	s30 =	sshll.u32 s9, $0xA;
	_ =	strace $0x80000047;
	s9 =	sshll.u32 s9, $0x10  }
0xc: {  	v10 =	vunpack.c.0.s8.s32 v10;
	s11 =	ssub.s32 $0x2, s17;
	p0 =	seq.s32 s17, $0x0;
	s17 =	simm.s32 $0x4A00;
	v2 =	vunpack.c.0.s8.s32 v2;
	v3 =	vunpack.c.0.s8.s32 v3  }
0xd: {  	v4 =	vunpack.c.0.s8.s32 v4;
	v5 =	vunpack.c.0.s8.s32 v5;
	s8 =	sor.u32 s10, s8;
	v8 =	vunpack.c.0.s8.s32 v1;
	s31 =	sshrl.u32 s11, $0x1;
	s0 =	simm.s32 @!p0 $0x0  }
0xe: {  	v6 =	vunpack.c.0.s8.s32 v6;
	v7 =	vunpack.c.0.s8.s32 v7;
	v9 =	vunpack.c.0.s8.s32 v0;
	s10 =	sor.u32 s30, s8;
	s8 =	sor.u32 s9, s8;
	s9 =	ssub.s32 s11, s31  }
0xf: {  	s11 =	simm.s32 $0x1;
	s0 =	simm.s32 @p0 $0x1;
	v0 =	vcombine.low v3, v2;
	v1 =	vcombine.low v5, v4;
	s10 =	sshrl.u32 s10, $0x3;
	v2 =	vlaneseq.u32  }
0x10: {  	v4 =	vand.u32 $0xF, v8;
	v3 =	vcombine.low v7, v6;
	s8 =	sshrl.u32 s8, $0x3;
	v8 =	vimm.s32 $0x0;
	[smem:$0x7FD] =	sst s0;
	s7 =	sadd.s32 s10, s7  }
0x11: {  	v4 =	vcombine.low v4, v9;
	s3 =	sadd.s32 s3, s8;
	s4 =	sadd.s32 s4, s8;
	s8 =	smax.u32 s9, $0x1;
	v9 =	vimm.s32 $0x1FF;
	v5 =	vand.u32 $0xF, v0  }
0x12: {  	s9 =	simm.s32 $0x80;
	s10 =	simm.s32 $0x400;
	v6 =	vand.u32 $0xF, v1;
	v7 =	vand.u32 $0xF, v3;
	s7 =	sadd.s32 $0x400, s7;
	v9 =	vunpack.c.0.s8.s32 v9  }
.LBB2_1:
0x13: {  	[tilespmem:s2], [sflag:$0x1] =	stream.strided.gather [hbm4b:s3+s9], $0x2000, s10, s9, $0x38;
	[tilespmem:$0x4A80] =	vst v63  }
0x14: {  	_ =	swait.ge [sflag:s11], $0x2000  }
0x15: {  	[sflag:s11] =	ssyncset.done $0x0  }
0x16: {  	[sflag:s11] =	ssyncadd.s32 $0xFFFFE000  }
0x17: {  	[tilespmem:s12], [sflag:$0x1] =	stream.strided.gather [hbm4b:s4+s9], $0x2000, s10, s9, $0x38;
	[tilespmem:$0x4A80] =	vst v63  }
0x18: {  	_ =	swait.ge [sflag:s11], $0x2000  }
0x19: {  	[sflag:s11] =	ssyncset.done $0x0  }
0x1a: {  	s0 =	simm.s32 $0x4000;
	[sflag:s11] =	ssyncadd.s32 $0xFFFFE000  }
0x1b: {  	[tilespmem:s0], [sflag:$0x1] =	stream.linear.gather [hbm4b:s5+s2], $0x8, $0x38;
	[tilespmem:$0x4A80] =	vst v63  }
0x1c: {  	_ =	swait.ge [sflag:s11], $0x8  }
0x1d: {  	[sflag:s11] =	ssyncset.done $0x0  }
0x1e: {  	[sflag:s11] =	ssyncadd.s32 $0xFFFFFFF8  }
0x1f: {  	[tilespmem:s14], [sflag:$0x1] =	stream.linear.gather [hbm4b:s6+s2], $0x8, $0x38;
	[tilespmem:$0x4A80] =	vst v63  }
0x20: {  	_ =	swait.ge [sflag:s11], $0x8  }
0x21: {  	[sflag:s11] =	ssyncset.done $0x0  }
0x22: {  	[sflag:s11] =	ssyncadd.s32 $0xFFFFFFF8  }
0x23: {  	v11 =	vld [tilespmem:$0x0]  }
0x24: {  	v12 =	vld [tilespmem:$0x1FF0]  }
0x25: {  	v13 =	vld [tilespmem:$0x2000]  }
0x26: {  	v14 =	vld [tilespmem:$0x3FF0]  }
0x27: {  	vm1 =	veq.s32 v2, $0x0  }
0x28: {  	vm2 =	veq.s32 v2, $0xF;
	v11 =	vsel vm1, $0xFF800000, v11  }
0x29: {  	[tilespmem:$0x0] =	vst v11;
	v11 =	vsel vm2, $0xFF800000, v12  }
0x2a: {  	[tilespmem:$0x1FF0] =	vst v11;
	v11 =	vsel vm1, $0xFF800000, v13  }
0x2b: {  	s20 =	simm.s32 $0x0;
	[tilespmem:$0x2000] =	vst v11;
	v11 =	vsel vm2, $0xFF800000, v14  }
0x2c: {  	v27 =	vld [tilespmem:s20+$0x2100];
	[tilespmem:$0x3FF0] =	vst v11  }
0x2d: {  	v11 =	vld [tilespmem:s20+$0x2000]  }
0x2e: {  	v12 =	vld [tilespmem:s20+$0x2010]  }
0x2f: {  	v13 =	vld [tilespmem:s20+$0x2020]  }
0x30: {  	v14 =	vld [tilespmem:s20+$0x2030]  }
0x31: {  	v15 =	vld [tilespmem:s20+$0x2040]  }
0x32: {  	v16 =	vld [tilespmem:s20+$0x2050]  }
0x33: {  	v17 =	vld [tilespmem:s20+$0x2060]  }
0x34: {  	v18 =	vld [tilespmem:s20+$0x2070]  }
0x35: {  	v19 =	vld [tilespmem:s20+$0x2080]  }
0x36: {  	v20 =	vld [tilespmem:s20+$0x2090]  }
0x37: {  	v21 =	vld [tilespmem:s20+$0x20A0]  }
0x38: {  	v22 =	vld [tilespmem:s20+$0x20B0]  }
0x39: {  	v23 =	vld [tilespmem:s20+$0x20C0]  }
0x3a: {  	v24 =	vld [tilespmem:s20+$0x20D0]  }
0x3b: {  	v25 =	vld [tilespmem:s20+$0x20E0]  }
0x3c: {  	v26 =	vld [tilespmem:s20+$0x20F0]  }
0x3d: {  	v28 =	vld [tilespmem:s20+$0x2110]  }
0x3e: {  	v29 =	vld [tilespmem:s20+$0x2120]  }
0x3f: {  	v30 =	vld [tilespmem:s20+$0x2130]  }
0x40: {  	v31 =	vld [tilespmem:s20+$0x2140]  }
0x41: {  	v32 =	vld [tilespmem:s20+$0x2150]  }
0x42: {  	v33 =	vld [tilespmem:s20+$0x2160]  }
0x43: {  	v34 =	vld [tilespmem:s20+$0x2170]  }
0x44: {  	v35 =	vld [tilespmem:s20+$0x2180]  }
0x45: {  	v36 =	vld [tilespmem:s20+$0x2190]  }
0x46: {  	v37 =	vld [tilespmem:s20+$0x21A0]  }
0x47: {  	v38 =	vld [tilespmem:s20+$0x21B0]  }
0x48: {  	v39 =	vld [tilespmem:s20+$0x21C0]  }
0x49: {  	v40 =	vld [tilespmem:s20+$0x21D0]  }
0x4a: {  	v41 =	vld [tilespmem:s20+$0x21E0]  }
0x4b: {  	v11 =	vmax.f32 v11, v12;
	v12 =	vld [tilespmem:s20+$0x21F0]  }
0x4c: {  	v11 =	vmax.f32 v11, v13;
	v13 =	vld [tilespmem:s20+$0x0]  }
0x4d: {  	v11 =	vmax.f32 v11, v14;
	v14 =	vld [tilespmem:s20+$0x10]  }
0x4e: {  	v11 =	vmax.f32 v11, v15;
	v15 =	vld [tilespmem:s20+$0x20]  }
0x4f: {  	v11 =	vmax.f32 v11, v16;
	v16 =	vld [tilespmem:s20+$0x30]  }
0x50: {  	v11 =	vmax.f32 v11, v17;
	v17 =	vld [tilespmem:s20+$0x40]  }
0x51: {  	v11 =	vmax.f32 v11, v18;
	v18 =	vld [tilespmem:s20+$0x50]  }
0x52: {  	v11 =	vmax.f32 v11, v19;
	v13 =	vmax.f32 v13, v14;
	v14 =	vld [tilespmem:s20+$0x60]  }
0x53: {  	v11 =	vmax.f32 v11, v20;
	v13 =	vmax.f32 v13, v15;
	v15 =	vld [tilespmem:s20+$0x70]  }
0x54: {  	v11 =	vmax.f32 v11, v21;
	v13 =	vmax.f32 v13, v16;
	v16 =	vld [tilespmem:s20+$0x80]  }
0x55: {  	v11 =	vmax.f32 v11, v22;
	v13 =	vmax.f32 v13, v17;
	v17 =	vld [tilespmem:s20+$0x90]  }
0x56: {  	v11 =	vmax.f32 v11, v23;
	v13 =	vmax.f32 v13, v18;
	v18 =	vld [tilespmem:s20+$0xA0]  }
0x57: {  	v11 =	vmax.f32 v11, v24;
	v13 =	vmax.f32 v13, v14;
	v14 =	vld [tilespmem:s20+$0xB0]  }
0x58: {  	v11 =	vmax.f32 v11, v25;
	v13 =	vmax.f32 v13, v15;
	v15 =	vld [tilespmem:s20+$0xC0]  }
0x59: {  	v11 =	vmax.f32 v11, v26;
	v13 =	vmax.f32 v13, v16;
	v16 =	vld [tilespmem:s20+$0xD0]  }
0x5a: {  	v11 =	vmax.f32 v11, v27;
	v13 =	vmax.f32 v13, v17;
	v17 =	vld [tilespmem:s20+$0xE0]  }
0x5b: {  	v11 =	vmax.f32 v11, v28;
	v13 =	vmax.f32 v13, v18;
	v18 =	vld [tilespmem:s20+$0xF0]  }
0x5c: {  	v11 =	vmax.f32 v11, v29;
	v13 =	vmax.f32 v13, v14;
	v14 =	vld [tilespmem:s20+$0x100]  }
0x5d: {  	v11 =	vmax.f32 v11, v30;
	v13 =	vmax.f32 v13, v15;
	v15 =	vld [tilespmem:s20+$0x110]  }
0x5e: {  	v11 =	vmax.f32 v11, v31;
	v13 =	vmax.f32 v13, v16;
	v16 =	vld [tilespmem:s20+$0x120]  }
0x5f: {  	v11 =	vmax.f32 v11, v32;
	v13 =	vmax.f32 v13, v17;
	v17 =	vld [tilespmem:s20+$0x130]  }
0x60: {  	v11 =	vmax.f32 v11, v33;
	v13 =	vmax.f32 v13, v18;
	v18 =	vld [tilespmem:s20+$0x140]  }
0x61: {  	v11 =	vmax.f32 v11, v34;
	v13 =	vmax.f32 v13, v14;
	v14 =	vld [tilespmem:s20+$0x150]  }
0x62: {  	v11 =	vmax.f32 v11, v35;
	v13 =	vmax.f32 v13, v15;
	v15 =	vld [tilespmem:s20+$0x160]  }
0x63: {  	v11 =	vmax.f32 v11, v36;
	v13 =	vmax.f32 v13, v16;
	v16 =	vld [tilespmem:s20+$0x170]  }
0x64: {  	v11 =	vmax.f32 v11, v37;
	v13 =	vmax.f32 v13, v17;
	v17 =	vld [tilespmem:s20+$0x180]  }
0x65: {  	v20 =	vld [tilespmem:s20+$0x190];
	v11 =	vmax.f32 v11, v38;
	v13 =	vmax.f32 v13, v18  }
0x66: {  	v11 =	vmax.f32 v11, v39;
	v13 =	vmax.f32 v13, v14;
	v14 =	vld [tilespmem:s20+$0x1A0]  }
0x67: {  	v11 =	vmax.f32 v11, v40;
	v13 =	vmax.f32 v13, v15;
	v15 =	vld [tilespmem:s20+$0x1B0]  }
0x68: {  	v18 =	vld [tilespmem:s20+$0x1C0];
	v11 =	vmax.f32 v11, v41;
	v16 =	vmax.f32 v13, v16  }
0x69: {  	v19 =	vld [tilespmem:s20+$0x1D0];
	v13 =	vimm.f32 $-Inf;
	v11 =	vmax.f32 v11, v12;
	v12 =	vmax.f32 v16, v17  }
0x6a: {  	v16 =	vld [tilespmem:s20+$0x1E0];
	v17 =	vmin.f32 v13, v11;
	v20 =	vmax.f32 v12, v20  }
0x6b: {  	s19 =	simm.s32 $0x200;
	v12 =	vmax.f32 v13, v17;
	v14 =	vmax.f32 v20, v14;
	v17 =	vld [tilespmem:s20+$0x1F0]  }
0x6c: {  	v21 =	vld [tilespmem:s19+$0x2000];
	s20 =	simm.s32 $0x1000;
	v20 =	vmax.f32 v14, v15;
	v15 =	vimm.f32 $-Inf;
	v14 =	vimm.f32 $-Inf  }
.LBB2_2:
0x6d: {  	p0 =	sne.s32 s20, $0x7800;
	v22 =	vld [tilespmem:s19+$0x2010];
	v18 =	vmax.f32 v20, v18  }
0x6e: {  	v20 =	vld [tilespmem:s19+$0x2020];
	v18 =	vmax.f32 v18, v19  }
0x6f: {  	v19 =	vld [tilespmem:s19+$0x2030];
	v16 =	vmax.f32 v18, v16  }
0x70: {  	v18 =	vld [tilespmem:s19+$0x2040];
	v16 =	vmax.f32 v16, v17  }
0x71: {  	v17 =	vld [tilespmem:s19+$0x2050];
	v23 =	vmin.f32 v13, v16;
	v13 =	vmax.f32 v13, v16  }
0x72: {  	v16 =	vmax.f32 v21, v22;
	v21 =	vld [tilespmem:s19+$0x2060];
	v15 =	vmax.f32 v15, v23  }
0x73: {  	v16 =	vmax.f32 v16, v20;
	v20 =	vld [tilespmem:s19+$0x2070]  }
0x74: {  	v16 =	vmax.f32 v16, v19;
	v19 =	vld [tilespmem:s19+$0x2080]  }
0x75: {  	v16 =	vmax.f32 v16, v18;
	v18 =	vld [tilespmem:s19+$0x2090]  }
0x76: {  	v16 =	vmax.f32 v16, v17;
	v17 =	vld [tilespmem:s19+$0x20A0]  }
0x77: {  	v16 =	vmax.f32 v16, v21;
	v21 =	vld [tilespmem:s19+$0x20B0]  }
0x78: {  	v16 =	vmax.f32 v16, v20;
	v20 =	vld [tilespmem:s19+$0x20C0]  }
0x79: {  	v16 =	vmax.f32 v16, v19;
	v19 =	vld [tilespmem:s19+$0x20D0]  }
0x7a: {  	v16 =	vmax.f32 v16, v18;
	v18 =	vld [tilespmem:s19+$0x20E0]  }
0x7b: {  	v16 =	vmax.f32 v16, v17;
	v17 =	vld [tilespmem:s19+$0x20F0]  }
0x7c: {  	v16 =	vmax.f32 v16, v21;
	v21 =	vld [tilespmem:s19+$0x2100]  }
0x7d: {  	v16 =	vmax.f32 v16, v20;
	v20 =	vld [tilespmem:s19+$0x2110]  }
0x7e: {  	v16 =	vmax.f32 v16, v19;
	v19 =	vld [tilespmem:s19+$0x2120]  }
0x7f: {  	v16 =	vmax.f32 v16, v18;
	v18 =	vld [tilespmem:s19+$0x2130]  }
0x80: {  	v16 =	vmax.f32 v16, v17;
	v17 =	vld [tilespmem:s19+$0x2140]  }
0x81: {  	v16 =	vmax.f32 v16, v21;
	v21 =	vld [tilespmem:s19+$0x2150]  }
0x82: {  	v16 =	vmax.f32 v16, v20;
	v20 =	vld [tilespmem:s19+$0x2160]  }
0x83: {  	v16 =	vmax.f32 v16, v19;
	v19 =	vld [tilespmem:s19+$0x2170]  }
0x84: {  	v16 =	vmax.f32 v16, v18;
	v18 =	vld [tilespmem:s19+$0x2180]  }
0x85: {  	v16 =	vmax.f32 v16, v17;
	v17 =	vld [tilespmem:s19+$0x2190]  }
0x86: {  	v16 =	vmax.f32 v16, v21;
	v21 =	vld [tilespmem:s19+$0x21A0]  }
0x87: {  	v16 =	vmax.f32 v16, v20;
	v20 =	vld [tilespmem:s19+$0x21B0]  }
0x88: {  	v16 =	vmax.f32 v16, v19;
	v19 =	vld [tilespmem:s19+$0x21C0]  }
0x89: {  	v16 =	vmax.f32 v16, v18;
	v18 =	vld [tilespmem:s19+$0x21D0]  }
0x8a: {  	v16 =	vmax.f32 v16, v17;
	v17 =	vld [tilespmem:s19+$0x21E0]  }
0x8b: {  	v16 =	vmax.f32 v16, v21;
	v21 =	vld [tilespmem:s19+$0x21F0]  }
0x8c: {  	v22 =	vld [tilespmem:s19+$0x0];
	v16 =	vmax.f32 v16, v20  }
0x8d: {  	v20 =	vld [tilespmem:s19+$0x10];
	v16 =	vmax.f32 v16, v19  }
0x8e: {  	v19 =	vld [tilespmem:s19+$0x20];
	v16 =	vmax.f32 v16, v18  }
0x8f: {  	v18 =	vld [tilespmem:s19+$0x30];
	v16 =	vmax.f32 v16, v17  }
0x90: {  	v14 =	vmax.f32 v14, v11;
	v17 =	vld [tilespmem:s19+$0x40];
	v11 =	vmax.f32 v16, v21  }
0x91: {  	v16 =	vld [tilespmem:s19+$0x50];
	v21 =	vmin.f32 v14, v11  }
0x92: {  	v20 =	vmax.f32 v22, v20;
	v22 =	vld [tilespmem:s19+$0x60];
	v12 =	vmax.f32 v12, v21  }
0x93: {  	v19 =	vmax.f32 v20, v19;
	v20 =	vld [tilespmem:s19+$0x70]  }
0x94: {  	v18 =	vmax.f32 v19, v18;
	v19 =	vld [tilespmem:s19+$0x80]  }
0x95: {  	v17 =	vmax.f32 v18, v17;
	v18 =	vld [tilespmem:s19+$0x90]  }
0x96: {  	v16 =	vmax.f32 v17, v16;
	v17 =	vld [tilespmem:s19+$0xA0]  }
0x97: {  	v16 =	vmax.f32 v16, v22;
	v21 =	vld [tilespmem:s19+$0xB0]  }
0x98: {  	v16 =	vmax.f32 v16, v20;
	v20 =	vld [tilespmem:s19+$0xC0]  }
0x99: {  	v16 =	vmax.f32 v16, v19;
	v19 =	vld [tilespmem:s19+$0xD0]  }
0x9a: {  	v16 =	vmax.f32 v16, v18;
	v18 =	vld [tilespmem:s19+$0xE0]  }
0x9b: {  	v16 =	vmax.f32 v16, v17;
	v17 =	vld [tilespmem:s19+$0xF0]  }
0x9c: {  	v16 =	vmax.f32 v16, v21;
	v21 =	vld [tilespmem:s19+$0x100]  }
0x9d: {  	v16 =	vmax.f32 v16, v20;
	v20 =	vld [tilespmem:s19+$0x110]  }
0x9e: {  	v16 =	vmax.f32 v16, v19;
	v19 =	vld [tilespmem:s19+$0x120]  }
0x9f: {  	v16 =	vmax.f32 v16, v18;
	v18 =	vld [tilespmem:s19+$0x130]  }
0xa0: {  	v16 =	vmax.f32 v16, v17;
	v17 =	vld [tilespmem:s19+$0x140]  }
0xa1: {  	v16 =	vmax.f32 v16, v21;
	v21 =	vld [tilespmem:s19+$0x150]  }
0xa2: {  	v16 =	vmax.f32 v16, v20;
	v20 =	vld [tilespmem:s19+$0x160]  }
0xa3: {  	v16 =	vmax.f32 v16, v19;
	v19 =	vld [tilespmem:s19+$0x170]  }
0xa4: {  	v16 =	vmax.f32 v16, v18;
	v22 =	vld [tilespmem:s19+$0x180]  }
0xa5: {  	v16 =	vmax.f32 v16, v17;
	v17 =	vld [tilespmem:s19+$0x190]  }
0xa6: {  	v16 =	vmax.f32 v16, v21;
	v21 =	vld [tilespmem:s19+$0x1A0]  }
0xa7: {  	v16 =	vmax.f32 v16, v20;
	v20 =	vld [tilespmem:s19+$0x1B0]  }
.Ltmp0:
0xa8: {  	v16 =	vmax.f32 v16, v19;
	v18 =	vld [tilespmem:s19+$0x1C0];
	(pc) =	sbr.rel @p0 .LBB2_2-.Ltmp0, $4  }
0xa9: {  	v16 =	vmax.f32 v16, v22;
	v19 =	vld [tilespmem:s19+$0x1D0]  }
0xaa: {  	v17 =	vmax.f32 v16, v17;
	v16 =	vld [tilespmem:s19+$0x1E0]  }
0xab: {  	v22 =	vmax.f32 v17, v21;
	v17 =	vld [tilespmem:s19+$0x1F0];
	s19 =	sshra.s32 s20, $0x2  }
0xac: {  	s20 =	sadd.s32 $0x800, s20;
	v21 =	vld [tilespmem:s19+$0x2000];
	v20 =	vmax.f32 v22, v20  }
0xad: {  	v22 =	vld [tilespmem:s19+$0x2010]  }
0xae: {  	v23 =	vld [tilespmem:s19+$0x2020]  }
0xaf: {  	v24 =	vld [tilespmem:s19+$0x2030]  }
0xb0: {  	v25 =	vld [tilespmem:s19+$0x2040]  }
0xb1: {  	v26 =	vld [tilespmem:s19+$0x2050]  }
0xb2: {  	v27 =	vld [tilespmem:s19+$0x2060]  }
0xb3: {  	v28 =	vld [tilespmem:s19+$0x2070]  }
0xb4: {  	v29 =	vld [tilespmem:s19+$0x2080]  }
0xb5: {  	v30 =	vld [tilespmem:s19+$0x2090]  }
0xb6: {  	v31 =	vld [tilespmem:s19+$0x20A0]  }
0xb7: {  	v32 =	vld [tilespmem:s19+$0x20B0]  }
0xb8: {  	v33 =	vld [tilespmem:s19+$0x20C0]  }
0xb9: {  	v34 =	vld [tilespmem:s19+$0x20D0]  }
0xba: {  	v35 =	vld [tilespmem:s19+$0x20E0]  }
0xbb: {  	v36 =	vld [tilespmem:s19+$0x20F0]  }
0xbc: {  	v37 =	vld [tilespmem:s19+$0x2100]  }
0xbd: {  	v38 =	vld [tilespmem:s19+$0x2110]  }
0xbe: {  	v39 =	vld [tilespmem:s19+$0x2120]  }
0xbf: {  	v40 =	vld [tilespmem:s19+$0x2130]  }
0xc0: {  	v41 =	vld [tilespmem:s19+$0x2140]  }
0xc1: {  	v42 =	vld [tilespmem:s19+$0x2150]  }
0xc2: {  	v43 =	vld [tilespmem:s19+$0x2160]  }
0xc3: {  	v44 =	vld [tilespmem:s19+$0x2170]  }
0xc4: {  	v45 =	vld [tilespmem:s19+$0x2180]  }
0xc5: {  	v46 =	vld [tilespmem:s19+$0x2190]  }
0xc6: {  	v47 =	vld [tilespmem:s19+$0x21A0]  }
0xc7: {  	v48 =	vld [tilespmem:s19+$0x21B0]  }
0xc8: {  	v49 =	vld [tilespmem:s19+$0x21C0]  }
0xc9: {  	v50 =	vld [tilespmem:s19+$0x21D0]  }
0xca: {  	v51 =	vld [tilespmem:s19+$0x0]  }
0xcb: {  	v52 =	vld [tilespmem:s19+$0x10]  }
0xcc: {  	v53 =	vld [tilespmem:s19+$0x20]  }
0xcd: {  	v54 =	vld [tilespmem:s19+$0x30]  }
0xce: {  	v55 =	vld [tilespmem:s19+$0x40]  }
0xcf: {  	v56 =	vld [tilespmem:s19+$0x50]  }
0xd0: {  	v58 =	vld [tilespmem:s19+$0x60];
	v51 =	vmax.f32 v51, v52  }
0xd1: {  	v59 =	vld [tilespmem:s19+$0x70];
	v51 =	vmax.f32 v51, v53  }
0xd2: {  	v61 =	vld [tilespmem:s19+$0x80];
	v21 =	vmax.f32 v21, v22;
	v60 =	vmax.f32 v51, v54  }
0xd3: {  	v62 =	vld [tilespmem:s19+$0x90];
	v21 =	vmax.f32 v21, v23;
	v22 =	vmax.f32 v60, v55  }
0xd4: {  	v63 =	vld [tilespmem:s19+$0xA0];
	v21 =	vmax.f32 v21, v24;
	v22 =	vmax.f32 v22, v56  }
0xd5: {  	v52 =	vld [tilespmem:s19+$0xB0];
	v21 =	vmax.f32 v21, v25;
	v22 =	vmax.f32 v22, v58  }
0xd6: {  	v53 =	vld [tilespmem:s19+$0xC0];
	v21 =	vmax.f32 v21, v26;
	v22 =	vmax.f32 v22, v59  }
0xd7: {  	v54 =	vld [tilespmem:s19+$0xD0];
	v21 =	vmax.f32 v21, v27;
	v22 =	vmax.f32 v22, v61  }
0xd8: {  	v55 =	vld [tilespmem:s19+$0xE0];
	v21 =	vmax.f32 v21, v28;
	v22 =	vmax.f32 v22, v62  }
0xd9: {  	v56 =	vld [tilespmem:s19+$0xF0];
	v21 =	vmax.f32 v21, v29;
	v22 =	vmax.f32 v22, v63  }
0xda: {  	v57 =	vld [tilespmem:s19+$0x100];
	v21 =	vmax.f32 v21, v30;
	v22 =	vmax.f32 v22, v52  }
0xdb: {  	v58 =	vld [tilespmem:s19+$0x110];
	v21 =	vmax.f32 v21, v31;
	v22 =	vmax.f32 v22, v53  }
0xdc: {  	v59 =	vld [tilespmem:s19+$0x120];
	v21 =	vmax.f32 v21, v32;
	v22 =	vmax.f32 v22, v54  }
0xdd: {  	v60 =	vld [tilespmem:s19+$0x130];
	v21 =	vmax.f32 v21, v33;
	v22 =	vmax.f32 v22, v55  }
0xde: {  	v61 =	vld [tilespmem:s19+$0x140];
	v21 =	vmax.f32 v21, v34;
	v22 =	vmax.f32 v22, v56  }
0xdf: {  	v62 =	vld [tilespmem:s19+$0x150];
	v21 =	vmax.f32 v21, v35;
	v22 =	vmax.f32 v22, v57  }
0xe0: {  	v63 =	vld [tilespmem:s19+$0x160];
	v21 =	vmax.f32 v21, v36;
	v22 =	vmax.f32 v22, v58  }
0xe1: {  	v30 =	vld [tilespmem:s19+$0x170];
	v21 =	vmax.f32 v21, v37;
	v22 =	vmax.f32 v22, v59  }
0xe2: {  	v31 =	vld [tilespmem:s19+$0x180];
	v21 =	vmax.f32 v21, v38;
	v22 =	vmax.f32 v22, v60  }
0xe3: {  	v32 =	vld [tilespmem:s19+$0x190];
	v21 =	vmax.f32 v21, v39;
	v22 =	vmax.f32 v22, v61  }
0xe4: {  	v33 =	vld [tilespmem:s19+$0x1A0];
	v21 =	vmax.f32 v21, v40;
	v22 =	vmax.f32 v22, v62  }
0xe5: {  	v34 =	vld [tilespmem:s19+$0x1B0];
	v21 =	vmax.f32 v21, v41;
	v22 =	vmax.f32 v22, v63  }
0xe6: {  	v35 =	vld [tilespmem:s19+$0x1C0];
	v21 =	vmax.f32 v21, v42;
	v22 =	vmax.f32 v22, v30  }
0xe7: {  	v36 =	vld [tilespmem:s19+$0x1D0];
	v21 =	vmax.f32 v21, v43;
	v22 =	vmax.f32 v22, v31  }
0xe8: {  	v37 =	vld [tilespmem:s19+$0x1E0];
	v21 =	vmax.f32 v21, v44;
	v22 =	vmax.f32 v22, v32  }
0xe9: {  	v18 =	vmax.f32 v20, v18;
	v40 =	vld [tilespmem:s19+$0x1F0];
	v38 =	vmax.f32 v21, v45;
	v39 =	vmax.f32 v22, v33  }
0xea: {  	v18 =	vmax.f32 v18, v19;
	v42 =	vld [tilespmem:s19+$0x21E0];
	v41 =	vmax.f32 v38, v46;
	v21 =	vmax.f32 v39, v34  }
0xeb: {  	v16 =	vmax.f32 v18, v16;
	v44 =	vld [tilespmem:s19+$0x21F0];
	v43 =	vmax.f32 v41, v47;
	v21 =	vmax.f32 v21, v35  }
0xec: {  	v16 =	vmax.f32 v16, v17;
	v17 =	vmax.f32 v43, v48;
	v45 =	vmax.f32 v21, v36  }
0xed: {  	v46 =	vmin.f32 v13, v16;
	v17 =	vmax.f32 v17, v49;
	v18 =	vmax.f32 v45, v37  }
0xee: {  	v13 =	vmax.f32 v13, v16;
	v16 =	vmax.f32 v17, v50;
	v17 =	vmax.f32 v18, v40  }
0xef: {  	v15 =	vmax.f32 v15, v46;
	v16 =	vmax.f32 v16, v42;
	v13 =	vmin.f32 v13, v17  }
0xf0: {  	v11 =	vmax.f32 v14, v11;
	v16 =	vmax.f32 v16, v44;
	v13 =	vmax.f32 v15, v13  }
0xf1: {  	v11 =	vmin.f32 v11, v16;
	v13 =	vsub.f32 $0.0e+00, v13  }
0xf2: {  	v11 =	vmax.f32 v12, v11  }
0xf3: {  	v11 =	vsub.f32 $0.0e+00, v11;
	(xrf0) =	vmax.scan.msk.f32 $0xffff, v13;
	_ =	sdelay $0x1  }
0xf4: {  	(xrf0) =	vmax.scan.msk.f32 $0xffff, v11;
	_ =	sdelay $0x3  }
0xf5: {  	v11, _, _ =	vpop (xrf0)  }
0xf6: {  	(v2sf) =	vpush v11, $0xF  }
0xf7: {  	v11, _, _ =	vpop (xrf0)  }
0xf8: {  	(v2sf) =	vpush v11, $0xF;
	_ =	sdelay $0xa  }
0xf9: {  	s20 =	simm.s32 $0x40  }
0xfa: {  	v15 =	vld [tilespmem:s20+$0xFFFFFFC0]  }
0xfb: {  	s21 =	simm.s32 $0x2040;
	s23 =	spop (v2sf)  }
0xfc: {  	v16 =	vld [tilespmem:s21+$0xFFFFFFC0];
	s19 =	ssub.f32 $0.0e+00, s23  }
0xfd: {  	s22 =	spop (v2sf)  }
0xfe: {  	v17 =	vld [tilespmem:s20+$0xFFFFFFD0];
	s22 =	ssub.f32 $0.0e+00, s22;
	v11 =	vmov s19  }
0xff: {  	vm4 =	vge.f32 v15, v11  }
0x100: {  	v47 =	vld [tilespmem:s21+$0xFFFFFFD0];
	v12 =	vmov s22;
	v13 =	vmpcnt.ones.xlane vm4  }
0x101: {  	vm1 =	vge.f32 v16, v12  }
0x102: {  	v48 =	vld [tilespmem:s20+$0xFFFFFFE0];
	v14 =	vmpcnt.ones.xlane vm1;
	(v2sf) =	vpush v13, $0x0  }
0x103: {  	vm12 =	vge.f32 v17, v11  }
0x104: {  	v49 =	vld [tilespmem:s21+$0xFFFFFFE0];
	v13 =	vmpcnt.ones.xlane vm12;
	(v2sf) =	vpush v14, $0x0  }
0x105: {  	vm14 =	vge.f32 v47, v12  }
0x106: {  	v50 =	vld [tilespmem:s20+$0xFFFFFFF0];
	v14 =	vmpcnt.ones.xlane vm14;
	(v2sf) =	vpush v13, $0x0  }
0x107: {  	v51 =	vld [tilespmem:s21+$0xFFFFFFF0];
	vm9 =	vge.f32 v48, v11  }
0x108: {  	v53 =	vld [tilespmem:s21+$0x20];
	v52 =	vmpcnt.ones.xlane vm9;
	(v2sf) =	vpush v14, $0x0  }
0x109: {  	v54 =	vld [tilespmem:s20+$0x0];
	vm5 =	vge.f32 v49, v12  }
0x10a: {  	v55 =	vld [tilespmem:s21+$0x10];
	v14 =	vmpcnt.ones.xlane vm5;
	(v2sf) =	vpush v52, $0x0  }
0x10b: {  	v56 =	vld [tilespmem:s21+$0x0];
	vm2 =	vge.f32 v50, v11  }
0x10c: {  	v60 =	vld [tilespmem:s20+$0x20];
	v57 =	vmpcnt.ones.xlane vm2;
	(v2sf) =	vpush v14, $0x0  }
0x10d: {  	v58 =	vld [tilespmem:s20+$0x10];
	vm7 =	vge.f32 v51, v12  }
0x10e: {  	s24 =	simm.s32 $0x0;
	s25 =	simm.s32 $0x0;
	v59 =	vmpcnt.ones.xlane vm7;
	v13 =	vld [tilespmem:s21+$0x30];
	(v2sf) =	vpush v57, $0x0  }
0x10f: {  	v61 =	vor.u32 s25, v2;
	vm10 =	vge.f32 v54, v11;
	v14 =	vld [tilespmem:s20+$0x30];
	[tilespmem:s24+$0x4100] =	vst.msk vm4, v15  }
0x110: {  	v15 =	vmpcnt.ones.xlane vm10;
	[tilespmem:s24+$0x4300] =	vst.msk vm4, v61;
	(v2sf) =	vpush v59, $0x0  }
0x111: {  	vm15 =	vge.f32 v60, v11;
	vm8 =	vge.f32 v56, v12;
	[tilespmem:s24+$0x4500] =	vst.msk vm1, v16;
	s26 =	spop (v2sf)  }
0x112: {  	s23 =	simm.s32 $0x10;
	v62 =	vmpcnt.ones.xlane vm8;
	vm4 =	vge.f32 v58, v11;
	(v2sf) =	vpush v15, $0x0;
	[tilespmem:s24+$0x4700] =	vst.msk vm1, v61;
	s28 =	sadd.s32 $0x0, s26  }
0x113: {  	vm11 =	vge.f32 v55, v12;
	v16 =	vor.u32 s23, v2;
	v15 =	vmpcnt.ones.xlane vm4;
	s29 =	spop (v2sf);
	[tilespmem:s28+$0x4100] =	vst.msk vm12, v17  }
0x114: {  	vm1 =	vge.f32 v53, v12;
	(v2sf) =	vpush v62, $0x0;
	s22 =	sadd.s32 $0x0, s29;
	v17 =	vmpcnt.ones.xlane vm11;
	[tilespmem:s28+$0x4300] =	vst.msk vm12, v16  }
0x115: {  	v63 =	vmpcnt.ones.xlane vm15;
	s30 =	spop (v2sf);
	(v2sf) =	vpush v15, $0x0;
	v15 =	vmpcnt.ones.xlane vm1;
	[tilespmem:s22+$0x4500] =	vst.msk vm14, v47  }
0x116: {  	s24 =	simm.s32 $0x20;
	vm13 =	vge.f32 v14, v11;
	vm12 =	vge.f32 v13, v12;
	s19 =	sadd.s32 s30, s28;
	(v2sf) =	vpush v17, $0x0;
	[tilespmem:s22+$0x4700] =	vst.msk vm14, v16  }
0x117: {  	s31 =	spop (v2sf);
	v17 =	vmpcnt.ones.xlane vm13;
	v16 =	vor.u32 s24, v2;
	(v2sf) =	vpush v15, $0x0;
	[tilespmem:s19+$0x4100] =	vst.msk vm9, v48  }
0x118: {  	v15 =	vmpcnt.ones.xlane vm12;
	s22 =	sadd.s32 s31, s22;
	(v2sf) =	vpush v63, $0x0;
	[tilespmem:s19+$0x4300] =	vst.msk vm9, v16  }
0x119: {  	s0 =	spop (v2sf);
	(v2sf) =	vpush v17, $0x0;
	[tilespmem:s22+$0x4500] =	vst.msk vm5, v49  }
0x11a: {  	s1 =	simm.s32 $0x30;
	s19 =	sadd.s32 s0, s19;
	(v2sf) =	vpush v15, $0x0;
	[tilespmem:s22+$0x4700] =	vst.msk vm5, v16  }
0x11b: {  	s13 =	spop (v2sf);
	v15 =	vor.u32 s1, v2;
	[tilespmem:s19+$0x4100] =	vst.msk vm2, v50  }
0x11c: {  	s22 =	sadd.s32 s13, s22;
	[tilespmem:s19+$0x4300] =	vst.msk vm2, v15  }
0x11d: {  	s25 =	spop (v2sf);
	[tilespmem:s22+$0x4500] =	vst.msk vm7, v51  }
0x11e: {  	s26 =	simm.s32 $0x40;
	s19 =	sadd.s32 s25, s19;
	[tilespmem:s22+$0x4700] =	vst.msk vm7, v15  }
0x11f: {  	s28 =	spop (v2sf);
	v15 =	vor.u32 s26, v2;
	[tilespmem:s19+$0x4100] =	vst.msk vm10, v54  }
0x120: {  	s22 =	sadd.s32 s28, s22;
	[tilespmem:s19+$0x4300] =	vst.msk vm10, v15  }
0x121: {  	s29 =	spop (v2sf);
	[tilespmem:s22+$0x4500] =	vst.msk vm8, v56  }
0x122: {  	s30 =	simm.s32 $0x50;
	s19 =	sadd.s32 s29, s19;
	[tilespmem:s22+$0x4700] =	vst.msk vm8, v15  }
0x123: {  	s31 =	spop (v2sf);
	v15 =	vor.u32 s30, v2;
	[tilespmem:s19+$0x4100] =	vst.msk vm4, v58  }
0x124: {  	s22 =	sadd.s32 s31, s22;
	s0 =	spop (v2sf);
	[tilespmem:s19+$0x4300] =	vst.msk vm4, v15  }
0x125: {  	s1 =	spop (v2sf);
	[tilespmem:s22+$0x4500] =	vst.msk vm11, v55  }
0x126: {  	s25 =	simm.s32 $0x60;
	s19 =	sadd.s32 s0, s19;
	s13 =	spop (v2sf);
	[tilespmem:s22+$0x4700] =	vst.msk vm11, v15  }
0x127: {  	v16 =	vor.u32 s25, v2;
	s28 =	simm.s32 $0x70;
	s26 =	spop (v2sf);
	[tilespmem:s19+$0x4100] =	vst.msk vm15, v60  }
0x128: {  	s29 =	sadd.s32 s1, s22;
	s26 =	sadd.s32 s26, s19;
	s30 =	spop (v2sf);
	[tilespmem:s19+$0x4300] =	vst.msk vm15, v16  }
0x129: {  	s25 =	sadd.s32 s13, s29;
	s24 =	sadd.s32 s30, s26;
	s31 =	spop (v2sf);
	[tilespmem:s29+$0x4500] =	vst.msk vm1, v53  }
0x12a: {  	v15 =	vor.u32 s28, v2;
	s22 =	simm.s32 $0xF0;
	s19 =	sadd.s32 s31, s25;
	p1 =	slt.s32 s24, $0x180;
	[tilespmem:s29+$0x4700] =	vst.msk vm1, v16  }
.LBB2_4:
0x12b: {  	p0 =	sne.s32 s22, $0x1FF0;
	[tilespmem:s26+$0x4100] =	vst.msk vm13, v14;
	s21 =	sadd.s32 $0x80, s21;
	s20 =	sadd.s32 $0x80, s20  }
0x12c: {  	s24 =	simm.s32 @!p1 $0x180;
	s23 =	smov.u32 s22;
	s22 =	sadd.s32 $0x80, s22;
	[tilespmem:s26+$0x4300] =	vst.msk vm13, v15  }
0x12d: {  	p1 =	slt.s32 s19, $0x180;
	[tilespmem:s25+$0x4500] =	vst.msk vm12, v13  }
0x12e: {  	s19 =	simm.s32 @!p1 $0x180;
	[tilespmem:s25+$0x4700] =	vst.msk vm12, v15  }
0x12f: {  	v16 =	vld [tilespmem:s20+$0xFFFFFFC0]  }
0x130: {  	v17 =	vld [tilespmem:s21+$0xFFFFFFC0]  }
0x131: {  	v18 =	vld [tilespmem:s20+$0xFFFFFFD0];
	_ =	sdelay $0x1  }
0x132: {  	v19 =	vld [tilespmem:s21+$0xFFFFFFD0]  }
0x133: {  	vm4 =	vge.f32 v16, v11  }
0x134: {  	v20 =	vld [tilespmem:s20+$0xFFFFFFE0];
	vm8 =	vge.f32 v17, v12;
	v13 =	vmpcnt.ones.xlane vm4  }
0x135: {  	vm9 =	vge.f32 v18, v11;
	v14 =	vmpcnt.ones.xlane vm8  }
0x136: {  	v21 =	vld [tilespmem:s21+$0xFFFFFFE0];
	v15 =	vmpcnt.ones.xlane vm9;
	(v2sf) =	vpush v13, $0x0  }
0x137: {  	vm7 =	vge.f32 v19, v12;
	(v2sf) =	vpush v14, $0x0  }
0x138: {  	v22 =	vld [tilespmem:s20+$0xFFFFFFF0];
	v14 =	vmpcnt.ones.xlane vm7;
	(v2sf) =	vpush v15, $0x0  }
0x139: {  	v13 =	vld [tilespmem:s21+$0x30];
	vm5 =	vge.f32 v20, v11  }
0x13a: {  	v23 =	vld [tilespmem:s21+$0xFFFFFFF0];
	v24 =	vmpcnt.ones.xlane vm5;
	(v2sf) =	vpush v14, $0x0  }
0x13b: {  	v15 =	vld [tilespmem:s21+$0x20];
	vm10 =	vge.f32 v21, v12  }
0x13c: {  	v25 =	vld [tilespmem:s20+$0x0];
	v14 =	vmpcnt.ones.xlane vm10;
	(v2sf) =	vpush v24, $0x0  }
0x13d: {  	v24 =	vld [tilespmem:s21+$0x10];
	vm15 =	vge.f32 v22, v11  }
0x13e: {  	v26 =	vld [tilespmem:s21+$0x0];
	v27 =	vmpcnt.ones.xlane vm15;
	(v2sf) =	vpush v14, $0x0  }
0x13f: {  	s25 =	sadd.s32 $0xFFFFFF90, s23;
	v14 =	vld [tilespmem:s20+$0x30];
	vm11 =	vge.f32 v23, v12  }
0x140: {  	v30 =	vor.u32 s25, v2;
	v28 =	vld [tilespmem:s20+$0x10];
	v29 =	vmpcnt.ones.xlane vm11;
	(v2sf) =	vpush v27, $0x0  }
0x141: {  	v27 =	vld [tilespmem:s20+$0x20];
	vm2 =	vge.f32 v25, v11  }
0x142: {  	v31 =	vmpcnt.ones.xlane vm2;
	[tilespmem:s24+$0x4100] =	vst.msk vm4, v16;
	(v2sf) =	vpush v29, $0x0  }
0x143: {  	vm1 =	vge.f32 v26, v12;
	[tilespmem:s24+$0x4300] =	vst.msk vm4, v30  }
0x144: {  	s25 =	sadd.s32 $0xFFFFFFA0, s23;
	v16 =	vmpcnt.ones.xlane vm1;
	[tilespmem:s19+$0x4500] =	vst.msk vm8, v17;
	(v2sf) =	vpush v31, $0x0  }
0x145: {  	vm4 =	vge.f32 v28, v11;
	[tilespmem:s19+$0x4700] =	vst.msk vm8, v30;
	s26 =	spop (v2sf)  }
0x146: {  	v29 =	vor.u32 s25, v2;
	v17 =	vmpcnt.ones.xlane vm4;
	s24 =	sadd.s32 s24, s26;
	s25 =	spop (v2sf);
	(v2sf) =	vpush v16, $0x0  }
0x147: {  	vm12 =	vge.f32 v13, v12;
	vm13 =	vge.f32 v14, v11;
	vm8 =	vge.f32 v24, v12;
	s19 =	sadd.s32 s19, s25;
	[tilespmem:s24+$0x4100] =	vst.msk vm9, v18;
	s25 =	spop (v2sf)  }
0x148: {  	vm14 =	vge.f32 v15, v12;
	s26 =	sadd.s32 $0xFFFFFFB0, s23;
	v16 =	vmpcnt.ones.xlane vm8;
	[tilespmem:s24+$0x4300] =	vst.msk vm9, v29;
	s24 =	sadd.s32 s25, s24;
	(v2sf) =	vpush v17, $0x0  }
0x149: {  	v18 =	vor.u32 s26, v2;
	vm9 =	vge.f32 v27, v11;
	v17 =	vmpcnt.ones.xlane vm14;
	[tilespmem:s19+$0x4500] =	vst.msk vm7, v19;
	s25 =	spop (v2sf)  }
0x14a: {  	v30 =	vmpcnt.ones.xlane vm12;
	v19 =	vmpcnt.ones.xlane vm9;
	[tilespmem:s19+$0x4700] =	vst.msk vm7, v29;
	s19 =	sadd.s32 s25, s19;
	(v2sf) =	vpush v16, $0x0  }
0x14b: {  	v16 =	vmpcnt.ones.xlane vm13;
	[tilespmem:s24+$0x4100] =	vst.msk vm5, v20;
	s25 =	spop (v2sf);
	(v2sf) =	vpush v17, $0x0  }
0x14c: {  	s26 =	sadd.s32 $0xFFFFFFC0, s23;
	[tilespmem:s24+$0x4300] =	vst.msk vm5, v18;
	s24 =	sadd.s32 s25, s24;
	(v2sf) =	vpush v19, $0x0  }
0x14d: {  	v17 =	vor.u32 s26, v2;
	[tilespmem:s19+$0x4500] =	vst.msk vm10, v21;
	(v2sf) =	vpush v16, $0x0;
	s25 =	spop (v2sf)  }
0x14e: {  	[tilespmem:s19+$0x4700] =	vst.msk vm10, v18;
	s19 =	sadd.s32 s25, s19;
	(v2sf) =	vpush v30, $0x0  }
0x14f: {  	[tilespmem:s24+$0x4100] =	vst.msk vm15, v22;
	s25 =	spop (v2sf)  }
0x150: {  	s26 =	sadd.s32 $0xFFFFFFD0, s23;
	[tilespmem:s24+$0x4300] =	vst.msk vm15, v17;
	s24 =	sadd.s32 s25, s24  }
0x151: {  	v16 =	vor.u32 s26, v2;
	[tilespmem:s19+$0x4500] =	vst.msk vm11, v23;
	s25 =	spop (v2sf)  }
0x152: {  	[tilespmem:s19+$0x4700] =	vst.msk vm11, v17;
	s19 =	sadd.s32 s25, s19  }
0x153: {  	[tilespmem:s24+$0x4100] =	vst.msk vm2, v25;
	s25 =	spop (v2sf)  }
0x154: {  	s26 =	sadd.s32 $0xFFFFFFE0, s23;
	[tilespmem:s24+$0x4300] =	vst.msk vm2, v16;
	s24 =	sadd.s32 s25, s24  }
0x155: {  	v17 =	vor.u32 s26, v2;
	[tilespmem:s19+$0x4500] =	vst.msk vm1, v26;
	s25 =	spop (v2sf)  }
0x156: {  	[tilespmem:s19+$0x4700] =	vst.msk vm1, v16;
	s19 =	sadd.s32 s25, s19  }
0x157: {  	[tilespmem:s24+$0x4100] =	vst.msk vm4, v28;
	s25 =	spop (v2sf)  }
0x158: {  	s26 =	sadd.s32 $0xFFFFFFF0, s23;
	[tilespmem:s24+$0x4300] =	vst.msk vm4, v17;
	s24 =	sadd.s32 s25, s24  }
0x159: {  	v16 =	vor.u32 s26, v2;
	[tilespmem:s19+$0x4500] =	vst.msk vm8, v24;
	s25 =	spop (v2sf)  }
.Ltmp1:
0x15a: {  	[tilespmem:s19+$0x4700] =	vst.msk vm8, v17;
	s19 =	sadd.s32 s25, s19;
	s25 =	spop (v2sf);
	(pc) =	sbr.rel @p0 .LBB2_4-.Ltmp1, $4  }
0x15b: {  	[tilespmem:s24+$0x4100] =	vst.msk vm9, v27;
	s25 =	sadd.s32 s25, s19;
	s26 =	spop (v2sf)  }
0x15c: {  	[tilespmem:s24+$0x4300] =	vst.msk vm9, v16;
	s26 =	sadd.s32 s26, s24;
	s24 =	spop (v2sf)  }
0x15d: {  	[tilespmem:s19+$0x4500] =	vst.msk vm14, v15;
	v15 =	vor.u32 s23, v2;
	s24 =	sadd.s32 s24, s26;
	s23 =	spop (v2sf)  }
0x15e: {  	[tilespmem:s19+$0x4700] =	vst.msk vm14, v16;
	s19 =	sadd.s32 s23, s25;
	p1 =	slt.s32 s24, $0x180  }
0x15f: {  	s24 =	simm.s32 @!p1 $0x180  }
0x160: {  	s20 =	sadd.s32 $0xF, s24  }
0x161: {  	p0 =	slt.s32 s19, $0x180;
	s22 =	sshrl.u32 s20, $0x4  }
0x162: {  	[tilespmem:s26+$0x4100] =	vst.msk vm13, v14;
	s19 =	simm.s32 @!p0 $0x180;
	p0 =	seq.s32 s22, $0x0  }
.Ltmp2:
0x163: {  	[tilespmem:s26+$0x4300] =	vst.msk vm13, v15;
	(pc) =	sbr.rel @p0 .LBB2_15-.Ltmp2, $4  }
0x164: {  	[tilespmem:s25+$0x4500] =	vst.msk vm12, v13  }
0x165: {  	v11 =	vimm.f32 $-Inf;
	[tilespmem:s25+$0x4700] =	vst.msk vm12, v15  }
0x166: {  	[tilespmem:s24+$0x4100] =	vst v11  }
0x167: {  	v16 =	vimm.f32 $-Inf;
	v15 =	vimm.f32 $-Inf;
	[tilespmem:s19+$0x4500] =	vst v11  }
0x168: {  	s20 =	simm.s32 $0x4100  }
0x169: {  	p2 =	sne.s32 s22, $0x1;
	v12 =	vld [tilespmem:s20+$0x0]  }
.Ltmp3:
0x16a: {  	_ = 	snop;
	(pc) =	sbr.rel @!p2 .LBB2_7-.Ltmp3, $4  }
0x16b: {  	s20 =	simm.s32 $0x0  }
0x16c: {  	s23 =	sand.u32 $0xF, s20  }
0x16d: {  	s21 =	simm.s32 $0x1;
	p0 =	por $0x0, $0x0;
	vm14 =	vmmov vm0;
	v13 =	vmov s23  }
0x16e: {  	p1 =	por $0x0, $0x0;
	vm14 =	vmneg @p0 vm14;
	p0 =	por $0x0, $0x0;
	s23 =	simm.s32 $0x4110;
	vm12 =	veq.s32 v13, v2;
	v14 =	vperm.xlane v12, v4  }
0x16f: {  	v15 =	vld [tilespmem:s23+$0x0];
	p2 =	sne.s32 s22, $0x2  }
.Ltmp4:
0x170: {  	v12 =	vmax.f32 v12, v14;
	(pc) =	sbr.rel @!p2 .LBB2_9-.Ltmp4, $4  }
0x171: {  	v13 =	vperm.xlane v12, v0  }
0x172: {  	s20 =	sand.u32 $0xF, s21;
	vm2 =	vmand vm14, vm12;
	vm13 =	vmmov vm12;
	p0 =	por $0x0, $0x0;
	vm14 =	vmmov vm0  }
0x173: {  	v14 =	vmov s20;
	vm14 =	vmneg @p0 vm14;
	v13 =	vmax.f32 v12, v13  }
0x174: {  	s23 =	simm.s32 $0x4120;
	s20 =	simm.s32 $0x2;
	p0 =	por $0x1, $0x1;
	vm12 =	veq.s32 v14, v2;
	v14 =	vperm.xlane v15, v4;
	v17 =	vperm.xlane v13, v1  }
0x175: {  	vm4 =	vmmov vm13  }
0x176: {  	vm1 =	vmand vm14, vm12;
	vm15 =	vmmov vm2;
	p2 =	por $0x1, $0x1;
	vm2 =	vmmov vm0  }
0x177: {  	v12 =	vld [tilespmem:s23+$0x0];
	s31 =	sand.u32 $0xF, s20;
	vm13 =	vmmov vm12;
	vm14 =	vmmov vm0;
	vm2 =	vmneg @p2 vm2;
	p2 =	sne.s32 s22, $0x3  }
.Ltmp5:
0x178: {  	v14 =	vmax.f32 v15, v14;
	v15 =	vmov s31;
	v16 =	vmax.f32 v13, v17;
	(pc) =	sbr.rel @!p2 .LBB2_11-.Ltmp5, $4  }
0x179: {  	p1 =	por $0x0, $0x0;
	v13 =	vperm.xlane v14, v0;
	vm12 =	veq.s32 v15, v2;
	v15 =	vperm.xlane v16, v3  }
0x17a: {  	vm14 =	vmneg @p1 vm14;
	vm2 =	vmand vm2, vm4  }
0x17b: {  	v13 =	vmax.f32 v14, v13;
	v18 =	vmax.f32 v16, v15;
	v16 =	vimm.f32 $-Inf  }
0x17c: {  	s23 =	simm.s32 $0x3;
	s24 =	simm.s32 $0x4130;
	p1 =	por $0x1, $0x1;
	v14 =	vperm.xlane v12, v4;
	v17 =	vperm.xlane v13, v1;
	v15 =	vsel vm2, v18, v11  }
.LBB2_12:
0x17d: {  	v16 =	vsel vm15, v18, v16  }
0x17e: {  	s25 =	sand.u32 $0xF, s23;
	vm15 =	vmmov vm1;
	vm1 =	vmand vm14, vm12;
	vm2 =	vmmov vm13;
	s26 =	smov.u32 s23;
	s23 =	sadd.s32 $0x1, s23  }
0x17f: {  	v19 =	vld [tilespmem:s24+$0x0];
	vm13 =	vmmov vm12;
	vm14 =	vmmov vm0;
	vm4 =	vmmov vm0;
	p2 =	sne.s32 s22, s23  }
.Ltmp6:
0x180: {  	v18 =	vmov s25;
	v12 =	vmax.f32 v12, v14;
	v14 =	vmax.f32 v13, v17;
	(pc) =	sbr.rel @p2 .LBB2_12-.Ltmp6, $4  }
0x181: {  	p4 =	slt.u32 s21, $0x10;
	s21 =	smov.u32 s20;
	p3 =	sgt.u32 s26, $0xF;
	vm12 =	veq.s32 v18, v2;
	v13 =	vperm.xlane v12, v0;
	v17 =	vperm.xlane v14, v3  }
0x182: {  	vm4 =	vmneg @p4 vm4;
	s20 =	smov.u32 s26;
	vm14 =	vmneg @p3 vm14  }
0x183: {  	vm2 =	vmand vm4, vm2;
	v13 =	vmax.f32 v12, v13;
	v18 =	vmax.f32 v14, v17  }
0x184: {  	s24 =	sadd.s32 $0x10, s24;
	v14 =	vperm.xlane v19, v4;
	v17 =	vperm.xlane v13, v1;
	v15 =	vsel vm2, v18, v15;
	v12 =	vmovc v19  }
0x185: {  	vm2 =	vmmov vm1  }
.LBB2_14:
0x186: {  	v12 =	vmax.f32 v12, v14;
	vm1 =	vmand vm14, vm12;
	v13 =	vmax.f32 @p0 v13, v17  }
0x187: {  	p2 =	slt.u32 @p0 s21, $0x10;
	v16 =	vsel @p1 vm15, v18, v16;
	vm2 =	vmmov @p0 vm2;
	v14 =	vperm.xlane v12, v0  }
0x188: {  	vm4 =	vmmov vm0;
	vm5 =	vmmov @p0 vm13;
	v17 =	vperm.xlane @p0 v13, v3;
	p2 =	por !p2, !p0  }
0x189: {  	vm2 =	vmmov @p0 vm2;
	vm4 =	vmneg @!p2 vm4;
	v12 =	vmax.f32 v12, v14  }
0x18a: {  	v13 =	vmax.f32 @p0 v13, v17;
	vm4 =	vmand @p0 vm4, vm5;
	v14 =	vperm.xlane v12, v1  }
0x18b: {  	v16 =	vpsel p1, v16, v11;
	v15 =	vsel @p0 vm4, v13, v15;
	v13 =	vpsel p0, v13, v0  }
0x18c: {  	vm5 =	vmmov vm12;
	v13 =	vsel @p0 vm2, v13, v16;
	v12 =	vmax.f32 v12, v14  }
0x18d: {  	p1 =	slt.u32 s20, $0x10;
	vm2 =	vmmov vm0;
	v14 =	vpsel p0, v15, v11;
	v15 =	vperm.xlane v12, v3  }
0x18e: {  	vm1 =	vmmov vm1;
	vm4 =	vmmov vm5;
	vm2 =	vmneg @p1 vm2  }
0x18f: {  	v13 =	vpsel p0, v13, v11;
	vm2 =	vmand vm2, vm4;
	v12 =	vmax.f32 v12, v15  }
0x190: {  	v16 =	vsel vm2, v12, v14;
	v15 =	vsel vm1, v12, v13  }
.LBB2_15:
0x191: {  	v13 =	vimm.s32 $0x0  }
0x192: {  	s20 =	simm.s32 $0x0;
	v17 =	vmax.f32 v16, v15;
	s21 =	simm.s32 $0x1;
	v12 =	vimm.f32 $-Inf;
	v14 =	vimm.s32 $0x0  }
.LBB2_16:
0x193: {  	p0 =	sne.s32 s21, $0x1F;
	v18 =	vperm.xlane v17, v4;
	_ =	sdelay $0x1  }
0x194: {  	v17 =	vmax.f32 v17, v18  }
0x195: {  	v18 =	vperm.xlane v17, v5;
	_ =	sdelay $0x1  }
0x196: {  	v17 =	vmax.f32 v17, v18  }
0x197: {  	v18 =	vperm.xlane v17, v6;
	_ =	sdelay $0x1  }
0x198: {  	s22 =	sand.u32 $0xF, s20;
	vm2 =	vmmov vm0;
	v17 =	vmax.f32 v17, v18  }
0x199: {  	p1 =	slt.u32 s20, $0x10;
	p2 =	sgt.u32 s20, $0xF;
	s20 =	smov.u32 s21;
	vm4 =	vmmov vm0;
	v19 =	vmov s22;
	v18 =	vperm.xlane v17, v7  }
0x19a: {  	vm2 =	vmneg @p1 vm2;
	vm4 =	vmneg @p2 vm4;
	vm1 =	veq.s32 v19, v2  }
0x19b: {  	vm12 =	vmand vm2, vm1;
	vm13 =	vmand vm4, vm1;
	v17 =	vmax.f32 v17, v18  }
0x19c: {  	vm1 =	veq.f32 v16, v17;
	v11 =	vsel vm12, v17, v11;
	v12 =	vsel vm13, v17, v12  }
0x19d: {  	v18 =	vmpcnt.ones.xlane vm1;
	_ =	sdelay $0x1  }
0x19e: {  	(v2sf) =	vpush v18, $0x0;
	_ =	sdelay $0xe  }
0x19f: {  	s22 =	spop (v2sf)  }
0x1a0: {  	vm2 =	veq.f32 v15, v17;
	p1 =	sgt.s32 s22, $0x0  }
0x1a1: {  	vm2 =	vmmov @p1 vm1  }
0x1a2: {  	v18 =	vmctz.xlane vm2;
	_ =	sdelay $0x1  }
0x1a3: {  	vm1 =	vgt.s32 v18, $0x0  }
0x1a4: {  	v18 =	vnsel vm1, $0x0, v18  }
0x1a5: {  	v18 =	vmin.u32 v18, $0xF  }
0x1a6: {  	(v2sf) =	vpush v18, $0x0;
	_ =	sdelay $0xe  }
0x1a7: {  	s22 =	spop (v2sf)  }
0x1a8: {  	s23 =	sor.u32 $0x10, s22  }
0x1a9: {  	s23 =	smov.u32 @p1 s22  }
0x1aa: {  	vm1 =	vmmov vm0;
	s22 =	sshll.u32 s23, $0x4;
	p1 =	slt.u32 s23, $0x10  }
0x1ab: {  	v18 =	vld [tilespmem:s22+$0x4100];
	vm1 =	vmneg @p1 vm1  }
0x1ac: {  	v19 =	vld [tilespmem:s22+$0x4300];
	_ =	sdelay $0x3  }
0x1ad: {  	vm2 =	veq.f32 v18, v17  }
0x1ae: {  	v17 =	vmctz.xlane vm2;
	_ =	sdelay $0x1  }
0x1af: {  	vm4 =	vgt.s32 v17, $0x0  }
0x1b0: {  	v17 =	vnsel vm4, $0x0, v17  }
0x1b1: {  	v17 =	vmin.u32 v17, $0xF  }
0x1b2: {  	vm4 =	veq.s32 v17, v2;
	v17 =	vperm.xlane v19, v17  }
0x1b3: {  	vm2 =	vmand vm2, vm4  }
0x1b4: {  	v18 =	vsel vm2, $0xFF800000, v18;
	v13 =	vsel vm12, v17, v13;
	v14 =	vsel vm13, v17, v14  }
0x1b5: {  	[tilespmem:s22+$0x4100] =	vst v18;
	v17 =	vperm.xlane v18, v4;
	_ =	sdelay $0x1  }
0x1b6: {  	v17 =	vmax.f32 v18, v17  }
0x1b7: {  	v18 =	vperm.xlane v17, v5;
	_ =	sdelay $0x1  }
0x1b8: {  	v17 =	vmax.f32 v17, v18  }
0x1b9: {  	v18 =	vperm.xlane v17, v6;
	_ =	sdelay $0x1  }
0x1ba: {  	s22 =	sand.u32 $0xF, s23;
	v17 =	vmax.f32 v17, v18  }
.Ltmp7:
0x1bb: {  	p1 =	sgt.u32 s23, $0xF;
	vm4 =	vmmov vm0;
	v19 =	vmov s22;
	v18 =	vperm.xlane v17, v7;
	(pc) =	sbr.rel @p0 .LBB2_16-.Ltmp7, $4  }
0x1bc: {  	vm4 =	vmneg @p1 vm4;
	vm2 =	veq.s32 v19, v2  }
0x1bd: {  	vm1 =	vmand vm1, vm2;
	vm2 =	vmand vm4, vm2;
	v17 =	vmax.f32 v17, v18  }
0x1be: {  	v16 =	vsel vm1, v17, v16;
	v15 =	vsel vm2, v17, v15  }
0x1bf: {  	s21 =	sadd.s32 $0x1, s21;
	v17 =	vmax.f32 v16, v15  }
0x1c0: {  	v18 =	vperm.xlane v17, v4;
	_ =	sdelay $0x1  }
0x1c1: {  	v17 =	vmax.f32 v17, v18  }
0x1c2: {  	v18 =	vperm.xlane v17, v5;
	_ =	sdelay $0x1  }
0x1c3: {  	v17 =	vmax.f32 v17, v18  }
0x1c4: {  	v18 =	vperm.xlane v17, v6;
	_ =	sdelay $0x1  }
0x1c5: {  	v17 =	vmax.f32 v17, v18  }
0x1c6: {  	v18 =	vperm.xlane v17, v7;
	_ =	sdelay $0x1  }
0x1c7: {  	v17 =	vmax.f32 v17, v18  }
0x1c8: {  	vm1 =	veq.f32 v16, v17  }
0x1c9: {  	v16 =	vmpcnt.ones.xlane vm1;
	_ =	sdelay $0x1  }
0x1ca: {  	(v2sf) =	vpush v16, $0x0;
	_ =	sdelay $0xe  }
0x1cb: {  	s21 =	spop (v2sf)  }
0x1cc: {  	vm2 =	veq.f32 v15, v17;
	p0 =	sgt.s32 s21, $0x0  }
0x1cd: {  	vm2 =	vmmov @p0 vm1  }
0x1ce: {  	v15 =	vmctz.xlane vm2;
	_ =	sdelay $0x1  }
0x1cf: {  	vm1 =	vgt.s32 v15, $0x0  }
0x1d0: {  	v15 =	vnsel vm1, $0x0, v15  }
0x1d1: {  	v15 =	vmin.u32 v15, $0xF  }
0x1d2: {  	(v2sf) =	vpush v15, $0x0;
	_ =	sdelay $0xe  }
0x1d3: {  	s21 =	spop (v2sf)  }
0x1d4: {  	s22 =	sor.u32 $0x10, s21  }
0x1d5: {  	s22 =	smov.u32 @p0 s21  }
0x1d6: {  	s21 =	sshll.u32 s22, $0x4  }
0x1d7: {  	v15 =	vld [tilespmem:s21+$0x4100];
	_ =	sdelay $0x4  }
0x1d8: {  	vm1 =	veq.f32 v15, v17  }
0x1d9: {  	v18 =	vmctz.xlane vm1;
	_ =	sdelay $0x1  }
0x1da: {  	vm2 =	vgt.s32 v18, $0x0  }
0x1db: {  	v16 =	vld [tilespmem:s21+$0x4300];
	v18 =	vnsel vm2, $0x0, v18  }
0x1dc: {  	v18 =	vmin.u32 v18, $0xF  }
0x1dd: {  	vm4 =	veq.s32 v18, v2  }
0x1de: {  	s31 =	sand.u32 $0xF, s20;
	vm1 =	vmand vm1, vm4  }
0x1df: {  	s19 =	sadd.s32 $0xF, s19;
	v19 =	vmov s31;
	p0 =	slt.u32 s20, $0x10;
	vm2 =	vmmov vm0;
	v15 =	vsel vm1, $0xFF800000, v15  }
0x1e0: {  	vm5 =	veq.s32 v19, v2;
	vm2 =	vmneg @p0 vm2;
	v16 =	vperm.xlane v16, v18;
	[tilespmem:s21+$0x4100] =	vst v15;
	s21 =	sshrl.u32 s19, $0x4  }
0x1e1: {  	p1 =	sgt.u32 s20, $0xF;
	vm2 =	vmand vm2, vm5;
	vm4 =	vmmov vm0;
	p0 =	seq.s32 s21, $0x0  }
.Ltmp8:
0x1e2: {  	vm4 =	vmneg @p1 vm4;
	v13 =	vsel vm2, v16, v13;
	(pc) =	sbr.rel @p0 .LBB2_27-.Ltmp8, $4  }
0x1e3: {  	v11 =	vsel vm2, v17, v11;
	vm1 =	vmand vm4, vm5;
	[tilespmem:$0x4900] =	vst v13  }
0x1e4: {  	v14 =	vsel vm1, v16, v14;
	[tilespmem:$0x4980] =	vst v11  }
0x1e5: {  	v12 =	vsel vm1, v17, v12;
	[tilespmem:$0x4910] =	vst v14  }
0x1e6: {  	v15 =	vimm.f32 $-Inf;
	v11 =	vimm.f32 $-Inf;
	v16 =	vimm.f32 $-Inf;
	[tilespmem:$0x4990] =	vst v12  }
0x1e7: {  	s19 =	simm.s32 $0x4500  }
0x1e8: {  	p2 =	sne.s32 s21, $0x1;
	v12 =	vld [tilespmem:s19+$0x0]  }
.Ltmp9:
0x1e9: {  	_ = 	snop;
	(pc) =	sbr.rel @!p2 .LBB2_19-.Ltmp9, $4  }
0x1ea: {  	s19 =	simm.s32 $0x0  }
0x1eb: {  	s22 =	sand.u32 $0xF, s19  }
0x1ec: {  	s20 =	simm.s32 $0x1;
	p0 =	por $0x0, $0x0;
	vm14 =	vmmov vm0;
	v13 =	vmov s22  }
0x1ed: {  	p1 =	por $0x0, $0x0;
	vm14 =	vmneg @p0 vm14;
	p0 =	por $0x0, $0x0;
	s22 =	simm.s32 $0x4510;
	vm12 =	veq.s32 v13, v2;
	v14 =	vperm.xlane v12, v4  }
0x1ee: {  	v15 =	vld [tilespmem:s22+$0x0];
	p2 =	sne.s32 s21, $0x2  }
.Ltmp10:
0x1ef: {  	v12 =	vmax.f32 v12, v14;
	(pc) =	sbr.rel @!p2 .LBB2_21-.Ltmp10, $4  }
0x1f0: {  	v13 =	vperm.xlane v12, v0  }
0x1f1: {  	s19 =	sand.u32 $0xF, s20;
	vm2 =	vmand vm14, vm12;
	vm13 =	vmmov vm12;
	p0 =	por $0x0, $0x0;
	vm14 =	vmmov vm0  }
0x1f2: {  	v14 =	vmov s19;
	vm14 =	vmneg @p0 vm14;
	v13 =	vmax.f32 v12, v13  }
0x1f3: {  	s22 =	simm.s32 $0x4520;
	s19 =	simm.s32 $0x2;
	p0 =	por $0x1, $0x1;
	vm12 =	veq.s32 v14, v2;
	v14 =	vperm.xlane v15, v4;
	v17 =	vperm.xlane v13, v1  }
0x1f4: {  	vm4 =	vmmov vm13  }
0x1f5: {  	vm1 =	vmand vm14, vm12;
	vm15 =	vmmov vm2;
	p2 =	por $0x1, $0x1;
	vm2 =	vmmov vm0  }
0x1f6: {  	v12 =	vld [tilespmem:s22+$0x0];
	s31 =	sand.u32 $0xF, s19;
	vm13 =	vmmov vm12;
	vm14 =	vmmov vm0;
	vm2 =	vmneg @p2 vm2;
	p2 =	sne.s32 s21, $0x3  }
.Ltmp11:
0x1f7: {  	v14 =	vmax.f32 v15, v14;
	v15 =	vmov s31;
	v16 =	vmax.f32 v13, v17;
	(pc) =	sbr.rel @!p2 .LBB2_23-.Ltmp11, $4  }
0x1f8: {  	p1 =	por $0x0, $0x0;
	v13 =	vperm.xlane v14, v0;
	vm12 =	veq.s32 v15, v2;
	v15 =	vperm.xlane v16, v3  }
0x1f9: {  	vm14 =	vmneg @p1 vm14;
	vm2 =	vmand vm2, vm4  }
0x1fa: {  	v13 =	vmax.f32 v14, v13;
	v18 =	vmax.f32 v16, v15;
	v16 =	vimm.f32 $-Inf  }
0x1fb: {  	s22 =	simm.s32 $0x3;
	s23 =	simm.s32 $0x4530;
	p1 =	por $0x1, $0x1;
	v14 =	vperm.xlane v12, v4;
	v17 =	vperm.xlane v13, v1;
	v15 =	vsel vm2, v18, v11  }
.LBB2_24:
0x1fc: {  	v16 =	vsel vm15, v18, v16  }
0x1fd: {  	s24 =	sand.u32 $0xF, s22;
	vm15 =	vmmov vm1;
	vm1 =	vmand vm14, vm12;
	vm2 =	vmmov vm13;
	s25 =	smov.u32 s22;
	s22 =	sadd.s32 $0x1, s22  }
0x1fe: {  	v19 =	vld [tilespmem:s23+$0x0];
	vm13 =	vmmov vm12;
	vm14 =	vmmov vm0;
	vm4 =	vmmov vm0;
	p2 =	sne.s32 s21, s22  }
.Ltmp12:
0x1ff: {  	v18 =	vmov s24;
	v12 =	vmax.f32 v12, v14;
	v14 =	vmax.f32 v13, v17;
	(pc) =	sbr.rel @p2 .LBB2_24-.Ltmp12, $4  }
0x200: {  	p4 =	slt.u32 s20, $0x10;
	s20 =	smov.u32 s19;
	p3 =	sgt.u32 s25, $0xF;
	vm12 =	veq.s32 v18, v2;
	v13 =	vperm.xlane v12, v0;
	v17 =	vperm.xlane v14, v3  }
0x201: {  	vm4 =	vmneg @p4 vm4;
	s19 =	smov.u32 s25;
	vm14 =	vmneg @p3 vm14  }
0x202: {  	vm2 =	vmand vm4, vm2;
	v13 =	vmax.f32 v12, v13;
	v18 =	vmax.f32 v14, v17  }
0x203: {  	s23 =	sadd.s32 $0x10, s23;
	v14 =	vperm.xlane v19, v4;
	v17 =	vperm.xlane v13, v1;
	v15 =	vsel vm2, v18, v15;
	v12 =	vmovc v19  }
0x204: {  	vm2 =	vmmov vm1  }
.LBB2_26:
0x205: {  	v12 =	vmax.f32 v12, v14;
	vm1 =	vmand vm14, vm12;
	v13 =	vmax.f32 @p0 v13, v17  }
0x206: {  	p2 =	slt.u32 @p0 s20, $0x10;
	v16 =	vsel @p1 vm15, v18, v16;
	vm2 =	vmmov @p0 vm2;
	v14 =	vperm.xlane v12, v0  }
0x207: {  	vm4 =	vmmov vm0;
	vm5 =	vmmov @p0 vm13;
	v17 =	vperm.xlane @p0 v13, v3;
	p2 =	por !p2, !p0  }
0x208: {  	vm2 =	vmmov @p0 vm2;
	vm4 =	vmneg @!p2 vm4;
	v12 =	vmax.f32 v12, v14  }
0x209: {  	v13 =	vmax.f32 @p0 v13, v17;
	vm4 =	vmand @p0 vm4, vm5;
	v14 =	vperm.xlane v12, v1  }
0x20a: {  	v16 =	vpsel p1, v16, v11;
	v15 =	vsel @p0 vm4, v13, v15;
	v13 =	vpsel p0, v13, v0  }
0x20b: {  	vm5 =	vmmov vm12;
	v13 =	vsel @p0 vm2, v13, v16;
	v12 =	vmax.f32 v12, v14  }
0x20c: {  	p1 =	slt.u32 s19, $0x10;
	vm2 =	vmmov vm0;
	v14 =	vpsel p0, v15, v11;
	v15 =	vperm.xlane v12, v3  }
0x20d: {  	vm1 =	vmmov vm1;
	vm4 =	vmmov vm5;
	vm2 =	vmneg @p1 vm2  }
0x20e: {  	v13 =	vpsel p0, v13, v11;
	vm2 =	vmand vm2, vm4;
	v12 =	vmax.f32 v12, v15  }
0x20f: {  	v16 =	vsel vm2, v12, v14;
	v15 =	vsel vm1, v12, v13  }
.LBB2_27:
0x210: {  	v13 =	vimm.s32 $0x0  }
0x211: {  	s19 =	simm.s32 $0x0;
	v17 =	vmax.f32 v16, v15;
	s20 =	simm.s32 $0x1;
	v12 =	vimm.f32 $-Inf;
	v14 =	vimm.s32 $0x0  }
.LBB2_28:
0x212: {  	p0 =	sne.s32 s20, $0x1F;
	v18 =	vperm.xlane v17, v4;
	_ =	sdelay $0x1  }
0x213: {  	v17 =	vmax.f32 v17, v18  }
0x214: {  	v18 =	vperm.xlane v17, v5;
	_ =	sdelay $0x1  }
0x215: {  	v17 =	vmax.f32 v17, v18  }
0x216: {  	v18 =	vperm.xlane v17, v6;
	_ =	sdelay $0x1  }
0x217: {  	s21 =	sand.u32 $0xF, s19;
	vm2 =	vmmov vm0;
	v17 =	vmax.f32 v17, v18  }
0x218: {  	p1 =	slt.u32 s19, $0x10;
	p2 =	sgt.u32 s19, $0xF;
	s19 =	smov.u32 s20;
	vm4 =	vmmov vm0;
	v19 =	vmov s21;
	v18 =	vperm.xlane v17, v7  }
0x219: {  	vm2 =	vmneg @p1 vm2;
	vm4 =	vmneg @p2 vm4;
	vm1 =	veq.s32 v19, v2  }
0x21a: {  	vm12 =	vmand vm2, vm1;
	vm13 =	vmand vm4, vm1;
	v17 =	vmax.f32 v17, v18  }
0x21b: {  	vm1 =	veq.f32 v16, v17;
	v11 =	vsel vm12, v17, v11;
	v12 =	vsel vm13, v17, v12  }
0x21c: {  	v18 =	vmpcnt.ones.xlane vm1;
	_ =	sdelay $0x1  }
0x21d: {  	(v2sf) =	vpush v18, $0x0;
	_ =	sdelay $0xe  }
0x21e: {  	s21 =	spop (v2sf)  }
0x21f: {  	vm2 =	veq.f32 v15, v17;
	p1 =	sgt.s32 s21, $0x0  }
0x220: {  	vm2 =	vmmov @p1 vm1  }
0x221: {  	v18 =	vmctz.xlane vm2;
	_ =	sdelay $0x1  }
0x222: {  	vm1 =	vgt.s32 v18, $0x0  }
0x223: {  	v18 =	vnsel vm1, $0x0, v18  }
0x224: {  	v18 =	vmin.u32 v18, $0xF  }
0x225: {  	(v2sf) =	vpush v18, $0x0;
	_ =	sdelay $0xe  }
0x226: {  	s21 =	spop (v2sf)  }
0x227: {  	s22 =	sor.u32 $0x10, s21  }
0x228: {  	s22 =	smov.u32 @p1 s21  }
0x229: {  	vm1 =	vmmov vm0;
	s21 =	sshll.u32 s22, $0x4;
	p1 =	slt.u32 s22, $0x10  }
0x22a: {  	v18 =	vld [tilespmem:s21+$0x4500];
	vm1 =	vmneg @p1 vm1  }
0x22b: {  	v19 =	vld [tilespmem:s21+$0x4700];
	_ =	sdelay $0x3  }
0x22c: {  	vm2 =	veq.f32 v18, v17  }
0x22d: {  	v17 =	vmctz.xlane vm2;
	_ =	sdelay $0x1  }
0x22e: {  	vm4 =	vgt.s32 v17, $0x0  }
0x22f: {  	v17 =	vnsel vm4, $0x0, v17  }
0x230: {  	v17 =	vmin.u32 v17, $0xF  }
0x231: {  	vm4 =	veq.s32 v17, v2;
	v17 =	vperm.xlane v19, v17  }
0x232: {  	vm2 =	vmand vm2, vm4  }
0x233: {  	v18 =	vsel vm2, $0xFF800000, v18;
	v13 =	vsel vm12, v17, v13;
	v14 =	vsel vm13, v17, v14  }
0x234: {  	[tilespmem:s21+$0x4500] =	vst v18;
	v17 =	vperm.xlane v18, v4;
	_ =	sdelay $0x1  }
0x235: {  	v17 =	vmax.f32 v18, v17  }
0x236: {  	v18 =	vperm.xlane v17, v5;
	_ =	sdelay $0x1  }
0x237: {  	v17 =	vmax.f32 v17, v18  }
0x238: {  	v18 =	vperm.xlane v17, v6;
	_ =	sdelay $0x1  }
0x239: {  	s21 =	sand.u32 $0xF, s22;
	v17 =	vmax.f32 v17, v18  }
.Ltmp13:
0x23a: {  	p1 =	sgt.u32 s22, $0xF;
	vm4 =	vmmov vm0;
	v19 =	vmov s21;
	v18 =	vperm.xlane v17, v7;
	(pc) =	sbr.rel @p0 .LBB2_28-.Ltmp13, $4  }
0x23b: {  	vm4 =	vmneg @p1 vm4;
	vm2 =	veq.s32 v19, v2  }
0x23c: {  	vm1 =	vmand vm1, vm2;
	vm2 =	vmand vm4, vm2;
	v17 =	vmax.f32 v17, v18  }
0x23d: {  	v16 =	vsel vm1, v17, v16;
	v15 =	vsel vm2, v17, v15  }
0x23e: {  	s20 =	sadd.s32 $0x1, s20;
	v17 =	vmax.f32 v16, v15  }
0x23f: {  	v18 =	vperm.xlane v17, v4;
	_ =	sdelay $0x1  }
0x240: {  	v17 =	vmax.f32 v17, v18  }
0x241: {  	v18 =	vperm.xlane v17, v5;
	_ =	sdelay $0x1  }
0x242: {  	v17 =	vmax.f32 v17, v18  }
0x243: {  	v18 =	vperm.xlane v17, v6;
	_ =	sdelay $0x1  }
0x244: {  	v17 =	vmax.f32 v17, v18  }
0x245: {  	v18 =	vperm.xlane v17, v7;
	_ =	sdelay $0x1  }
0x246: {  	v17 =	vmax.f32 v17, v18  }
0x247: {  	vm1 =	veq.f32 v16, v17  }
0x248: {  	v16 =	vmpcnt.ones.xlane vm1;
	_ =	sdelay $0x1  }
0x249: {  	(v2sf) =	vpush v16, $0x0;
	_ =	sdelay $0xe  }
0x24a: {  	s20 =	spop (v2sf)  }
0x24b: {  	vm2 =	veq.f32 v15, v17;
	p0 =	sgt.s32 s20, $0x0  }
0x24c: {  	vm2 =	vmmov @p0 vm1  }
0x24d: {  	v15 =	vmctz.xlane vm2;
	_ =	sdelay $0x1  }
0x24e: {  	vm1 =	vgt.s32 v15, $0x0  }
0x24f: {  	v15 =	vnsel vm1, $0x0, v15  }
0x250: {  	v15 =	vmin.u32 v15, $0xF  }
0x251: {  	(v2sf) =	vpush v15, $0x0;
	_ =	sdelay $0xe  }
0x252: {  	s20 =	spop (v2sf)  }
0x253: {  	s21 =	sor.u32 $0x10, s20  }
0x254: {  	s21 =	smov.u32 @p0 s20  }
0x255: {  	s20 =	sshll.u32 s21, $0x4  }
0x256: {  	v15 =	vld [tilespmem:s20+$0x4500];
	_ =	sdelay $0x4  }
0x257: {  	vm1 =	veq.f32 v15, v17  }
0x258: {  	v16 =	vmctz.xlane vm1  }
0x259: {  	v18 =	vld [tilespmem:s20+$0x4700]  }
0x25a: {  	vm2 =	vgt.s32 v16, $0x0  }
0x25b: {  	s29 =	sand.u32 $0xF, s19;
	v16 =	vnsel vm2, $0x0, v16  }
0x25c: {  	vm4 =	vmmov vm0;
	v19 =	vmov s29;
	p0 =	slt.u32 s19, $0x10;
	v16 =	vmin.u32 v16, $0xF  }
0x25d: {  	vm4 =	vmneg @p0 vm4;
	vm2 =	veq.s32 v19, v2;
	vm5 =	veq.s32 v16, v2  }
0x25e: {  	p1 =	sgt.u32 s19, $0xF;
	v16 =	vperm.xlane v18, v16;
	vm1 =	vmand vm1, vm5;
	vm5 =	vmmov vm0  }
0x25f: {  	s30 =	simm.s32 $0x0;
	vm4 =	vmand vm4, vm2;
	vm5 =	vmneg @p1 vm5;
	v15 =	vsel vm1, $0xFF800000, v15  }
0x260: {  	v18 =	vmov s30;
	v13 =	vsel vm4, v16, v13;
	vm1 =	vmand vm5, vm2;
	[tilespmem:s20+$0x4500] =	vst v15  }
0x261: {  	v14 =	vsel vm1, v16, v14;
	[tilespmem:$0x4920] =	vst v13  }
0x262: {  	v16 =	vsel vm4, v17, v11;
	[tilespmem:$0x4930] =	vst v14  }
0x263: {  	v15 =	vsel vm1, v17, v12;
	[tilespmem:$0x49A0] =	vst v16  }
0x264: {  	[tilespmem:$0x49B0] =	vst v15;
	v14 =	vld [tilespmem:$0x4920]  }
0x265: {  	s31 =	simm.s32 $0x1;
	v19 =	vld.idx.msk [tilespmem:v18+s16+$0x0], $0xffff  }
0x266: {  	v12 =	vmov s31;
	v13 =	vld [tilespmem:$0x4930]  }
0x267: {  	v11 =	vld.idx.msk [tilespmem:v18+s15+$0x0], $0xffff;
	_ =	sdelay $0x1  }
0x268: {  	v22 =	vld [tilespmem:$0x4000]  }
0x269: {  	v20 =	vld [tilespmem:$0x4080]  }
0x26a: {  	v21 =	vimm.s32 $0x0;
	s19 =	simm.s32 $0x2;
	v18 =	vimm.f32 $-Inf;
	v17 =	vld.idx.msk [tilespmem:v12+s16+$0x0], $0xffff;
	v23 =	vadd.f32 v19, v16  }
.LBB2_30:
0x26b: {  	p0 =	sne.s32 s19, $0x1F;
	v24 =	vsub.s32 v14, v11;
	v25 =	vsub.s32 v13, v11;
	v11 =	vld.idx.msk [tilespmem:v12+s15+$0x0], $0xffff;
	v12 =	vmov s19;
	s19 =	sadd.s32 $0x1, s19  }
.Ltmp14:
0x26c: {  	v19 =	vadd.f32 v19, v15;
	vm1 =	vlt.u32 v24, $0x10;
	v23 =	vmax.f32 v18, v23;
	(pc) =	sbr.rel @p0 .LBB2_30-.Ltmp14, $4  }
0x26d: {  	v18 =	vsel vm1, v23, v18;
	v23 =	vsel vm1, $0x1, v8;
	vm1 =	vlt.u32 v25, $0x10  }
0x26e: {  	v21 =	vadd.s32 v23, v21;
	v24 =	vmax.f32 v18, v19;
	v23 =	vsel vm1, $0x1, v8  }
0x26f: {  	v18 =	vsel vm1, v24, v18;
	v21 =	vadd.s32 v23, v21  }
0x270: {  	v23 =	vadd.f32 v17, v16;
	v19 =	vmov v17;
	v17 =	vld.idx.msk [tilespmem:v12+s16+$0x0], $0xffff  }
0x271: {  	(v2sf) =	vpush v22, $0x4  }
0x272: {  	(v2sf) =	vpush v22, $0x0  }
0x273: {  	(v2sf) =	vpush v22, $0x5  }
0x274: {  	(v2sf) =	vpush v22, $0x1  }
0x275: {  	(v2sf) =	vpush v22, $0x6  }
0x276: {  	(v2sf) =	vpush v22, $0x2  }
0x277: {  	(v2sf) =	vpush v22, $0x7  }
0x278: {  	(v2sf) =	vpush v22, $0x3  }
0x279: {  	(v2sf) =	vpush v20, $0x4  }
0x27a: {  	(v2sf) =	vpush v20, $0x0  }
0x27b: {  	(v2sf) =	vpush v20, $0x5  }
0x27c: {  	(v2sf) =	vpush v20, $0x1  }
0x27d: {  	(v2sf) =	vpush v20, $0x6  }
0x27e: {  	(v2sf) =	vpush v20, $0x2  }
0x27f: {  	(v2sf) =	vpush v20, $0x7  }
0x280: {  	s24 =	spop (v2sf);
	(v2sf) =	vpush v20, $0x3  }
0x281: {  	s21 =	spop (v2sf)  }
0x282: {  	s26 =	spop (v2sf)  }
0x283: {  	s22 =	spop (v2sf)  }
0x284: {  	s19 =	spop (v2sf)  }
0x285: {  	s20 =	spop (v2sf)  }
0x286: {  	s28 =	spop (v2sf)  }
0x287: {  	s23 =	spop (v2sf)  }
0x288: {  	s25 =	spop (v2sf)  }
0x289: {  	v22 =	vld.idx.msk [tilespmem:v12+s15+$0x0], $0xffff;
	s29 =	spop (v2sf)  }
0x28a: {  	s13 =	sld [smem:$0x7FD];
	s31 =	spop (v2sf)  }
0x28b: {  	v19 =	vadd.f32 v19, v15;
	s30 =	spop (v2sf)  }
0x28c: {  	vm2 =	vcmask $0x3F0C;
	vm4 =	vcmask $0x3F08;
	v20 =	vsub.s32 v14, v11;
	s0 =	spop (v2sf)  }
0x28d: {  	vm1 =	veq.s32 v2, $0x0;
	p0 =	seq.s32 s13, $0x1;
	v12 =	vmax.f32 v18, v23;
	vm12 =	vlt.u32 v20, $0x10;
	s1 =	spop (v2sf)  }
0x28e: {  	v23 =	vsub.s32 v14, v22;
	v11 =	vsub.s32 v13, v11;
	v12 =	vsel vm12, v12, v18;
	s24 =	smov.u32 @p0 s21;
	s26 =	smov.u32 @p0 s22;
	s13 =	spop (v2sf)  }
0x28f: {  	v22 =	vsub.s32 v13, v22;
	vm13 =	vlt.u32 v11, $0x10;
	v11 =	vmax.f32 v12, v19;
	s19 =	smov.u32 @p0 s20;
	s0 =	smov.u32 @p0 s1;
	s1 =	spop (v2sf)  }
0x290: {  	vm14 =	vlt.u32 v23, $0x10;
	v18 =	vsel vm13, v11, v12;
	v11 =	vmov s19;
	s28 =	smov.u32 @p0 s23;
	s20 =	sadd.s32 s19, s0;
	s13 =	smov.u32 @p0 s1  }
0x291: {  	vm15 =	vlt.u32 v22, $0x10;
	v19 =	vsel vm2, s28, v11;
	s25 =	smov.u32 @p0 s29;
	s31 =	smov.u32 @p0 s30;
	v12 =	vmov s20;
	s30 =	sadd.s32 s28, s13  }
0x292: {  	v20 =	vadd.f32 v17, v16;
	v19 =	vnsel vm4, s26, v19;
	s25 =	sadd.s32 s24, s25;
	s29 =	sadd.s32 s26, s31;
	v24 =	vsel vm2, s30, v12  }
0x293: {  	v17 =	vadd.f32 v17, v15;
	p5 =	sgt.s32 s24, $0xFFFFFFFF;
	s22 =	simm.s32 $0x0;
	v19 =	vsel vm1, s24, v19;
	p1 =	sle.s32 s24, s25;
	v23 =	vnsel vm4, s29, v24  }
0x294: {  	p6 =	sgt.s32 s26, $0xFFFFFFFF;
	p2 =	sle.s32 s26, s29;
	p0 =	por !p5, !p1;
	v24 =	vmax.f32 v18, v20;
	v20 =	vsel vm1, s25, v23;
	vm1 =	vgt.s32 v19, $0x0  }
0x295: {  	p3 =	slt.s32 s25, $0x2000;
	p1 =	por !p6, !p2;
	p0 =	por !p0, !p0;
	v18 =	vsel vm14, v24, v18;
	v23 =	vnsel vm1, $0x0, v19;
	vm1 =	vgt.s32 v20, $0x0  }
0x296: {  	p5 =	sgt.s32 s19, $0xFFFFFFFF;
	p6 =	sle.s32 s19, s20;
	p0 =	por !p3, !p0;
	v17 =	vmax.f32 v18, v17;
	v24 =	vnsel vm1, $0x0, v20;
	v22 =	vmin.u32 v23, $0x1FFF  }
0x297: {  	p1 =	por !p1, !p1;
	p3 =	slt.s32 s29, $0x2000;
	p0 =	por !p0, !p0;
	v17 =	vsel vm15, v17, v18;
	v18 =	vmin.u32 v24, $0x1FFF  }
0x298: {  	p2 =	sgt.s32 s28, $0xFFFFFFFF;
	p4 =	por !p3, !p1;
	s0 =	simm.s32 @!p0 $0x0  }
0x299: {  	p3 =	por !p4, !p4;
	p4 =	sle.s32 s28, s30;
	s0 =	simm.s32 @p0 $0x1  }
0x29a: {  	p0 =	por !p5, !p6;
	p5 =	slt.s32 s20, $0x2000;
	p1 =	por !p2, !p4  }
0x29b: {  	p6 =	slt.s32 s30, $0x2000;
	p2 =	seq.s32 s25, s20;
	p0 =	por !p0, !p0;
	(xrf0) =	vmax.scan.msk.f32 $0xffff, v17;
	v17 =	vld.idx.msk [tilespmem:v22+s22+$0x0], $0xffff  }
0x29c: {  	p4 =	seq.s32 s26, s19;
	[smem:$0x7F6] =	sst s0;
	p0 =	por !p5, !p0;
	v18 =	vld.idx.msk [tilespmem:v18+s12+$0x0], $0xffff  }
0x29d: {  	p1 =	por !p1, !p1;
	s23 =	sld [smem:$0x7F6];
	s0 =	simm.s32 @!p0 $0x0  }
0x29e: {  	s0 =	simm.s32 @p0 $0x1;
	p0 =	por !p6, !p1;
	p6 =	seq.s32 s29, s20  }
0x29f: {  	[smem:$0x7F7] =	sst s0;
	s0 =	simm.s32 @!p0 $0x0;
	p5 =	por !p4, !p6  }
0x2a0: {  	p6 =	seq.s32 s24, s26;
	s0 =	simm.s32 @p0 $0x1;
	s31 =	sld [smem:$0x7F7]  }
0x2a1: {  	p4 =	seq.s32 s23, $0x1;
	p0 =	seq.s32 s24, s19;
	[smem:$0x7FB] =	sst s0;
	v22, _, _ =	vpop (xrf0);
	v18 =	vadd.f32 v18, v17  }
0x2a2: {  	p1 =	por !p0, !p2;
	p2 =	por !p5, !p5;
	p0 =	seq.s32 s25, s29;
	(v2sf) =	vpush v22, $0xF  }
0x2a3: {  	p5 =	por p3, p3;
	p1 =	por !p1, !p1;
	p0 =	por !p6, !p0;
	(v2sf) =	vpush v18, $0x0  }
0x2a4: {  	p2 =	por !p2, !p3;
	p6 =	seq.s32 s25, s30;
	p3 =	seq.s32 s19, s28  }
0x2a5: {  	p1 =	por !p1, !p4;
	s0 =	simm.s32 @!p0 $0x0;
	p2 =	por !p2, !p2;
	(v2sf) =	vpush v18, $0x1  }
0x2a6: {  	s0 =	simm.s32 @p0 $0x1;
	p1 =	por !p1, !p1;
	p0 =	seq.s32 s24, s28  }
0x2a7: {  	[smem:$0x7F8] =	sst s0;
	p1 =	por p1, p2;
	p6 =	por !p0, !p6;
	(v2sf) =	vpush v18, $0x2  }
0x2a8: {  	p2 =	seq.s32 s29, s30;
	p0 =	seq.s32 s20, s30;
	s20 =	sld [smem:$0x7FB]  }
0x2a9: {  	s0 =	simm.s32 @!p1 $0x0;
	p0 =	por !p3, !p0;
	p3 =	seq.s32 s31, $0x1;
	(v2sf) =	vpush v18, $0x3  }
0x2aa: {  	p6 =	por !p6, !p6;
	s1 =	sld [smem:$0x7F8];
	s31 =	simm.s32 $0x1  }
0x2ab: {  	s0 =	simm.s32 @p1 $0x1;
	p1 =	seq.s32 s26, s28;
	p3 =	por !p3, !p3  }
0x2ac: {  	p0 =	por !p0, !p0;
	[smem:$0x7FA] =	sst s0;
	p1 =	por !p1, !p2  }
0x2ad: {  	p2 =	por !p6, !p4;
	p0 =	por !p0, !p3;
	p1 =	por !p1, !p1  }
0x2ae: {  	p6 =	seq.s32 s20, $0x1;
	p2 =	por !p2, !p2;
	p1 =	por !p1, !p5  }
0x2af: {  	p0 =	por !p0, !p0;
	s13 =	sld [smem:$0x7FA];
	p1 =	por !p1, !p1  }
0x2b0: {  	v22 =	vmov s22;
	p1 =	por p2, p1;
	p2 =	seq.s32 s1, $0x1;
	s1 =	simm.s32 @!p5 $0x0  }
0x2b1: {  	p1 =	por p0, p1;
	p0 =	por !p2, !p2;
	s23 =	spop (v2sf)  }
0x2b2: {  	s1 =	simm.s32 @p5 $0x1;
	p0 =	por !p0, !p4;
	s22 =	spop (v2sf)  }
0x2b3: {  	p1 =	por !p1, !p1;
	p0 =	por !p5, !p0;
	s0 =	smax.f32 s23, s22  }
0x2b4: {  	p5 =	seq.s32 s13, $0x1;
	s21 =	spop (v2sf);
	s23 =	smov.u32 @p4 s0  }
0x2b5: {  	v17 =	vld.idx.msk [tilespmem:v22+s16+$0x0], $0xffff;
	p2 =	por !p5, !p5;
	p0 =	por !p0, !p0;
	s0 =	smax.f32 s23, s21  }
0x2b6: {  	p2 =	por !p3, !p2;
	s19 =	spop (v2sf);
	s23 =	smov.u32 @p0 s0  }
0x2b7: {  	v27 =	vmov s31;
	p5 =	por !p2, !p2;
	p4 =	por !p6, !p6;
	s0 =	smax.f32 s23, s19  }
0x2b8: {  	p1 =	por !p4, !p1;
	s20 =	spop (v2sf);
	s23 =	smov.u32 @p5 s0  }
0x2b9: {  	p6 =	por !p1, !p1;
	s0 =	smax.f32 s23, s20  }
0x2ba: {  	v23 =	vadd.f32 v17, v16;
	s23 =	smov.u32 @p6 s0  }
0x2bb: {  	s13 =	simm.s32 @!p4 $0x0;
	v25 =	vmov s23  }
0x2bc: {  	v24 =	vld.idx.msk [tilespmem:v27+s16+$0x0], $0xffff;
	v17 =	vadd.f32 v17, v15;
	s13 =	simm.s32 @p4 $0x1;
	v23 =	vsub.f32 v23, v25  }
0x2bd: {  	[smem:$0x7FC] =	sst s13;
	s13 =	simm.s32 $0x2  }
0x2be: {  	v26 =	vmov s13;
	v17 =	vsub.f32 v17, v25;
	v23 =	vmul.f32 $1.442695020e+00, v23;
	_ =	sdelay $0x1  }
0x2bf: {  	v28 =	vmul.f32 $1.442695020e+00, v17;
	(erf) = vpow2.f32 v23;
	v23 =	vsel vm12, $0x1, v8  }
0x2c0: {  	v29 =	vsel vm13, $0x1, v8;
	v21 =	vadd.s32 v23, v21;
	v23 =	vadd.f32 v24, v16  }
0x2c1: {  	v30 =	vld.idx.msk [tilespmem:v22+s15+$0x0], $0xffff;
	(erf) = vpow2.f32 v28;
	v28 =	vsel vm14, $0x1, v8;
	v24 =	vadd.f32 v24, v15  }
0x2c2: {  	v31 =	vld.idx.msk [tilespmem:v26+s16+$0x0], $0xffff;
	v21 =	vadd.s32 v29, v21;
	v29 =	vsel vm15, $0x1, v8;
	v23 =	vsub.f32 v23, v25  }
0x2c3: {  	v28 =	vadd.s32 v28, v21;
	v21 =	vmov s30;
	s30 =	simm.s32 $0x3;
	v32 =	vsub.f32 v24, v25  }
0x2c4: {  	v24 =	vadd.s32 v29, v28;
	v28 =	vmov s30;
	v29 =	vmul.f32 $1.442695020e+00, v23  }
0x2c5: {  	v34 =	vimm.f32 $0.0e+00;
	v22 =	vmov s26  }
0x2c6: {  	v35 =	vsub.s32 v13, v30;
	v32 =	vmul.f32 $1.442695020e+00, v32;
	(erf) = vpow2.f32 v29  }
0x2c7: {  	v17 =	vmov s28;
	v33 =	vadd.f32 v31, v16;
	v29 =	vsub.s32 v14, v30  }
0x2c8: {  	v23 =	vmov s29;
	(erf) = vpow2.f32 v32;
	vm1 =	vlt.u32 v29, $0x10;
	v29 =	vld.idx.msk [tilespmem:v27+s15+$0x0], $0xffff;
	v30 =	vpop (erf)  }
0x2c9: {  	s31 =	simm.s32 $0x4;
	v32 =	vsub.f32 v33, v25;
	v33 =	vadd.f32 v31, v15;
	v31 =	vnsel vm1, $0x0, v30;
	v30 =	vld.idx.msk [tilespmem:v28+s16+$0x0], $0xffff  }
0x2ca: {  	s26 =	simm.s32 $0x5;
	[smem:$0x7F9] =	sst s1;
	v27 =	vmov s31;
	vm1 =	vlt.u32 v35, $0x10;
	v31 =	vadd.f32 v31, v34;
	v34 =	vpop (erf)  }
.LBB2_32:
0x2cb: {  	p4 =	sne.s32 s26, $0x1F;
	v35 =	vmul.f32 $1.442695020e+00, v32;
	v33 =	vsub.f32 v33, v25;
	v34 =	vnsel vm1, $0x0, v34  }
0x2cc: {  	v31 =	vadd.f32 v31, v34  }
.Ltmp15:
0x2cd: {  	v32 =	vmov v29;
	v33 =	vmul.f32 $1.442695020e+00, v33;
	(erf) = vpow2.f32 v35;
	(pc) =	sbr.rel @p4 .LBB2_32-.Ltmp15, $4  }
0x2ce: {  	v37 =	vadd.f32 v30, v16;
	v35 =	vsub.s32 v14, v32;
	v36 =	vmovc v30;
	v29 =	vld.idx.msk [tilespmem:v26+s15+$0x0], $0xffff;
	v26 =	vmov v28  }
0x2cf: {  	vm1 =	vlt.u32 v35, $0x10;
	v35 =	vsub.s32 v13, v32;
	v30 =	vld.idx.msk [tilespmem:v27+s16+$0x0], $0xffff;
	(erf) = vpow2.f32 v33;
	v28 =	vpop (erf)  }
0x2d0: {  	v32 =	vsub.f32 v37, v25;
	v33 =	vadd.f32 v36, v15;
	v36 =	vnsel vm1, $0x0, v28;
	v28 =	vmovc v27  }
0x2d1: {  	v27 =	vmov s26;
	s26 =	sadd.s32 $0x1, s26;
	vm1 =	vlt.u32 v35, $0x10;
	v31 =	vadd.f32 v36, v31;
	v34 =	vpop (erf)  }
0x2d2: {  	_ =	sdelay $0x3  }
0x2d3: {  	v35 =	vld.idx.msk [tilespmem:v27+s16+$0x0], $0xffff;
	v32 =	vmul.f32 $1.442695020e+00, v32  }
0x2d4: {  	v33 =	vsub.f32 v33, v25;
	v34 =	vnsel vm1, $0x0, v34  }
0x2d5: {  	v61 =	vsub.s32 v14, v29;
	v36 =	vadd.f32 v30, v16;
	(erf) = vpow2.f32 v32  }
0x2d6: {  	v29 =	vsub.s32 v13, v29;
	v33 =	vmul.f32 $1.442695020e+00, v33;
	v30 =	vadd.f32 v30, v15  }
0x2d7: {  	v31 =	vadd.f32 v31, v34;
	vm1 =	vlt.u32 v61, $0x10;
	v60 =	vsub.f32 v36, v25  }
0x2d8: {  	v26 =	vld.idx.msk [tilespmem:v26+s15+$0x0], $0xffff;
	(erf) = vpow2.f32 v33;
	v30 =	vsub.f32 v30, v25;
	v62 =	vpop (erf);
	v16 =	vadd.f32 v35, v16  }
0x2d9: {  	v15 =	vadd.f32 v35, v15;
	v63 =	vnsel vm1, $0x0, v62;
	v32 =	vmul.f32 $1.442695020e+00, v60  }
0x2da: {  	vm1 =	vlt.u32 v29, $0x10;
	v30 =	vmul.f32 $1.442695020e+00, v30;
	v29 =	vpop (erf);
	v16 =	vsub.f32 v16, v25  }
0x2db: {  	v15 =	vsub.f32 v15, v25;
	v29 =	vnsel vm1, $0x0, v29;
	(erf) = vpow2.f32 v32  }
0x2dc: {  	(erf) = vpow2.f32 v30;
	v16 =	vmul.f32 $1.442695020e+00, v16;
	v30 =	vadd.f32 v63, v31  }
0x2dd: {  	v31 =	vsub.s32 v14, v26;
	v15 =	vmul.f32 $1.442695020e+00, v15  }
0x2de: {  	v28 =	vld.idx.msk [tilespmem:v28+s15+$0x0], $0xffff;
	vm1 =	vlt.u32 v31, $0x10;
	(erf) = vpow2.f32 v16;
	v16 =	vadd.f32 v30, v29;
	v29 =	vpop (erf)  }
0x2df: {  	v29 =	vnsel vm1, $0x0, v29  }
0x2e0: {  	v16 =	vadd.f32 v29, v16  }
0x2e1: {  	v26 =	vsub.s32 v13, v26  }
0x2e2: {  	(erf) = vpow2.f32 v15;
	vm1 =	vlt.u32 v26, $0x10;
	v26 =	vld.idx.msk [tilespmem:v27+s15+$0x0], $0xffff;
	v15 =	vpop (erf)  }
0x2e3: {  	v27 =	vsub.s32 v14, v28;
	v15 =	vnsel vm1, $0x0, v15  }
0x2e4: {  	vm1 =	vlt.u32 v27, $0x10;
	v15 =	vadd.f32 v16, v15;
	v16 =	vpop (erf)  }
0x2e5: {  	s0 =	simm.s32 $0x0;
	v27 =	vsub.s32 v13, v28;
	v16 =	vnsel vm1, $0x0, v16  }
0x2e6: {  	vm1 =	vlt.u32 v27, $0x10;
	v27 =	vmov s0  }
0x2e7: {  	vm2 =	vcmask $0x3F10;
	v14 =	vsub.s32 v14, v26  }
0x2e8: {  	vm12 =	vmmov $0xf;
	vm13 =	vmmov vm0;
	v15 =	vadd.f32 v16, v15;
	v16 =	vpop (erf)  }
0x2e9: {  	v13 =	vsub.s32 v13, v26;
	v29 =	vor.u32 $0x20, v27;
	v16 =	vnsel vm1, $0x0, v16  }
0x2ea: {  	s31 =	simm.s32 $0x1;
	vm14 =	vmmov vm0;
	vm1 =	vlt.u32 v14, $0x10;
	v14 =	vpop (erf);
	v15 =	vadd.f32 v15, v16  }
0x2eb: {  	v30 =	vmov s31;
	v28 =	vnsel vm12, $0xFFFFFFFF, v20;
	v14 =	vnsel vm1, $0x0, v14;
	v31 =	vld.idx.msk [tilespmem:v27+s15+$0x0], $0xffff  }
0x2ec: {  	vm1 =	vlt.u32 v13, $0x10;
	v13 =	vpop (erf);
	v16 =	vmov s25;
	v14 =	vadd.f32 v14, v15  }
0x2ed: {  	v27 =	vnsel vm12, $0xFFFFFFFF, v19;
	v13 =	vnsel vm1, $0x0, v13;
	vm1 =	vcmask $0x3F20  }
0x2ee: {  	v20 =	vld.idx.msk [tilespmem:v29+s15+$0x0], $0xffff;
	v29 =	vor.u32 $0x20, v30;
	v26 =	vadd.f32 v14, v13;
	v13 =	vsel vm3, v17, v11  }
0x2ef: {  	v15 =	vmov s24;
	v14 =	vsel vm3, v21, v12;
	v13 =	vsel vm1, v13, v22  }
0x2f0: {  	v14 =	vsel vm1, v14, v23;
	vm4 =	veq.s32 v27, v31;
	v13 =	vnsel vm2, s24, v13  }
0x2f1: {  	vm1 =	vmmov vm0;
	v14 =	vnsel vm2, s25, v14;
	v13 =	vadd.s32 v9, v13  }
0x2f2: {  	v19 =	vld.idx.msk [tilespmem:v30+s15+$0x0], $0xffff;
	s24 =	simm.s32 $0x2;
	vm2 =	vmmov vm0;
	v14 =	vadd.s32 v10, v14;
	vm15 =	veq.s32 v13, v31  }
.LBB2_34:
0x2f3: {  	v30 =	vmov s24;
	p4 =	sne.s32 s24, $0x1F;
	s24 =	sadd.s32 $0x1, s24;
	vm5 =	veq.s32 v14, v20;
	vm7 =	veq.s32 v28, v20;
	v20 =	vld.idx.msk [tilespmem:v29+s15+$0x0], $0xffff  }
.Ltmp16:
0x2f4: {  	v29 =	vor.u32 $0x20, v30;
	vm13 =	vmor vm13, vm5;
	vm1 =	vmor vm1, vm7;
	(pc) =	sbr.rel @p4 .LBB2_34-.Ltmp16, $2  }
0x2f5: {  	vm14 =	vmor vm14, vm15;
	vm2 =	vmor vm2, vm4;
	_ =	sdelay $0x2  }
0x2f6: {  	vm15 =	veq.s32 v13, v19;
	vm4 =	veq.s32 v27, v19;
	v19 =	vld.idx.msk [tilespmem:v30+s15+$0x0], $0xffff  }
0x2f7: {  	_ =	sdelay $0x3  }
0x2f8: {  	v29 =	vld.idx.msk [tilespmem:v29+s15+$0x0], $0xffff  }
0x2f9: {  	vm5 =	veq.s32 v28, v20  }
0x2fa: {  	v18 =	vsub.f32 v18, v25;
	vm2 =	vmor vm2, vm4;
	v37 =	vsub.s32 v28, v27  }
0x2fb: {  	s0 =	sld [smem:$0x7F6];
	vm10 =	vcmask $0x300;
	vm8 =	vmneg vm6;
	vm11 =	vcmask $0xB08  }
0x2fc: {  	vm1 =	vmor vm1, vm5;
	vm9 =	vlt.u32 v37, $0x10;
	vm4 =	veq.s32 v27, v19  }
0x2fd: {  	v18 =	vmul.f32 $1.442695020e+00, v18;
	vm5 =	veq.s32 v28, v29;
	vm2 =	vmor vm2, vm4  }
0x2fe: {  	p2 =	seq.s32 s0, $0x1;
	vm4 =	vmmov vm0;
	vm5 =	vmor vm1, vm5;
	vm1 =	vmmov vm0  }
0x2ff: {  	(erf) = vpow2.f32 v18;
	vm4 =	vmneg @p0 vm4;
	vm1 =	vmneg @p2 vm1  }
0x300: {  	vm4 =	vmand vm6, vm4;
	vm5 =	vmand vm9, vm5;
	vm7 =	vmand vm10, vm1  }
0x301: {  	vm9 =	vcmask $0xF0C;
	vm7 =	vmand vm8, vm7;
	vm8 =	vmmov vm0  }
0x302: {  	vm4 =	vmor vm4, vm7;
	vm7 =	vmneg vm11;
	vm8 =	vmneg @p5 vm8  }
0x303: {  	vm4 =	vmand vm7, vm4;
	vm7 =	vmand vm11, vm8;
	vm8 =	vmmov vm0  }
0x304: {  	vm4 =	vmor vm7, vm4;
	vm7 =	vmneg vm9;
	vm8 =	vmneg @p6 vm8  }
0x305: {  	vm2 =	vmand vm2, vm5;
	vm4 =	vmand vm7, vm4;
	vm5 =	vmand vm9, vm8  }
0x306: {  	vm2 =	vmneg vm2;
	vm4 =	vmor vm5, vm4  }
0x307: {  	vm2 =	vmand vm4, vm2  }
0x308: {  	v18 =	vpop (erf);
	vm2 =	vmand vm2, vm12  }
0x309: {  	(xrf2) =	vadd.scan.msk.f32 $0xffff, v26;
	v18 =	vnsel vm2, $0x0, v18  }
0x30a: {  	(xrf2) =	vadd.scan.msk.f32 $0xffff, v18;
	_ =	sdelay $0x1  }
0x30b: {  	(xrf0) =	vadd.scan.msk.s32 $0xffff, v24;
	_ =	sdelay $0x5  }
0x30c: {  	v38, _, _ =	vpop (xrf0)  }
0x30d: {  	(v2sf) =	vpush v38, $0xF;
	v39, _, _ =	vpop (xrf2)  }
0x30e: {  	(v2sf) =	vpush v39, $0xF;
	v40, _, _ =	vpop (xrf2)  }
0x30f: {  	(v2sf) =	vpush v40, $0xF;
	_ =	sdelay $0xc  }
0x310: {  	s24 =	spop (v2sf)  }
0x311: {  	s31 =	spop (v2sf)  }
0x312: {  	s1 =	spop (v2sf)  }
0x313: {  	s25 =	sadd.f32 s1, s31;
	_ =	sdelay $0x1  }
0x314: {  	v41 =	vmov s25  }
0x315: {  	v18 =	vand.u32 $0x7FFFFF, v41  }
0x316: {  	v18 =	vor.u32 $0x3F800000, v18  }
0x317: {  	v18 =	vbroadcast v18, $0x0;
	_ =	sdelay $0x1  }
0x318: {  	s13 =	sld [smem:$0x7F9];
	v42 =	vmul.f32 $5.000000000e-01, v18  }
0x319: {  	vm5 =	vgt.f32 v18, $1.500000000e+00  }
0x31a: {  	v43 =	vsub.s32 v14, v13;
	vm7 =	veq.s32 v13, v19;
	v18 =	vsel vm5, v42, v18  }
0x31b: {  	p0 =	seq.s32 s13, $0x1;
	vm8 =	veq.s32 v14, v29;
	vm9 =	vmmov vm0;
	v24 =	vadd.f32 $1.000000000e+00, v18  }
0x31c: {  	vm9 =	vmneg @p0 vm9;
	vm4 =	vmor vm14, vm15;
	vm2 =	veq.s32 v14, v20  }
0x31d: {  	vm14 =	veq.s32 v14, v16;
	vm2 =	vmor vm13, vm2;
	(erf) = vrcp.f32 v24  }
0x31e: {  	vm15 =	veq.s32 v14, v23;
	vm2 =	vmor vm2, vm8;
	vm8 =	veq.s32 v13, v15  }
0x31f: {  	vm4 =	vmor vm4, vm7;
	vm7 =	vmand vm8, vm14;
	vm8 =	vgt.s32 v13, $0x0  }
0x320: {  	vm1 =	vmand vm1, vm7;
	v44 =	vnsel vm8, $0x0, v13;
	vm8 =	vgt.s32 v14, $0x0  }
0x321: {  	vm7 =	veq.s32 v13, v22;
	v16 =	vmin.u32 v44, $0x1FFF;
	v45 =	vnsel vm8, $0x0, v14  }
0x322: {  	vm13 =	veq.s32 v14, v12;
	vm7 =	vmand vm7, vm15;
	v19 =	vmin.u32 v45, $0x1FFF  }
0x323: {  	vm14 =	veq.s32 v13, v17;
	vm8 =	veq.s32 v13, v11;
	vm7 =	vmand vm9, vm7  }
0x324: {  	s26 =	sld [smem:$0x7FC];
	vm1 =	vmor vm1, vm7;
	vm7 =	vmand vm8, vm13;
	vm8 =	vmmov vm0  }
0x325: {  	vm15 =	vlt.u32 v43, $0x10;
	vm8 =	vmneg @p3 vm8;
	v18 =	vadd.f32 $-1.000000000e+00, v18  }
0x326: {  	vm2 =	vmand vm15, vm2;
	vm7 =	vmand vm8, vm7;
	vm8 =	vmmov vm0;
	v47 =	vld.idx.msk [tilespmem:v16+s2+$0x0], $0xffff;
	v11 =	vpop (erf)  }
0x327: {  	p0 =	seq.s32 s26, $0x1;
	v49 =	vld.idx.msk [tilespmem:v19+s12+$0x0], $0xffff;
	v46 =	vsel vm5, $0x1, v8;
	vm5 =	veq.s32 v14, v21;
	v11 =	vmul.f32 v11, v18  }
0x328: {  	vm8 =	vmneg @p0 vm8;
	vm1 =	vmor vm7, vm1;
	vm5 =	vmand vm14, vm5  }
0x329: {  	(v2sf) =	vpush v46, $0x0;
	vm5 =	vmand vm8, vm5;
	v48 =	vmul.f32 v11, v11  }
0x32a: {  	vm2 =	vmand vm4, vm2;
	vm1 =	vmor vm5, vm1;
	(v2sf) =	vpush v11, $0x0  }
0x32b: {  	vm1 =	vmor vm1, vm2;
	(v2sf) =	vpush v48, $0x0  }
0x32c: {  	vm2 =	vmand vm1, vm12;
	v11 =	vadd.f32 v49, v47  }
0x32d: {  	v50 =	vsel vm2, $0x1, v8  }
0x32e: {  	(xrf0) =	vadd.scan.msk.s32 $0xffff, v50;
	v51 =	vnsel vm2, $0x0, v11  }
0x32f: {  	(xrf2) =	vadd.scan.msk.f32 $0xffff, v51;
	_ =	sdelay $0x1  }
0x330: {  	vm2 =	vcmask $0x1F10  }
0x331: {  	vm2 =	vmand vm1, vm2  }
0x332: {  	v52 =	vsel vm2, $0x1, v8  }
0x333: {  	v53, _, _ =	vpop (xrf0);
	(xrf0) =	vadd.scan.msk.s32 $0xffff, v52;
	_ =	sdelay $0x3  }
0x334: {  	s28 =	spop (v2sf);
	(v2sf) =	vpush v53, $0xF  }
0x335: {  	v55, _, _ =	vpop (xrf2);
	s29 =	spop (v2sf)  }
0x336: {  	v54 =	vnsel vm2, $0x0, v11;
	v56, _, _ =	vpop (xrf0);
	(v2sf) =	vpush v55, $0xF;
	s13 =	spop (v2sf)  }
0x337: {  	(xrf2) =	vadd.scan.msk.f32 $0xffff, v54;
	(v2sf) =	vpush v56, $0xF;
	s26 =	smul.f32 $1.428571490e-01, s13;
	_ =	sdelay $0x1  }
0x338: {  	s26 =	sadd.f32 $2.000000030e-01, s26  }
0x339: {  	vm2 =	vcmask $0x2F20  }
0x33a: {  	vm2 =	vmand vm1, vm2;
	s26 =	smul.f32 s26, s13  }
0x33b: {  	v57 =	vnsel vm2, $0x0, v11  }
0x33c: {  	v58 =	vsel vm2, $0x1, v8;
	(xrf2) =	vadd.scan.msk.f32 $0xffff, v57;
	s26 =	sadd.f32 $3.333333430e-01, s26  }
0x33d: {  	s0 =	simm.s32 $0x1;
	s25 =	sshrl.u32 s25, $0x17;
	p0 =	sne.s32 s28, $0x0;
	(xrf0) =	vadd.scan.msk.s32 $0xffff, v58  }
0x33e: {  	s25 =	sand.u32 $0xFF, s25;
	s0 =	simm.s32 @!p0 $0x0;
	s13 =	smul.f32 s26, s13  }
0x33f: {  	s0 =	sadd.s32 s0, s25;
	s1 =	sadd.f32 s29, s29  }
0x340: {  	s0 =	sadd.s32 $0xFFFFFF81, s0;
	vm1 =	vmand vm1, vm3;
	v60, _, _ =	vpop (xrf2);
	s13 =	sadd.f32 $1.000000000e+00, s13  }
0x341: {  	s31 =	smul.f32 $8.999999760e-01, s22;
	s0 =	scvt.s32.f32 s0;
	v59 =	vsel vm1, $0x1, v8;
	(v2sf) =	vpush v60, $0xF  }
0x342: {  	s25 =	simm.f32 $2.500000040e-02;
	(xrf0) =	vadd.scan.msk.s32 $0xffff, v59;
	s1 =	smul.f32 s13, s1;
	s13 =	spop (v2sf)  }
0x343: {  	s0 =	smul.f32 $6.931471820e-01, s0;
	v61, _, _ =	vpop (xrf0);
	s26 =	simm.f32 $-4.637124240e-01;
	p5 =	seq.s32 s13, $0x4  }
0x344: {  	(v2sf) =	vpush v61, $0xF;
	p0 =	seq.s32 s13, $0x3;
	p4 =	seq.s32 s13, $0x2;
	s30 =	spop (v2sf)  }
0x345: {  	s0 =	sadd.f32 s1, s0;
	s1 =	simm.f32 $-4.637124240e-01;
	s28 =	spop (v2sf)  }
0x346: {  	v62, _, _ =	vpop (xrf2);
	s25 =	simm.s32 @!p5 $0x3DCCCCCD;
	s1 =	simm.s32 @!p5 $0xBEA67146;
	p5 =	seq.s32 s28, $0x4  }
0x347: {  	(v2sf) =	vpush v62, $0xF;
	s25 =	simm.s32 @p0 $0x3D088889;
	s23 =	sadd.f32 s0, s23;
	s1 =	simm.s32 @p0 $0xBEDEB102  }
0x348: {  	v63, _, _ =	vpop (xrf0);
	p1 =	seq.s32 s28, $0x3;
	s26 =	simm.s32 @!p5 $0xBEA67146;
	s1 =	simm.s32 @p4 $0xBEC9EE7F  }
0x349: {  	v11 =	vnsel vm1, $0x0, v11;
	(v2sf) =	vpush v63, $0xF;
	p0 =	seq.s32 s28, $0x2;
	s26 =	simm.s32 @p1 $0xBEDEB102;
	s1 =	sadd.f32 s23, s1  }
0x34a: {  	(xrf2) =	vadd.scan.msk.f32 $0xffff, v11;
	s29 =	smul.f32 $8.999999760e-01, s21;
	s26 =	simm.s32 @p0 $0xBEC9EE7F;
	s21 =	ssub.f32 s23, s21  }
0x34b: {  	s26 =	sadd.f32 s23, s26  }
0x34c: {  	s1 =	ssub.f32 s1, s31  }
0x34d: {  	s25 =	simm.s32 @p4 $0x3D4CCCCD;
	s31 =	ssub.f32 s23, s22  }
0x34e: {  	s0 =	smul.f32 s30, s25;
	s25 =	ssub.f32 s26, s29  }
0x34f: {  	p6 =	por p3, p3;
	s29 =	sld [smem:$0x7F9]  }
0x350: {  	s30 =	spop (v2sf);
	s0 =	ssub.f32 s1, s0;
	s1 =	simm.f32 $2.500000040e-02  }
0x351: {  	s26 =	simm.f32 $-4.637124240e-01;
	s22 =	sadd.f32 $0.0e+00, s31;
	s1 =	simm.s32 @!p5 $0x3DCCCCCD  }
0x352: {  	s31 =	smul.f32 $8.999999760e-01, s19;
	s19 =	ssub.f32 s23, s19;
	s1 =	simm.s32 @p1 $0x3D088889  }
0x353: {  	p1 =	seq.s32 s13, $0x0;
	s13 =	spop (v2sf);
	p4 =	seq.s32 s29, $0x1  }
0x354: {  	v11, _, _ =	vpop (xrf2);
	s1 =	simm.s32 @p0 $0x3D4CCCCD;
	p0 =	sgt.s32 s24, $0x0;
	s0 =	smov.u32 @p1 s22  }
0x355: {  	(v2sf) =	vpush v11, $0xF;
	p1 =	seq.s32 s28, $0x0;
	s1 =	smul.f32 s30, s1;
	p2 =	por !p2, !p0  }
0x356: {  	s28 =	smul.f32 $8.999999760e-01, s20;
	s24 =	spop (v2sf);
	p3 =	por !p2, !p2  }
0x357: {  	p2 =	por !p4, !p0;
	p4 =	seq.s32 s13, $0x3;
	s1 =	ssub.f32 s25, s1  }
0x358: {  	s22 =	spop (v2sf);
	s0 =	simm.s32 @!p3 $0x0;
	p2 =	por !p2, !p2  }
0x359: {  	s25 =	simm.f32 $2.500000040e-02;
	p5 =	seq.s32 s22, $0x4;
	s1 =	smov.u32 @p1 s21  }
0x35a: {  	p1 =	seq.s32 s13, $0x4;
	s21 =	simm.f32 $-4.637124240e-01;
	s26 =	simm.s32 @!p5 $0xBEA67146  }
0x35b: {  	s1 =	simm.s32 @!p2 $0x0;
	s21 =	simm.s32 @!p1 $0xBEA67146;
	s25 =	simm.s32 @!p1 $0x3DCCCCCD  }
0x35c: {  	p1 =	seq.s32 s13, $0x2;
	s21 =	simm.s32 @p4 $0xBEDEB102;
	s0 =	sadd.f32 s1, s0  }
0x35d: {  	s25 =	simm.s32 @p4 $0x3D088889;
	p4 =	seq.s32 s22, $0x3;
	s21 =	simm.s32 @p1 $0xBEC9EE7F  }
0x35e: {  	s25 =	simm.s32 @p1 $0x3D4CCCCD;
	s26 =	simm.s32 @p4 $0xBEDEB102;
	p1 =	seq.s32 s22, $0x2  }
0x35f: {  	s30 =	sadd.f32 s23, s21;
	s25 =	smul.f32 s24, s25;
	s26 =	simm.s32 @p1 $0xBEC9EE7F  }
0x360: {  	s24 =	simm.s32 $0x1;
	s21 =	simm.f32 $2.500000040e-02;
	s26 =	sadd.f32 s23, s26  }
0x361: {  	s24 =	simm.s32 @!p3 $0x0;
	s21 =	simm.s32 @!p5 $0x3DCCCCCD;
	s1 =	ssub.f32 s30, s31  }
0x362: {  	p3 =	seq.s32 s13, $0x0;
	s21 =	simm.s32 @p4 $0x3D088889;
	s31 =	sld [smem:$0x7FC]  }
0x363: {  	p5 =	por !p6, !p0;
	s21 =	simm.s32 @p1 $0x3D4CCCCD;
	s1 =	ssub.f32 s1, s25  }
0x364: {  	s25 =	ssub.f32 s26, s28;
	s26 =	simm.s32 $0x1;
	s29 =	spop (v2sf)  }
0x365: {  	p1 =	por !p5, !p5;
	s26 =	simm.s32 @!p2 $0x0;
	s13 =	smul.f32 s29, s21  }
0x366: {  	p6 =	seq.s32 s31, $0x1;
	s1 =	smov.u32 @p3 s19;
	s19 =	ssub.f32 s23, s20  }
0x367: {  	p2 =	seq.s32 s22, $0x0;
	p0 =	por !p6, !p0;
	s13 =	ssub.f32 s25, s13  }
0x368: {  	s30 =	sadd.s32 s26, s24;
	s1 =	simm.s32 @!p1 $0x0;
	p0 =	por !p0, !p0  }
0x369: {  	s0 =	sadd.f32 s0, s1;
	s1 =	simm.s32 $0x1;
	s13 =	smov.u32 @p2 s19  }
0x36a: {  	s1 =	simm.s32 @!p1 $0x0;
	s19 =	simm.s32 $0x1;
	s13 =	simm.s32 @!p0 $0x0  }
0x36b: {  	s1 =	sadd.s32 s1, s30;
	s19 =	simm.s32 @!p0 $0x0;
	s0 =	sadd.f32 s0, s13  }
0x36c: {  	s1 =	sadd.s32 s19, s1  }
0x36d: {  	s1 =	scvt.s32.f32 s1;
	v11 =	vmov s0  }
0x36e: {  	v11 =	vnsel vm10, $0x0, v11  }
0x36f: {  	s18 =	sadd.s32 $0x1, s18;
	v11 =	vsel vm6, s1, v11  }
0x370: {  	p0 =	sne.s32 s18, s8;
	[tilespmem:$0x4A00] =	vst v11  }
0x371: {  	[hbm4b:s7+s2] =	stream.linear.scatter [tilespmem:s17], [sflag:$0x1], $0x80, $0x38;
	[tilespmem:$0x4A80] =	vst v63  }
.Ltmp17:
0x372: {  	_ = 	snop;
	(pc) =	sbr.rel @p0 .LBB2_1-.Ltmp17, $4  }
.Ltmp18:
0x373: {  	_ = 	snop;
	(pc) =	sbr.rel @!p0 .LBB2_36-.Ltmp18, $4  }
0x374: {  	_ =	swait.ge [sflag:s11], $0x80  }
0x375: {  	[sflag:s11] =	ssyncset.done $0x0  }
0x376: {  	[sflag:s11] =	ssyncadd.s32 $0xFFFFFF80  }
0x377: {  	_ = 	snop  }
.LBB2_7:
.Ltmp19:
0x378: {  	(pc) =	sbr.rel .LBB2_14-.Ltmp19, $2  }
0x379: {  	_ =	sdelay $0x2  }
0x37a: {  	v16 =	vimm.f32 $-Inf;
	v15 =	vimm.f32 $-Inf  }
.LBB2_19:
.Ltmp20:
0x37b: {  	(pc) =	sbr.rel .LBB2_26-.Ltmp20, $2  }
0x37c: {  	_ =	sdelay $0x2  }
0x37d: {  	v16 =	vimm.f32 $-Inf;
	v15 =	vimm.f32 $-Inf  }
.LBB2_9:
.Ltmp21:
0x37e: {  	(pc) =	sbr.rel .LBB2_14-.Ltmp21, $2  }
0x37f: {  	_ =	sdelay $0x2  }
0x380: {  	v16 =	vimm.f32 $-Inf;
	v12 =	vmov v15;
	s21 =	simm.s32 $0x0;
	s20 =	simm.s32 $0x1;
	v15 =	vimm.f32 $-Inf  }
.LBB2_21:
.Ltmp22:
0x381: {  	(pc) =	sbr.rel .LBB2_26-.Ltmp22, $2  }
0x382: {  	_ =	sdelay $0x2  }
0x383: {  	v16 =	vimm.f32 $-Inf;
	v12 =	vmov v15;
	s20 =	simm.s32 $0x0;
	s19 =	simm.s32 $0x1;
	v15 =	vimm.f32 $-Inf  }
.LBB2_11:
.Ltmp23:
0x384: {  	(pc) =	sbr.rel .LBB2_14-.Ltmp23, $2  }
0x385: {  	_ =	sdelay $0x2  }
0x386: {  	v16 =	vimm.f32 $-Inf;
	vm2 =	vmmov vm1  }
.LBB2_23:
.Ltmp24:
0x387: {  	(pc) =	sbr.rel .LBB2_26-.Ltmp24, $2  }
0x388: {  	_ =	sdelay $0x2  }
0x389: {  	v16 =	vimm.f32 $-Inf;
	vm2 =	vmmov vm1  }
.LBB2_36:
0x38a: {  	_ =	sfence.sel $0x180000  }
0x38b: {  	[bflag:$0x0] =	sbarrier.arrive $0xFFFF  }
0x38c: {  	_ =	strace $0x90000047  }
0x38d: {  	s0 =	stileid.u32;
	[bflag:$0x2] =	sbarrier.arrive $0xFFFF  }
0x38e: {  	p0 =	sne.s32 s0, $0x0;
	s0 =	rddreg [dreg:$0x5]  }
0x38f: {  	s0 =	sadd.s32 @!p0 $0x100000, s0  }
0x390: {  	[sflag:s0] =	ssyncadd.tile.s32 @!p0 $0x1;
	_ =	shalt  }
.Lfunc_end2:
_tile_overlayer_lowered:
.L_overlay_start_2:
0x391: {  	(tag) =	ssettag $0x2  }
0x392: {  	s0 =	rddreg [dreg:$0x0];
	s2 =	stileid.u32  }
0x393: {  	s1 =	rddreg [dreg:$0x1];
	p0 =	sne.s32 s2, $0x0  }
0x394: {  	s3 =	rddreg [dreg:$0x2];
	[bflag:$0x3] =	sbarrier.arrive $0xFFFF;
	s2 =	simm.s32 @!p0 $0x1C01  }
0x395: {  	[timem:s3], [sflag:s2] =	dma.local @!p0 [hbm:s0], s1  }
0x396: {  	s0 =	simm.s32 @!p0 $0x1  }
0x397: {  	_ =	swait.ge @!p0 [sflag:s0], s1  }
0x398: {  	s1 =	ssub.s32 @!p0 $0x0, s1;
	[sflag:s0] =	ssyncset.done @!p0 $0x0  }
0x399: {  	[sflag:s0] =	ssyncadd.s32 @!p0 s1  }
0x39a: {  	[bflag:$0x3] =	sbarrier.arrive $0xFFFF  }
0x39b: {  	_ =	shalt  }

</sc_bundles>
